<compile_context>
chip_gen: v7x
topology: tpu7x:2x2x1
jax: 0.10.2.dev20260603
libtpu: 0.0.44.dev20260713+nightly
codegen_flags: <defaults>
</compile_context>

<pallas_src>
import functools

import jax
import jax.numpy as jnp
import numpy as np
from jax import lax
from jax.experimental import pallas as pl
from jax.experimental.pallas import tpu as pltpu
from jax.experimental.pallas import tpu_sc as plsc

P = 96
V = 192
C = 2
K = 27
PLANE = V * V
SLAB = P * P
NW = 32
PPW = V // NW


def _gauss_axis() -> np.ndarray:
    c = (P - 1) / 2.0
    sigma = 0.125 * P
    x = np.arange(P, dtype=np.float64)
    g = np.exp(-0.5 * ((x - c) / sigma) ** 2)
    return g / g.max()


def _upsample_matrix() -> np.ndarray:
    U = np.zeros((P, V), dtype=np.float64)
    for x in range(V):
        s = x / 2.0 - 0.25
        lo = int(np.floor(s))
        f = s - lo
        for idx, w in ((lo, 1.0 - f), (lo + 1, f)):
            if 0 <= idx < P:
                U[idx, x] += w
        U[:, x] /= U[:, x].sum()
    return U


_GN = _gauss_axis()
_GV = np.asarray(_GN, dtype=np.float32)
_HW_WT = np.asarray(np.outer(_GN, _GN).reshape(SLAB), dtype=np.float32)
_U = np.asarray(_upsample_matrix(), dtype=np.float32)


def _sc_body(prows, meta, gvec, acc_out,
             acc0_v, acc1_v, slab_v, meta_v, gv_v, wl, sem0, sem1):
    wid = lax.axis_index("s") * 2 + lax.axis_index("c")
    pltpu.sync_copy(meta, meta_v)
    pltpu.sync_copy(gvec, gv_v.at[pl.ds(0, P)])
    zeros16 = jnp.zeros((16,), jnp.float32)
    gx = [gv_v[pl.ds(16 * xv, 16)] for xv in range(P // 16)]

    def issue(j, buf, sem):
        i = wl[4 * j]
        dz = wl[4 * j + 1]
        pltpu.async_copy(prows.at[i, 0, dz], slab_v.at[buf, 0], sem)
        pltpu.async_copy(prows.at[i, 1, dz], slab_v.at[buf, 1], sem)

    def wait_pair(buf, sem):
        pltpu.make_async_copy(prows.at[0, 0, 0], slab_v.at[buf, 0], sem).wait()
        pltpu.make_async_copy(prows.at[0, 0, 0], slab_v.at[buf, 1], sem).wait()

    def accum(j, buf):
        dz = wl[4 * j + 1]
        hi = wl[4 * j + 2]
        wi = wl[4 * j + 3]
        gd = gv_v[pl.ds(dz, 16)][0]

        @plsc.parallel_loop(0, P, unroll=4)
        def _(y):
            s = gd * gv_v[pl.ds(y, 16)][0]
            ba = (hi + y) * V + wi
            for xv in range(P // 16):
                o = 16 * xv
                w16 = gx[xv] * s
                plsc.addupdate(acc0_v.at[pl.ds(ba + o, 16)],
                               slab_v[buf, 0, y, pl.ds(o, 16)] * w16)
                plsc.addupdate(acc1_v.at[pl.ds(ba + o, 16)],
                               slab_v[buf, 1, y, pl.ds(o, 16)] * w16)

    def plane_body(t, _):
        d = wid + NW * t

        def build(i, n):
            mrow = meta_v[i, :]
            di = mrow[0]
            cover = jnp.logical_and(di <= d, d < di + P)

            @pl.when(cover)
            def _():
                wl[4 * n] = i
                wl[4 * n + 1] = d - di
                wl[4 * n + 2] = mrow[1]
                wl[4 * n + 3] = mrow[2]
            return n + jnp.where(cover, 1, 0)
        n = lax.fori_loop(0, K, build, 0)

        @plsc.parallel_loop(0, PLANE // 16, unroll=8)
        def _(j):
            acc0_v[pl.ds(j * 16, 16)] = zeros16
            acc1_v[pl.ds(j * 16, 16)] = zeros16

        @pl.when(n > 0)
        def _():
            issue(0, 0, sem0)

        def step(j, _):
            @pl.when(j % 2 == 0)
            def _():
                @pl.when(j + 1 < n)
                def _():
                    issue(j + 1, 1, sem1)
                wait_pair(0, sem0)
                accum(j, 0)

            @pl.when(j % 2 == 1)
            def _():
                @pl.when(j + 1 < n)
                def _():
                    issue(j + 1, 0, sem0)
                wait_pair(1, sem1)
                accum(j, 1)
            return 0
        lax.fori_loop(0, n, step, 0)
        pltpu.sync_copy(acc0_v, acc_out.at[d])
        pltpu.sync_copy(acc1_v, acc_out.at[V + d])
        return 0
    lax.fori_loop(0, PPW, plane_body, 0)


def _sc_aggregate(prows, meta):
    mesh = plsc.VectorSubcoreMesh(core_axis_name="c", subcore_axis_name="s")
    f = pl.kernel(
        _sc_body,
        out_type=jax.ShapeDtypeStruct((C * V, PLANE), jnp.float32),
        mesh=mesh,
        scratch_types=[
            pltpu.VMEM((PLANE,), jnp.float32),
            pltpu.VMEM((PLANE,), jnp.float32),
            pltpu.VMEM((2, C, P, P), jnp.float32),
            pltpu.VMEM((K, 16), jnp.int32),
            pltpu.VMEM((P + 16,), jnp.float32),
            pltpu.SMEM((128,), jnp.int32),
            pltpu.SemaphoreType.DMA,
            pltpu.SemaphoreType.DMA,
        ],
    )
    return f(prows, meta, jnp.asarray(_GV))


def _tc_finalize_body(acc_ref, gdt_ref, glob_ref, u_ref, gh_ref, gw_ref,
                      out_ref):
    d = pl.program_id(0)
    k = d // 2
    odd = d % 2
    za = jnp.clip(jnp.where(odd == 0, k - 1, k), 0, P - 1)
    zb = jnp.clip(jnp.where(odd == 0, k, k + 1), 0, P - 1)
    wa = jnp.where(odd == 0, jnp.float32(0.25), jnp.float32(0.75))
    pa = glob_ref[:, pl.ds(za, 1), :, :].reshape(C, P, P)
    pb = glob_ref[:, pl.ds(zb, 1), :, :].reshape(C, P, P)
    pd_ = wa * pa + (1.0 - wa) * pb
    u = u_ref[...]
    tmp = lax.dot_general(pd_, u, (((2,), (0,)), ((), ())),
                          preferred_element_type=jnp.float32)
    ug = lax.dot_general(tmp, u, (((1,), (0,)), ((), ())),
                         preferred_element_type=jnp.float32)
    ug = jnp.swapaxes(ug, 1, 2)
    gdrow = gdt_ref[pl.ds(d, 1), :]
    a = gh_ref[...] * gdrow
    wt = lax.dot_general(a, gw_ref[...], (((1,), (0,)), ((), ())),
                         preferred_element_type=jnp.float32)
    wt = wt.reshape(1, V, V)
    acc = acc_ref[...].reshape(C, V, V)
    res = acc / (wt + 1e-20) + jnp.where(wt > 0.0, 0.0, ug)
    out_ref[...] = res.reshape(C, 1, V, V)


def _tc_finalize(acc, glob, gdt, gh, gw):
    return pl.pallas_call(
        _tc_finalize_body,
        grid=(V,),
        in_specs=[
            pl.BlockSpec((C, 1, V, V), lambda d: (0, d, 0, 0)),
            pl.BlockSpec((V, K), lambda d: (0, 0)),
            pl.BlockSpec((C, P, P, P), lambda d: (0, 0, 0, 0)),
            pl.BlockSpec((P, V), lambda d: (0, 0)),
            pl.BlockSpec((V, K), lambda d: (0, 0)),
            pl.BlockSpec((K, V), lambda d: (0, 0)),
        ],
        out_specs=pl.BlockSpec((C, 1, V, V), lambda d: (0, d, 0, 0)),
        out_shape=jax.ShapeDtypeStruct((C, V, V, V), jnp.float32),
    )(acc, gdt, glob, jnp.asarray(_U), gh, gw)


def kernel(patch_logits, global_logit, slice_meta):
    prows = patch_logits
    meta = jnp.zeros((K, 16), jnp.int32).at[:, :3].set(slice_meta)
    acc = _sc_aggregate(prows, meta)
    ga = jnp.asarray(_GV)
    j = jnp.arange(V)[None, :]
    st = slice_meta.astype(jnp.int32)
    def shifted(s):
        s = s[:, None]
        inb = jnp.logical_and(j >= s, j < s + P)
        return jnp.where(inb, ga[jnp.clip(j - s, 0, P - 1)], 0.0)
    gdm = shifted(st[:, 0])
    gh = shifted(st[:, 1])
    gw = shifted(st[:, 2])
    out = _tc_finalize(acc.reshape(C, V, V, V), global_logit[0],
                       gdm.T, gh.T, gw)
    return out[None]

# --- scband reference (transcript-rebuilt; emitter-appended) ---
"""Pipeline reference for scband-dynamic-patch-aggregator-85418309583422 (READ-ONLY COPY).

The authoritative reference and input builder live on the scoring server;
editing this copy changes nothing except your own understanding.
"""

import jax, jax.numpy as jnp
import numpy as np
from jax import lax

PATCH = (96, 96, 96)
VOL = (192, 192, 192)
NUM_CLASSES = 2
K = 27
B = 1


def _gaussian_importance_map(patch_size, sigma_scale=0.125):
    # Faithful re-implementation of MONAI-style gaussian importance map:
    # separable gaussian centered in the patch, sigma = sigma_scale * dim,
    # normalized so the max is 1, with zeros clamped to the smallest positive value.
    axes = []
    for p in patch_size:
        c = (p - 1) / 2.0
        sigma = sigma_scale * p
        x = np.arange(p, dtype=np.float64)
        axes.append(np.exp(-0.5 * ((x - c) / sigma) ** 2))
    w = axes[0][:, None, None] * axes[1][None, :, None] * axes[2][None, None, :]
    w = w / w.max()
    pos_min = w[w > 0].min()
    w = np.clip(w, pos_min, None)
    return jnp.asarray(w, dtype=jnp.float32)[None, None]  # [1,1,Pd,Ph,Pw]


def setup_inputs(seed: int = 0) -> dict:
    key = jax.random.key(seed)
    k1, k2, k3 = jax.random.split(key, 3)
    patch_logits = jax.random.normal(k1, (K * B, NUM_CLASSES) + PATCH, dtype=jnp.float32)
    global_logit = jax.random.normal(
        k2, (B, NUM_CLASSES, VOL[0] // 2, VOL[1] // 2, VOL[2] // 2), dtype=jnp.float32
    )
    # patch start coordinates, in-range so start + patch <= vol
    slice_meta = jax.random.randint(k3, (K * B, 3), 0, 97, dtype=jnp.int32)
    return {"patch_logits": patch_logits, "global_logit": global_logit, "slice_meta": slice_meta}


def reference(patch_logits, global_logit, slice_meta):
    fixed_wt = _gaussian_importance_map(PATCH)
    final_logit = jnp.zeros((B, NUM_CLASSES) + VOL, dtype=jnp.float32)
    weight_map = jnp.zeros((B, 1) + VOL, dtype=jnp.float32) + 1e-20
    mask = jnp.zeros((B, 1) + VOL, dtype=jnp.float32)
    upsized_global = jax.image.resize(
        global_logit, (B, NUM_CLASSES) + VOL, method="trilinear"
    )  # matches F.interpolate trilinear align_corners=False
    Kp = slice_meta.shape[0] // B
    zero = jnp.zeros((), dtype=slice_meta.dtype)
    ones_patch = jnp.ones((1, 1) + PATCH, dtype=jnp.float32)
    for i in range(slice_meta.shape[0]):
        b = i // Kp
        bb = jnp.asarray(b, dtype=slice_meta.dtype)
        d, h, w = slice_meta[i, 0], slice_meta[i, 1], slice_meta[i, 2]
        cur = lax.dynamic_slice(
            final_logit, (bb, zero, d, h, w), (1, NUM_CLASSES) + PATCH
        )
        final_logit = lax.dynamic_update_slice(
            final_logit, cur + patch_logits[i][None] * fixed_wt, (bb, zero, d, h, w)
        )
        cur_w = lax.dynamic_slice(weight_map, (bb, zero, d, h, w), (1, 1) + PATCH)
        weight_map = lax.dynamic_update_slice(
            weight_map, cur_w + fixed_wt, (bb, zero, d, h, w)
        )
        mask = lax.dynamic_update_slice(mask, ones_patch, (bb, zero, d, h, w))
    final_logit = final_logit / weight_map
    final_logit = final_logit + jnp.where(mask == 1.0, 0.0, upsized_global)
    return final_logit

if __name__ == "__main__":
    import jax
    _d = setup_inputs()
    print(jax.jit(kernel)(*tuple(_d.values())))

</pallas_src>

<mosaic_0001>
#map = affine_map<(d0, d1) -> (0, 0, 0, 0, 0)>
#map1 = affine_map<(d0, d1) -> (0, 0)>
#map2 = affine_map<(d0, d1) -> (0)>
module attributes {stable_mosaic.version = 14 : i64} {
  func.func @_sc_body(%arg0: i32, %arg1: i32, %arg2: memref<27x2x96x96x96xf32, #tpu.memory_space<hbm>>, %arg3: memref<27x16xi32, #tpu.memory_space<hbm>>, %arg4: memref<96xf32, #tpu.memory_space<hbm>>, %arg5: memref<384x36864xf32, #tpu.memory_space<hbm>>, %arg6: memref<36864xf32, #tpu.memory_space<vmem>>, %arg7: memref<36864xf32, #tpu.memory_space<vmem>>, %arg8: memref<2x2x96x96xf32, #tpu.memory_space<vmem>>, %arg9: memref<27x16xi32, #tpu.memory_space<vmem>>, %arg10: memref<112xf32, #tpu.memory_space<vmem>>, %arg11: memref<128xi32, #tpu.memory_space<smem>>, %arg12: memref<!tpu.dma_semaphore, #tpu.memory_space<semaphore_mem>>, %arg13: memref<!tpu.dma_semaphore, #tpu.memory_space<semaphore_mem>>) attributes {dimension_semantics = [#tpu.dimension_semantics<core_parallel>, #tpu.dimension_semantics<subcore_parallel>], iteration_bounds = array<i64: 2, 16>, scalar_prefetch = 0 : i64, scratch_operands = 8 : i64, tpu.core_type = #tpu.core_type<sc_vector_subcore>, window_params = [{transform_indices = #map}, {transform_indices = #map1}, {transform_indices = #map2}, {transform_indices = #map1}]} {
    %mul3A = arith.constant 2 : i32
    %mul3A_0 = arith.muli %arg1, %mul3A : i32
    %add3A = arith.addi %mul3A_0, %arg0 : i32
    "tpu.region"() ({
      %run_scoped3A = tpu.sem_alloc : memref<!tpu.dma_semaphore, #tpu.memory_space<semaphore_mem>>
      tpu.enqueue_dma source(%arg3 : memref<27x16xi32, #tpu.memory_space<hbm>>) target(%arg9 : memref<27x16xi32, #tpu.memory_space<vmem>>) target_semaphore(%run_scoped3A : memref<!tpu.dma_semaphore, #tpu.memory_space<semaphore_mem>>)
      tpu.wait_dma2 semaphore(%run_scoped3A : memref<!tpu.dma_semaphore, #tpu.memory_space<semaphore_mem>>) src(%arg3 : memref<27x16xi32, #tpu.memory_space<hbm>>) dst(%arg9 : memref<27x16xi32, #tpu.memory_space<vmem>>)
      tpu.yield
    }) : () -> ()
    "tpu.region"() ({
      %run_scoped3A = tpu.sem_alloc : memref<!tpu.dma_semaphore, #tpu.memory_space<semaphore_mem>>
      %dma_start3A = arith.constant 0 : i32
      %dma_start3A_25 = tpu.memref_slice %arg10[%dma_start3A] : memref<112xf32, #tpu.memory_space<vmem>> -> memref<96xf32, #tpu.memory_space<vmem>>
      %dma_start3A_26 = arith.constant 0 : i32
      %dma_start3A_27 = tpu.memref_slice %arg10[%dma_start3A_26] : memref<112xf32, #tpu.memory_space<vmem>> -> memref<96xf32, #tpu.memory_space<vmem>>
      tpu.enqueue_dma source(%arg4 : memref<96xf32, #tpu.memory_space<hbm>>) target(%dma_start3A_27 : memref<96xf32, #tpu.memory_space<vmem>>) target_semaphore(%run_scoped3A : memref<!tpu.dma_semaphore, #tpu.memory_space<semaphore_mem>>)
      %dma_wait3A = arith.constant 0 : i32
      %dma_wait3A_28 = tpu.memref_slice %arg10[%dma_wait3A] : memref<112xf32, #tpu.memory_space<vmem>> -> memref<96xf32, #tpu.memory_space<vmem>>
      %dma_wait3A_29 = arith.constant 0 : i32
      %dma_wait3A_30 = tpu.memref_slice %arg10[%dma_wait3A_29] : memref<112xf32, #tpu.memory_space<vmem>> -> memref<96xf32, #tpu.memory_space<vmem>>
      tpu.wait_dma2 semaphore(%run_scoped3A : memref<!tpu.dma_semaphore, #tpu.memory_space<semaphore_mem>>) src(%arg4 : memref<96xf32, #tpu.memory_space<hbm>>) dst(%dma_wait3A_30 : memref<96xf32, #tpu.memory_space<vmem>>)
      tpu.yield
    }) : () -> ()
    %broadcast_in_dim3A = arith.constant 0.000000e+00 : f32
    %broadcast_in_dim3A_1 = vector.broadcast %broadcast_in_dim3A : f32 to vector<16xf32>
    %get3A = arith.constant 0 : index
    %get3A_2 = tpu.vector_load %arg10[%get3A] {strides = array<i32>} : memref<112xf32, #tpu.memory_space<vmem>>, vector<16xf32>,
    %get3A_3 = vector.shape_cast %get3A_2 : vector<16xf32> to vector<16xf32>
    %get3A_4 = arith.constant 16 : index
    %get3A_5 = tpu.vector_load %arg10[%get3A_4] {strides = array<i32>} : memref<112xf32, #tpu.memory_space<vmem>>, vector<16xf32>,
    %get3A_6 = vector.shape_cast %get3A_5 : vector<16xf32> to vector<16xf32>
    %get3A_7 = arith.constant 32 : index
    %get3A_8 = tpu.vector_load %arg10[%get3A_7] {strides = array<i32>} : memref<112xf32, #tpu.memory_space<vmem>>, vector<16xf32>,
    %get3A_9 = vector.shape_cast %get3A_8 : vector<16xf32> to vector<16xf32>
    %get3A_10 = arith.constant 48 : index
    %get3A_11 = tpu.vector_load %arg10[%get3A_10] {strides = array<i32>} : memref<112xf32, #tpu.memory_space<vmem>>, vector<16xf32>,
    %get3A_12 = vector.shape_cast %get3A_11 : vector<16xf32> to vector<16xf32>
    %get3A_13 = arith.constant 64 : index
    %get3A_14 = tpu.vector_load %arg10[%get3A_13] {strides = array<i32>} : memref<112xf32, #tpu.memory_space<vmem>>, vector<16xf32>,
    %get3A_15 = vector.shape_cast %get3A_14 : vector<16xf32> to vector<16xf32>
    %get3A_16 = arith.constant 80 : index
    %get3A_17 = tpu.vector_load %arg10[%get3A_16] {strides = array<i32>} : memref<112xf32, #tpu.memory_space<vmem>>, vector<16xf32>,
    %get3A_18 = vector.shape_cast %get3A_17 : vector<16xf32> to vector<16xf32>
    %scan3A = arith.constant 0 : i32
    %scan3A_19 = arith.constant 0 : i32
    %scan3A_20 = arith.constant 6 : i32
    %scan3A_21 = arith.addi %scan3A_19, %scan3A_20 : i32
    %scan3A_22 = arith.constant 1 : i32
    %scan3A_23 = scf.for %scan3A_25 = %scan3A_19 to %scan3A_21 step %scan3A_22 iter_args(%scan3A_26 = %scan3A) -> (i32)  : i32 {
      %mul3A_27 = arith.constant 32 : i32
      %mul3A_28 = arith.muli %mul3A_27, %scan3A_25 : i32
      %add3A_29 = arith.addi %add3A, %mul3A_28 : i32
      %scan3A_30 = arith.constant 0 : i32
      %scan3A_31 = arith.constant 0 : i32
      %scan3A_32 = arith.constant 27 : i32
      %scan3A_33 = arith.addi %scan3A_31, %scan3A_32 : i32
      %scan3A_34 = arith.constant 1 : i32
      %scan3A_35 = scf.for %scan3A_55 = %scan3A_31 to %scan3A_33 step %scan3A_34 iter_args(%scan3A_56 = %scan3A_30) -> (i32)  : i32 {
        %get3A_57 = arith.index_cast %scan3A_55 : i32 to index
        %get3A_58 = arith.constant 0 : index
        %get3A_59 = tpu.vector_load %arg9[%get3A_57, %get3A_58] {strides = array<i32>} : memref<27x16xi32, #tpu.memory_space<vmem>>, vector<1x16xi32>,
        %get3A_60 = vector.shape_cast %get3A_59 : vector<1x16xi32> to vector<16xi32>
        %slice3A = vector.extract_strided_slice %get3A_60 {offsets = [0], sizes = [1], strides = [1]} : vector<16xi32> to vector<1xi32>
        %squeeze3A = vector.extract %slice3A[0] : i32 from vector<1xi32>
        %le3A = arith.cmpi sle, %squeeze3A, %add3A_29 : i32
        %add3A_61 = arith.constant 96 : i32
        %add3A_62 = arith.addi %squeeze3A, %add3A_61 : i32
        %lt3A = arith.cmpi slt, %add3A_29, %add3A_62 : i32
        %and3A = arith.andi %le3A, %lt3A : i1
        %convert_element_type3A_63 = arith.extui %and3A : i1 to i32
        %cond3A_64 = arith.constant 0 : i32
        %cond3A_65 = arith.cmpi ne, %convert_element_type3A_63, %cond3A_64 : i32
        scf.if %cond3A_65 {
          %mul3A_68 = arith.constant 4 : i32
          %mul3A_69 = arith.muli %mul3A_68, %scan3A_56 : i32
          %swap3A = arith.index_cast %mul3A_69 : i32 to index
          %swap3A_70 = memref.load %arg11[%swap3A] : memref<128xi32, #tpu.memory_space<smem>>
          memref.store %scan3A_55, %arg11[%swap3A] : memref<128xi32, #tpu.memory_space<smem>>
          %sub3A = arith.subi %add3A_29, %squeeze3A : i32
          %mul3A_71 = arith.constant 4 : i32
          %mul3A_72 = arith.muli %mul3A_71, %scan3A_56 : i32
          %add3A_73 = arith.constant 1 : i32
          %add3A_74 = arith.addi %mul3A_72, %add3A_73 : i32
          %swap3A_75 = arith.index_cast %add3A_74 : i32 to index
          %swap3A_76 = memref.load %arg11[%swap3A_75] : memref<128xi32, #tpu.memory_space<smem>>
          memref.store %sub3A, %arg11[%swap3A_75] : memref<128xi32, #tpu.memory_space<smem>>
          %slice3A_77 = vector.extract_strided_slice %get3A_60 {offsets = [1], sizes = [1], strides = [1]} : vector<16xi32> to vector<1xi32>
          %squeeze3A_78 = vector.extract %slice3A_77[0] : i32 from vector<1xi32>
          %mul3A_79 = arith.constant 4 : i32
          %mul3A_80 = arith.muli %mul3A_79, %scan3A_56 : i32
          %add3A_81 = arith.constant 2 : i32
          %add3A_82 = arith.addi %mul3A_80, %add3A_81 : i32
          %swap3A_83 = arith.index_cast %add3A_82 : i32 to index
          %swap3A_84 = memref.load %arg11[%swap3A_83] : memref<128xi32, #tpu.memory_space<smem>>
          memref.store %squeeze3A_78, %arg11[%swap3A_83] : memref<128xi32, #tpu.memory_space<smem>>
          %slice3A_85 = vector.extract_strided_slice %get3A_60 {offsets = [2], sizes = [1], strides = [1]} : vector<16xi32> to vector<1xi32>
          %squeeze3A_86 = vector.extract %slice3A_85[0] : i32 from vector<1xi32>
          %mul3A_87 = arith.constant 4 : i32
          %mul3A_88 = arith.muli %mul3A_87, %scan3A_56 : i32
          %add3A_89 = arith.constant 3 : i32
          %add3A_90 = arith.addi %mul3A_88, %add3A_89 : i32
          %swap3A_91 = arith.index_cast %add3A_90 : i32 to index
          %swap3A_92 = memref.load %arg11[%swap3A_91] : memref<128xi32, #tpu.memory_space<smem>>
          memref.store %squeeze3A_86, %arg11[%swap3A_91] : memref<128xi32, #tpu.memory_space<smem>>
        } else {
        }
        %jit3A = arith.constant 1 : i32
        %jit3A_66 = arith.constant 0 : i32
        %select_n3A = arith.select %and3A, %jit3A, %jit3A_66 : i32
        %add3A_67 = arith.addi %scan3A_56, %select_n3A : i32
        scf.yield %add3A_67 : i32
      }
      %scan3A_36 = arith.constant 27 : i32
      %parallel_loop3A = arith.constant 0 : i32
      %parallel_loop3A_37 = arith.constant 2304 : i32
      %parallel_loop3A_38 = arith.constant 1 : i32
      scf.for %parallel_loop3A_55 = %parallel_loop3A to %parallel_loop3A_37 step %parallel_loop3A_38  : i32 {
        %parallel_loop3A_56 = arith.constant 16 : i32
        %parallel_loop3A_57 = arith.muli %parallel_loop3A_55, %parallel_loop3A_56 : i32
        %parallel_loop3A_58 = arith.index_cast %parallel_loop3A_57 : i32 to index
        %parallel_loop3A_59 = tpu.vector_load %arg6[%parallel_loop3A_58] {strides = array<i32>} : memref<36864xf32, #tpu.memory_space<vmem>>, vector<16xf32>,
        %parallel_loop3A_60 = vector.shape_cast %parallel_loop3A_59 : vector<16xf32> to vector<16xf32>
        %parallel_loop3A_61 = vector.shape_cast %broadcast_in_dim3A_1 : vector<16xf32> to vector<16xf32>
        tpu.vector_store %arg6[%parallel_loop3A_58], %parallel_loop3A_61 {strides = array<i32>} : memref<36864xf32, #tpu.memory_space<vmem>>, vector<16xf32>,
        %parallel_loop3A_62 = arith.constant 16 : i32
        %parallel_loop3A_63 = arith.muli %parallel_loop3A_55, %parallel_loop3A_62 : i32
        %parallel_loop3A_64 = arith.index_cast %parallel_loop3A_63 : i32 to index
        %parallel_loop3A_65 = tpu.vector_load %arg7[%parallel_loop3A_64] {strides = array<i32>} : memref<36864xf32, #tpu.memory_space<vmem>>, vector<16xf32>,
        %parallel_loop3A_66 = vector.shape_cast %parallel_loop3A_65 : vector<16xf32> to vector<16xf32>
        %parallel_loop3A_67 = vector.shape_cast %broadcast_in_dim3A_1 : vector<16xf32> to vector<16xf32>
        tpu.vector_store %arg7[%parallel_loop3A_64], %parallel_loop3A_67 {strides = array<i32>} : memref<36864xf32, #tpu.memory_space<vmem>>, vector<16xf32>,
      } {sc.loop_unroll_factor = 8 : i64, sc.parallel_access}
      %gt3A = arith.constant 0 : i32
      %gt3A_39 = arith.cmpi sgt, %scan3A_35, %gt3A : i32
      %convert_element_type3A = arith.extui %gt3A_39 : i1 to i32
      %cond3A = arith.constant 0 : i32
      %cond3A_40 = arith.cmpi ne, %convert_element_type3A, %cond3A : i32
      scf.if %cond3A_40 {
        %get3A_55 = arith.constant 0 : i32
        %get3A_56 = arith.index_cast %get3A_55 : i32 to index
        %get3A_57 = memref.load %arg11[%get3A_56] : memref<128xi32, #tpu.memory_space<smem>>
        %get3A_58 = arith.constant 1 : i32
        %get3A_59 = arith.index_cast %get3A_58 : i32 to index
        %get3A_60 = memref.load %arg11[%get3A_59] : memref<128xi32, #tpu.memory_space<smem>>
        %dma_start3A = arith.constant 0 : i32
        %dma_start3A_61 = arith.constant 0 : i32
        %dma_start3A_62 = arith.constant 0 : i32
        %dma_start3A_63 = arith.constant 0 : i32
        %dma_start3A_64 = arith.constant 0 : i32
        %dma_start3A_65 = tpu.memref_slice %arg8[%dma_start3A_61, %dma_start3A_62, %dma_start3A_63, %dma_start3A_64] : memref<2x2x96x96xf32, #tpu.memory_space<vmem>> -> memref<1x1x96x96xf32, #tpu.memory_space<vmem>>
        %dma_start3A_66 = tpu.memref_squeeze %dma_start3A_65 : memref<1x1x96x96xf32, #tpu.memory_space<vmem>> -> memref<96x96xf32, #tpu.memory_space<vmem>>
        %dma_start3A_67 = arith.constant 0 : i32
        %dma_start3A_68 = arith.constant 0 : i32
        %dma_start3A_69 = tpu.memref_slice %arg2[%get3A_57, %dma_start3A, %get3A_60, %dma_start3A_67, %dma_start3A_68] : memref<27x2x96x96x96xf32, #tpu.memory_space<hbm>> -> memref<1x1x1x96x96xf32, #tpu.memory_space<hbm>>
        %dma_start3A_70 = tpu.memref_squeeze %dma_start3A_69 : memref<1x1x1x96x96xf32, #tpu.memory_space<hbm>> -> memref<96x96xf32, #tpu.memory_space<hbm>>
        %dma_start3A_71 = arith.constant 0 : i32
        %dma_start3A_72 = arith.constant 0 : i32
        %dma_start3A_73 = tpu.memref_slice %arg8[%dma_start3A_61, %dma_start3A_62, %dma_start3A_71, %dma_start3A_72] : memref<2x2x96x96xf32, #tpu.memory_space<vmem>> -> memref<1x1x96x96xf32, #tpu.memory_space<vmem>>
        %dma_start3A_74 = tpu.memref_squeeze %dma_start3A_73 : memref<1x1x96x96xf32, #tpu.memory_space<vmem>> -> memref<96x96xf32, #tpu.memory_space<vmem>>
        %dma_start3A_75 = arith.constant 0 : i32
        %dma_start3A_76 = arith.constant 0 : i32
        %dma_start3A_77 = tpu.memref_slice %arg2[%get3A_57, %dma_start3A, %get3A_60, %dma_start3A_75, %dma_start3A_76] : memref<27x2x96x96x96xf32, #tpu.memory_space<hbm>> -> memref<1x1x1x96x96xf32, #tpu.memory_space<hbm>>
        %dma_start3A_78 = tpu.memref_squeeze %dma_start3A_77 : memref<1x1x1x96x96xf32, #tpu.memory_space<hbm>> -> memref<96x96xf32, #tpu.memory_space<hbm>>
        tpu.enqueue_dma source(%dma_start3A_78 : memref<96x96xf32, #tpu.memory_space<hbm>>) target(%dma_start3A_74 : memref<96x96xf32, #tpu.memory_space<vmem>>) target_semaphore(%arg12 : memref<!tpu.dma_semaphore, #tpu.memory_space<semaphore_mem>>)
        %dma_start3A_79 = arith.constant 1 : i32
        %dma_start3A_80 = arith.constant 0 : i32
        %dma_start3A_81 = arith.constant 1 : i32
        %dma_start3A_82 = arith.constant 0 : i32
        %dma_start3A_83 = arith.constant 0 : i32
        %dma_start3A_84 = tpu.memref_slice %arg8[%dma_start3A_80, %dma_start3A_81, %dma_start3A_82, %dma_start3A_83] : memref<2x2x96x96xf32, #tpu.memory_space<vmem>> -> memref<1x1x96x96xf32, #tpu.memory_space<vmem>>
        %dma_start3A_85 = tpu.memref_squeeze %dma_start3A_84 : memref<1x1x96x96xf32, #tpu.memory_space<vmem>> -> memref<96x96xf32, #tpu.memory_space<vmem>>
        %dma_start3A_86 = arith.constant 0 : i32
        %dma_start3A_87 = arith.constant 0 : i32
        %dma_start3A_88 = tpu.memref_slice %arg2[%get3A_57, %dma_start3A_79, %get3A_60, %dma_start3A_86, %dma_start3A_87] : memref<27x2x96x96x96xf32, #tpu.memory_space<hbm>> -> memref<1x1x1x96x96xf32, #tpu.memory_space<hbm>>
        %dma_start3A_89 = tpu.memref_squeeze %dma_start3A_88 : memref<1x1x1x96x96xf32, #tpu.memory_space<hbm>> -> memref<96x96xf32, #tpu.memory_space<hbm>>
        %dma_start3A_90 = arith.constant 0 : i32
        %dma_start3A_91 = arith.constant 0 : i32
        %dma_start3A_92 = tpu.memref_slice %arg8[%dma_start3A_80, %dma_start3A_81, %dma_start3A_90, %dma_start3A_91] : memref<2x2x96x96xf32, #tpu.memory_space<vmem>> -> memref<1x1x96x96xf32, #tpu.memory_space<vmem>>
        %dma_start3A_93 = tpu.memref_squeeze %dma_start3A_92 : memref<1x1x96x96xf32, #tpu.memory_space<vmem>> -> memref<96x96xf32, #tpu.memory_space<vmem>>
        %dma_start3A_94 = arith.constant 0 : i32
        %dma_start3A_95 = arith.constant 0 : i32
        %dma_start3A_96 = tpu.memref_slice %arg2[%get3A_57, %dma_start3A_79, %get3A_60, %dma_start3A_94, %dma_start3A_95] : memref<27x2x96x96x96xf32, #tpu.memory_space<hbm>> -> memref<1x1x1x96x96xf32, #tpu.memory_space<hbm>>
        %dma_start3A_97 = tpu.memref_squeeze %dma_start3A_96 : memref<1x1x1x96x96xf32, #tpu.memory_space<hbm>> -> memref<96x96xf32, #tpu.memory_space<hbm>>
        tpu.enqueue_dma source(%dma_start3A_97 : memref<96x96xf32, #tpu.memory_space<hbm>>) target(%dma_start3A_93 : memref<96x96xf32, #tpu.memory_space<vmem>>) target_semaphore(%arg12 : memref<!tpu.dma_semaphore, #tpu.memory_space<semaphore_mem>>)
      } else {
      }
      %while3A = arith.constant 0 : i32
      %while3A_41 = arith.constant 0 : i32
      %while3A_42 = arith.subi %scan3A_35, %while3A : i32
      %while3A_43 = arith.addi %while3A, %while3A_42 : i32
      %while3A_44 = arith.constant 1 : i32
      %while3A_45 = arith.divsi %while3A_42, %while3A_44 : i32
      %while3A_46 = arith.muli %while3A_45, %while3A_44 : i32
      %while3A_47 = arith.addi %while3A, %while3A_46 : i32
      %while3A_48 = arith.constant 1 : i32
      %while3A_49 = scf.for %while3A_55 = %while3A to %while3A_47 step %while3A_48 iter_args(%while3A_56 = %while3A_41) -> (i32)  : i32 {
        %jit3A = arith.constant 2 : i32
        %eq3A = arith.constant 0 : i32
        %eq3A_57 = arith.cmpi eq, %jit3A, %eq3A : i32
        %jit3A_58 = arith.constant 1 : i32
        %select_n3A = arith.select %eq3A_57, %jit3A_58, %jit3A : i32
        %rem3A = arith.remsi %while3A_55, %select_n3A : i32
        %ne3A = arith.constant 0 : i32
        %ne3A_59 = arith.cmpi ne, %rem3A, %ne3A : i32
        %lt3A = arith.constant 0 : i32
        %lt3A_60 = arith.cmpi slt, %rem3A, %lt3A : i32
        %lt3A_61 = arith.constant 0 : i32
        %lt3A_62 = arith.cmpi slt, %select_n3A, %lt3A_61 : i32
        %ne3A_63 = arith.xori %lt3A_60, %lt3A_62 : i1
        %and3A = arith.andi %ne3A_63, %ne3A_59 : i1
        %add3A_64 = arith.addi %rem3A, %select_n3A : i32
        %select_n3A_65 = arith.select %and3A, %add3A_64, %rem3A : i32
        %eq3A_66 = arith.constant 0 : i32
        %eq3A_67 = arith.cmpi eq, %select_n3A_65, %eq3A_66 : i32
        %convert_element_type3A_68 = arith.extui %eq3A_67 : i1 to i32
        %cond3A_69 = arith.constant 0 : i32
        %cond3A_70 = arith.cmpi ne, %convert_element_type3A_68, %cond3A_69 : i32
        scf.if %cond3A_70 {
          %add3A_93 = arith.constant 1 : i32
          %add3A_94 = arith.addi %while3A_55, %add3A_93 : i32
          %lt3A_95 = arith.cmpi slt, %add3A_94, %scan3A_35 : i32
          %convert_element_type3A_96 = arith.extui %lt3A_95 : i1 to i32
          %cond3A_97 = arith.constant 0 : i32
          %cond3A_98 = arith.cmpi ne, %convert_element_type3A_96, %cond3A_97 : i32
          scf.if %cond3A_98 {
            %add3A_164 = arith.constant 1 : i32
            %add3A_165 = arith.addi %while3A_55, %add3A_164 : i32
            %mul3A_166 = arith.constant 4 : i32
            %mul3A_167 = arith.muli %mul3A_166, %add3A_165 : i32
            %get3A_168 = arith.index_cast %mul3A_167 : i32 to index
            %get3A_169 = memref.load %arg11[%get3A_168] : memref<128xi32, #tpu.memory_space<smem>>
            %mul3A_170 = arith.constant 4 : i32
            %mul3A_171 = arith.muli %mul3A_170, %add3A_165 : i32
            %add3A_172 = arith.constant 1 : i32
            %add3A_173 = arith.addi %mul3A_171, %add3A_172 : i32
            %get3A_174 = arith.index_cast %add3A_173 : i32 to index
            %get3A_175 = memref.load %arg11[%get3A_174] : memref<128xi32, #tpu.memory_space<smem>>
            %dma_start3A = arith.constant 0 : i32
            %dma_start3A_176 = arith.constant 1 : i32
            %dma_start3A_177 = arith.constant 0 : i32
            %dma_start3A_178 = arith.constant 0 : i32
            %dma_start3A_179 = arith.constant 0 : i32
            %dma_start3A_180 = tpu.memref_slice %arg8[%dma_start3A_176, %dma_start3A_177, %dma_start3A_178, %dma_start3A_179] : memref<2x2x96x96xf32, #tpu.memory_space<vmem>> -> memref<1x1x96x96xf32, #tpu.memory_space<vmem>>
            %dma_start3A_181 = tpu.memref_squeeze %dma_start3A_180 : memref<1x1x96x96xf32, #tpu.memory_space<vmem>> -> memref<96x96xf32, #tpu.memory_space<vmem>>
            %dma_start3A_182 = arith.constant 0 : i32
            %dma_start3A_183 = arith.constant 0 : i32
            %dma_start3A_184 = tpu.memref_slice %arg2[%get3A_169, %dma_start3A, %get3A_175, %dma_start3A_182, %dma_start3A_183] : memref<27x2x96x96x96xf32, #tpu.memory_space<hbm>> -> memref<1x1x1x96x96xf32, #tpu.memory_space<hbm>>
            %dma_start3A_185 = tpu.memref_squeeze %dma_start3A_184 : memref<1x1x1x96x96xf32, #tpu.memory_space<hbm>> -> memref<96x96xf32, #tpu.memory_space<hbm>>
            %dma_start3A_186 = arith.constant 0 : i32
            %dma_start3A_187 = arith.constant 0 : i32
            %dma_start3A_188 = tpu.memref_slice %arg8[%dma_start3A_176, %dma_start3A_177, %dma_start3A_186, %dma_start3A_187] : memref<2x2x96x96xf32, #tpu.memory_space<vmem>> -> memref<1x1x96x96xf32, #tpu.memory_space<vmem>>
            %dma_start3A_189 = tpu.memref_squeeze %dma_start3A_188 : memref<1x1x96x96xf32, #tpu.memory_space<vmem>> -> memref<96x96xf32, #tpu.memory_space<vmem>>
            %dma_start3A_190 = arith.constant 0 : i32
            %dma_start3A_191 = arith.constant 0 : i32
            %dma_start3A_192 = tpu.memref_slice %arg2[%get3A_169, %dma_start3A, %get3A_175, %dma_start3A_190, %dma_start3A_191] : memref<27x2x96x96x96xf32, #tpu.memory_space<hbm>> -> memref<1x1x1x96x96xf32, #tpu.memory_space<hbm>>
            %dma_start3A_193 = tpu.memref_squeeze %dma_start3A_192 : memref<1x1x1x96x96xf32, #tpu.memory_space<hbm>> -> memref<96x96xf32, #tpu.memory_space<hbm>>
            tpu.enqueue_dma source(%dma_start3A_193 : memref<96x96xf32, #tpu.memory_space<hbm>>) target(%dma_start3A_189 : memref<96x96xf32, #tpu.memory_space<vmem>>) target_semaphore(%arg13 : memref<!tpu.dma_semaphore, #tpu.memory_space<semaphore_mem>>)
            %dma_start3A_194 = arith.constant 1 : i32
            %dma_start3A_195 = arith.constant 1 : i32
            %dma_start3A_196 = arith.constant 1 : i32
            %dma_start3A_197 = arith.constant 0 : i32
            %dma_start3A_198 = arith.constant 0 : i32
            %dma_start3A_199 = tpu.memref_slice %arg8[%dma_start3A_195, %dma_start3A_196, %dma_start3A_197, %dma_start3A_198] : memref<2x2x96x96xf32, #tpu.memory_space<vmem>> -> memref<1x1x96x96xf32, #tpu.memory_space<vmem>>
            %dma_start3A_200 = tpu.memref_squeeze %dma_start3A_199 : memref<1x1x96x96xf32, #tpu.memory_space<vmem>> -> memref<96x96xf32, #tpu.memory_space<vmem>>
            %dma_start3A_201 = arith.constant 0 : i32
            %dma_start3A_202 = arith.constant 0 : i32
            %dma_start3A_203 = tpu.memref_slice %arg2[%get3A_169, %dma_start3A_194, %get3A_175, %dma_start3A_201, %dma_start3A_202] : memref<27x2x96x96x96xf32, #tpu.memory_space<hbm>> -> memref<1x1x1x96x96xf32, #tpu.memory_space<hbm>>
            %dma_start3A_204 = tpu.memref_squeeze %dma_start3A_203 : memref<1x1x1x96x96xf32, #tpu.memory_space<hbm>> -> memref<96x96xf32, #tpu.memory_space<hbm>>
            %dma_start3A_205 = arith.constant 0 : i32
            %dma_start3A_206 = arith.constant 0 : i32
            %dma_start3A_207 = tpu.memref_slice %arg8[%dma_start3A_195, %dma_start3A_196, %dma_start3A_205, %dma_start3A_206] : memref<2x2x96x96xf32, #tpu.memory_space<vmem>> -> memref<1x1x96x96xf32, #tpu.memory_space<vmem>>
            %dma_start3A_208 = tpu.memref_squeeze %dma_start3A_207 : memref<1x1x96x96xf32, #tpu.memory_space<vmem>> -> memref<96x96xf32, #tpu.memory_space<vmem>>
            %dma_start3A_209 = arith.constant 0 : i32
            %dma_start3A_210 = arith.constant 0 : i32
            %dma_start3A_211 = tpu.memref_slice %arg2[%get3A_169, %dma_start3A_194, %get3A_175, %dma_start3A_209, %dma_start3A_210] : memref<27x2x96x96x96xf32, #tpu.memory_space<hbm>> -> memref<1x1x1x96x96xf32, #tpu.memory_space<hbm>>
            %dma_start3A_212 = tpu.memref_squeeze %dma_start3A_211 : memref<1x1x1x96x96xf32, #tpu.memory_space<hbm>> -> memref<96x96xf32, #tpu.memory_space<hbm>>
            tpu.enqueue_dma source(%dma_start3A_212 : memref<96x96xf32, #tpu.memory_space<hbm>>) target(%dma_start3A_208 : memref<96x96xf32, #tpu.memory_space<vmem>>) target_semaphore(%arg13 : memref<!tpu.dma_semaphore, #tpu.memory_space<semaphore_mem>>)
          } else {
          }
          %dma_wait3A = arith.constant 0 : i32
          %dma_wait3A_99 = arith.constant 0 : i32
          %dma_wait3A_100 = arith.constant 0 : i32
          %dma_wait3A_101 = arith.constant 0 : i32
          %dma_wait3A_102 = arith.constant 0 : i32
          %dma_wait3A_103 = arith.constant 0 : i32
          %dma_wait3A_104 = arith.constant 0 : i32
          %dma_wait3A_105 = tpu.memref_slice %arg8[%dma_wait3A_101, %dma_wait3A_102, %dma_wait3A_103, %dma_wait3A_104] : memref<2x2x96x96xf32, #tpu.memory_space<vmem>> -> memref<1x1x96x96xf32, #tpu.memory_space<vmem>>
          %dma_wait3A_106 = tpu.memref_squeeze %dma_wait3A_105 : memref<1x1x96x96xf32, #tpu.memory_space<vmem>> -> memref<96x96xf32, #tpu.memory_space<vmem>>
          %dma_wait3A_107 = arith.constant 0 : i32
          %dma_wait3A_108 = arith.constant 0 : i32
          %dma_wait3A_109 = tpu.memref_slice %arg2[%dma_wait3A, %dma_wait3A_99, %dma_wait3A_100, %dma_wait3A_107, %dma_wait3A_108] : memref<27x2x96x96x96xf32, #tpu.memory_space<hbm>> -> memref<1x1x1x96x96xf32, #tpu.memory_space<hbm>>
          %dma_wait3A_110 = tpu.memref_squeeze %dma_wait3A_109 : memref<1x1x1x96x96xf32, #tpu.memory_space<hbm>> -> memref<96x96xf32, #tpu.memory_space<hbm>>
          %dma_wait3A_111 = arith.constant 0 : i32
          %dma_wait3A_112 = arith.constant 0 : i32
          %dma_wait3A_113 = tpu.memref_slice %arg8[%dma_wait3A_101, %dma_wait3A_102, %dma_wait3A_111, %dma_wait3A_112] : memref<2x2x96x96xf32, #tpu.memory_space<vmem>> -> memref<1x1x96x96xf32, #tpu.memory_space<vmem>>
          %dma_wait3A_114 = tpu.memref_squeeze %dma_wait3A_113 : memref<1x1x96x96xf32, #tpu.memory_space<vmem>> -> memref<96x96xf32, #tpu.memory_space<vmem>>
          %dma_wait3A_115 = arith.constant 0 : i32
          %dma_wait3A_116 = arith.constant 0 : i32
          %dma_wait3A_117 = tpu.memref_slice %arg2[%dma_wait3A, %dma_wait3A_99, %dma_wait3A_100, %dma_wait3A_115, %dma_wait3A_116] : memref<27x2x96x96x96xf32, #tpu.memory_space<hbm>> -> memref<1x1x1x96x96xf32, #tpu.memory_space<hbm>>
          %dma_wait3A_118 = tpu.memref_squeeze %dma_wait3A_117 : memref<1x1x1x96x96xf32, #tpu.memory_space<hbm>> -> memref<96x96xf32, #tpu.memory_space<hbm>>
          tpu.wait_dma2 semaphore(%arg12 : memref<!tpu.dma_semaphore, #tpu.memory_space<semaphore_mem>>) src(%dma_wait3A_118 : memref<96x96xf32, #tpu.memory_space<hbm>>) dst(%dma_wait3A_114 : memref<96x96xf32, #tpu.memory_space<vmem>>)
          %dma_wait3A_119 = arith.constant 0 : i32
          %dma_wait3A_120 = arith.constant 0 : i32
          %dma_wait3A_121 = arith.constant 0 : i32
          %dma_wait3A_122 = arith.constant 0 : i32
          %dma_wait3A_123 = arith.constant 1 : i32
          %dma_wait3A_124 = arith.constant 0 : i32
          %dma_wait3A_125 = arith.constant 0 : i32
          %dma_wait3A_126 = tpu.memref_slice %arg8[%dma_wait3A_122, %dma_wait3A_123, %dma_wait3A_124, %dma_wait3A_125] : memref<2x2x96x96xf32, #tpu.memory_space<vmem>> -> memref<1x1x96x96xf32, #tpu.memory_space<vmem>>
          %dma_wait3A_127 = tpu.memref_squeeze %dma_wait3A_126 : memref<1x1x96x96xf32, #tpu.memory_space<vmem>> -> memref<96x96xf32, #tpu.memory_space<vmem>>
          %dma_wait3A_128 = arith.constant 0 : i32
          %dma_wait3A_129 = arith.constant 0 : i32
          %dma_wait3A_130 = tpu.memref_slice %arg2[%dma_wait3A_119, %dma_wait3A_120, %dma_wait3A_121, %dma_wait3A_128, %dma_wait3A_129] : memref<27x2x96x96x96xf32, #tpu.memory_space<hbm>> -> memref<1x1x1x96x96xf32, #tpu.memory_space<hbm>>
          %dma_wait3A_131 = tpu.memref_squeeze %dma_wait3A_130 : memref<1x1x1x96x96xf32, #tpu.memory_space<hbm>> -> memref<96x96xf32, #tpu.memory_space<hbm>>
          %dma_wait3A_132 = arith.constant 0 : i32
          %dma_wait3A_133 = arith.constant 0 : i32
          %dma_wait3A_134 = tpu.memref_slice %arg8[%dma_wait3A_122, %dma_wait3A_123, %dma_wait3A_132, %dma_wait3A_133] : memref<2x2x96x96xf32, #tpu.memory_space<vmem>> -> memref<1x1x96x96xf32, #tpu.memory_space<vmem>>
          %dma_wait3A_135 = tpu.memref_squeeze %dma_wait3A_134 : memref<1x1x96x96xf32, #tpu.memory_space<vmem>> -> memref<96x96xf32, #tpu.memory_space<vmem>>
          %dma_wait3A_136 = arith.constant 0 : i32
          %dma_wait3A_137 = arith.constant 0 : i32
          %dma_wait3A_138 = tpu.memref_slice %arg2[%dma_wait3A_119, %dma_wait3A_120, %dma_wait3A_121, %dma_wait3A_136, %dma_wait3A_137] : memref<27x2x96x96x96xf32, #tpu.memory_space<hbm>> -> memref<1x1x1x96x96xf32, #tpu.memory_space<hbm>>
          %dma_wait3A_139 = tpu.memref_squeeze %dma_wait3A_138 : memref<1x1x1x96x96xf32, #tpu.memory_space<hbm>> -> memref<96x96xf32, #tpu.memory_space<hbm>>
          tpu.wait_dma2 semaphore(%arg12 : memref<!tpu.dma_semaphore, #tpu.memory_space<semaphore_mem>>) src(%dma_wait3A_139 : memref<96x96xf32, #tpu.memory_space<hbm>>) dst(%dma_wait3A_135 : memref<96x96xf32, #tpu.memory_space<vmem>>)
          %mul3A_140 = arith.constant 4 : i32
          %mul3A_141 = arith.muli %mul3A_140, %while3A_55 : i32
          %add3A_142 = arith.constant 1 : i32
          %add3A_143 = arith.addi %mul3A_141, %add3A_142 : i32
          %get3A_144 = arith.index_cast %add3A_143 : i32 to index
          %get3A_145 = memref.load %arg11[%get3A_144] : memref<128xi32, #tpu.memory_space<smem>>
          %mul3A_146 = arith.constant 4 : i32
          %mul3A_147 = arith.muli %mul3A_146, %while3A_55 : i32
          %add3A_148 = arith.constant 2 : i32
          %add3A_149 = arith.addi %mul3A_147, %add3A_148 : i32
          %get3A_150 = arith.index_cast %add3A_149 : i32 to index
          %get3A_151 = memref.load %arg11[%get3A_150] : memref<128xi32, #tpu.memory_space<smem>>
          %mul3A_152 = arith.constant 4 : i32
          %mul3A_153 = arith.muli %mul3A_152, %while3A_55 : i32
          %add3A_154 = arith.constant 3 : i32
          %add3A_155 = arith.addi %mul3A_153, %add3A_154 : i32
          %get3A_156 = arith.index_cast %add3A_155 : i32 to index
          %get3A_157 = memref.load %arg11[%get3A_156] : memref<128xi32, #tpu.memory_space<smem>>
          %get3A_158 = arith.index_cast %get3A_145 : i32 to index
          %get3A_159 = tpu.vector_load %arg10[%get3A_158] {strides = array<i32>} : memref<112xf32, #tpu.memory_space<vmem>>, vector<16xf32>,
          %get3A_160 = vector.shape_cast %get3A_159 : vector<16xf32> to vector<16xf32>
          %slice3A = vector.extract_strided_slice %get3A_160 {offsets = [0], sizes = [1], strides = [1]} : vector<16xf32> to vector<1xf32>
          %squeeze3A = vector.extract %slice3A[0] : f32 from vector<1xf32>
          %parallel_loop3A_161 = arith.constant 0 : i32
          %parallel_loop3A_162 = arith.constant 96 : i32
          %parallel_loop3A_163 = arith.constant 1 : i32
          scf.for %parallel_loop3A_164 = %parallel_loop3A_161 to %parallel_loop3A_162 step %parallel_loop3A_163  : i32 {
            %parallel_loop3A_165 = arith.index_cast %parallel_loop3A_164 : i32 to index
            %parallel_loop3A_166 = tpu.vector_load %arg10[%parallel_loop3A_165] {strides = array<i32>} : memref<112xf32, #tpu.memory_space<vmem>>, vector<16xf32>,
            %parallel_loop3A_167 = vector.shape_cast %parallel_loop3A_166 : vector<16xf32> to vector<16xf32>
            %parallel_loop3A_168 = vector.extract_strided_slice %parallel_loop3A_167 {offsets = [0], sizes = [1], strides = [1]} : vector<16xf32> to vector<1xf32>
            %parallel_loop3A_169 = vector.extract %parallel_loop3A_168[0] : f32 from vector<1xf32>
            %parallel_loop3A_170 = arith.mulf %squeeze3A, %parallel_loop3A_169 : f32
            %parallel_loop3A_171 = arith.addi %get3A_151, %parallel_loop3A_164 : i32
            %parallel_loop3A_172 = arith.constant 192 : i32
            %parallel_loop3A_173 = arith.muli %parallel_loop3A_171, %parallel_loop3A_172 : i32
            %parallel_loop3A_174 = arith.addi %parallel_loop3A_173, %get3A_157 : i32
            %parallel_loop3A_175 = vector.broadcast %parallel_loop3A_170 : f32 to vector<16xf32>
            %parallel_loop3A_176 = arith.mulf %get3A_3, %parallel_loop3A_175 : vector<16xf32>
            %parallel_loop3A_177 = arith.constant 0 : i32
            %parallel_loop3A_178 = arith.addi %parallel_loop3A_174, %parallel_loop3A_177 : i32
            %parallel_loop3A_179 = arith.constant 0 : i32
            %parallel_loop3A_180 = arith.constant 0 : i32
            %parallel_loop3A_181 = arith.index_cast %parallel_loop3A_179 : i32 to index
            %parallel_loop3A_182 = arith.index_cast %parallel_loop3A_180 : i32 to index
            %parallel_loop3A_183 = arith.index_cast %parallel_loop3A_164 : i32 to index
            %parallel_loop3A_184 = arith.constant 0 : index
            %parallel_loop3A_185 = tpu.vector_load %arg8[%parallel_loop3A_181, %parallel_loop3A_182, %parallel_loop3A_183, %parallel_loop3A_184] {strides = array<i32>} : memref<2x2x96x96xf32, #tpu.memory_space<vmem>>, vector<1x1x1x16xf32>,
            %parallel_loop3A_186 = vector.shape_cast %parallel_loop3A_185 : vector<1x1x1x16xf32> to vector<16xf32>
            %parallel_loop3A_187 = arith.mulf %parallel_loop3A_186, %parallel_loop3A_176 : vector<16xf32>
            %parallel_loop3A_188 = arith.index_cast %parallel_loop3A_178 : i32 to index
            %parallel_loop3A_189 = tpu.vector_load %arg6[%parallel_loop3A_188] {strides = array<i32>} : memref<36864xf32, #tpu.memory_space<vmem>>, vector<16xf32>,
            %parallel_loop3A_190 = vector.shape_cast %parallel_loop3A_189 : vector<16xf32> to vector<16xf32>
            %parallel_loop3A_191 = vector.shape_cast %parallel_loop3A_187 : vector<16xf32> to vector<16xf32>
            tpu.vector_store %arg6[%parallel_loop3A_188], %parallel_loop3A_191 {add = true, strides = array<i32>} : memref<36864xf32, #tpu.memory_space<vmem>>, vector<16xf32>,
            %parallel_loop3A_192 = arith.constant 0 : i32
            %parallel_loop3A_193 = arith.addi %parallel_loop3A_174, %parallel_loop3A_192 : i32
            %parallel_loop3A_194 = arith.constant 0 : i32
            %parallel_loop3A_195 = arith.constant 1 : i32
            %parallel_loop3A_196 = arith.index_cast %parallel_loop3A_194 : i32 to index
            %parallel_loop3A_197 = arith.index_cast %parallel_loop3A_195 : i32 to index
            %parallel_loop3A_198 = arith.index_cast %parallel_loop3A_164 : i32 to index
            %parallel_loop3A_199 = arith.constant 0 : index
            %parallel_loop3A_200 = tpu.vector_load %arg8[%parallel_loop3A_196, %parallel_loop3A_197, %parallel_loop3A_198, %parallel_loop3A_199] {strides = array<i32>} : memref<2x2x96x96xf32, #tpu.memory_space<vmem>>, vector<1x1x1x16xf32>,
            %parallel_loop3A_201 = vector.shape_cast %parallel_loop3A_200 : vector<1x1x1x16xf32> to vector<16xf32>
            %parallel_loop3A_202 = arith.mulf %parallel_loop3A_201, %parallel_loop3A_176 : vector<16xf32>
            %parallel_loop3A_203 = arith.index_cast %parallel_loop3A_193 : i32 to index
            %parallel_loop3A_204 = tpu.vector_load %arg7[%parallel_loop3A_203] {strides = array<i32>} : memref<36864xf32, #tpu.memory_space<vmem>>, vector<16xf32>,
            %parallel_loop3A_205 = vector.shape_cast %parallel_loop3A_204 : vector<16xf32> to vector<16xf32>
            %parallel_loop3A_206 = vector.shape_cast %parallel_loop3A_202 : vector<16xf32> to vector<16xf32>
            tpu.vector_store %arg7[%parallel_loop3A_203], %parallel_loop3A_206 {add = true, strides = array<i32>} : memref<36864xf32, #tpu.memory_space<vmem>>, vector<16xf32>,
            %parallel_loop3A_207 = vector.broadcast %parallel_loop3A_170 : f32 to vector<16xf32>
            %parallel_loop3A_208 = arith.mulf %get3A_6, %parallel_loop3A_207 : vector<16xf32>
            %parallel_loop3A_209 = arith.constant 16 : i32
            %parallel_loop3A_210 = arith.addi %parallel_loop3A_174, %parallel_loop3A_209 : i32
            %parallel_loop3A_211 = arith.constant 0 : i32
            %parallel_loop3A_212 = arith.constant 0 : i32
            %parallel_loop3A_213 = arith.index_cast %parallel_loop3A_211 : i32 to index
            %parallel_loop3A_214 = arith.index_cast %parallel_loop3A_212 : i32 to index
            %parallel_loop3A_215 = arith.index_cast %parallel_loop3A_164 : i32 to index
            %parallel_loop3A_216 = arith.constant 16 : index
            %parallel_loop3A_217 = tpu.vector_load %arg8[%parallel_loop3A_213, %parallel_loop3A_214, %parallel_loop3A_215, %parallel_loop3A_216] {strides = array<i32>} : memref<2x2x96x96xf32, #tpu.memory_space<vmem>>, vector<1x1x1x16xf32>,
            %parallel_loop3A_218 = vector.shape_cast %parallel_loop3A_217 : vector<1x1x1x16xf32> to vector<16xf32>
            %parallel_loop3A_219 = arith.mulf %parallel_loop3A_218, %parallel_loop3A_208 : vector<16xf32>
            %parallel_loop3A_220 = arith.index_cast %parallel_loop3A_210 : i32 to index
            %parallel_loop3A_221 = tpu.vector_load %arg6[%parallel_loop3A_220] {strides = array<i32>} : memref<36864xf32, #tpu.memory_space<vmem>>, vector<16xf32>,
            %parallel_loop3A_222 = vector.shape_cast %parallel_loop3A_221 : vector<16xf32> to vector<16xf32>
            %parallel_loop3A_223 = vector.shape_cast %parallel_loop3A_219 : vector<16xf32> to vector<16xf32>
            tpu.vector_store %arg6[%parallel_loop3A_220], %parallel_loop3A_223 {add = true, strides = array<i32>} : memref<36864xf32, #tpu.memory_space<vmem>>, vector<16xf32>,
            %parallel_loop3A_224 = arith.constant 16 : i32
            %parallel_loop3A_225 = arith.addi %parallel_loop3A_174, %parallel_loop3A_224 : i32
            %parallel_loop3A_226 = arith.constant 0 : i32
            %parallel_loop3A_227 = arith.constant 1 : i32
            %parallel_loop3A_228 = arith.index_cast %parallel_loop3A_226 : i32 to index
            %parallel_loop3A_229 = arith.index_cast %parallel_loop3A_227 : i32 to index
            %parallel_loop3A_230 = arith.index_cast %parallel_loop3A_164 : i32 to index
            %parallel_loop3A_231 = arith.constant 16 : index
            %parallel_loop3A_232 = tpu.vector_load %arg8[%parallel_loop3A_228, %parallel_loop3A_229, %parallel_loop3A_230, %parallel_loop3A_231] {strides = array<i32>} : memref<2x2x96x96xf32, #tpu.memory_space<vmem>>, vector<1x1x1x16xf32>,
            %parallel_loop3A_233 = vector.shape_cast %parallel_loop3A_232 : vector<1x1x1x16xf32> to vector<16xf32>
            %parallel_loop3A_234 = arith.mulf %parallel_loop3A_233, %parallel_loop3A_208 : vector<16xf32>
            %parallel_loop3A_235 = arith.index_cast %parallel_loop3A_225 : i32 to index
            %parallel_loop3A_236 = tpu.vector_load %arg7[%parallel_loop3A_235] {strides = array<i32>} : memref<36864xf32, #tpu.memory_space<vmem>>, vector<16xf32>,
            %parallel_loop3A_237 = vector.shape_cast %parallel_loop3A_236 : vector<16xf32> to vector<16xf32>
            %parallel_loop3A_238 = vector.shape_cast %parallel_loop3A_234 : vector<16xf32> to vector<16xf32>
            tpu.vector_store %arg7[%parallel_loop3A_235], %parallel_loop3A_238 {add = true, strides = array<i32>} : memref<36864xf32, #tpu.memory_space<vmem>>, vector<16xf32>,
            %parallel_loop3A_239 = vector.broadcast %parallel_loop3A_170 : f32 to vector<16xf32>
            %parallel_loop3A_240 = arith.mulf %get3A_9, %parallel_loop3A_239 : vector<16xf32>
            %parallel_loop3A_241 = arith.constant 32 : i32
            %parallel_loop3A_242 = arith.addi %parallel_loop3A_174, %parallel_loop3A_241 : i32
            %parallel_loop3A_243 = arith.constant 0 : i32
            %parallel_loop3A_244 = arith.constant 0 : i32
            %parallel_loop3A_245 = arith.index_cast %parallel_loop3A_243 : i32 to index
            %parallel_loop3A_246 = arith.index_cast %parallel_loop3A_244 : i32 to index
            %parallel_loop3A_247 = arith.index_cast %parallel_loop3A_164 : i32 to index
            %parallel_loop3A_248 = arith.constant 32 : index
            %parallel_loop3A_249 = tpu.vector_load %arg8[%parallel_loop3A_245, %parallel_loop3A_246, %parallel_loop3A_247, %parallel_loop3A_248] {strides = array<i32>} : memref<2x2x96x96xf32, #tpu.memory_space<vmem>>, vector<1x1x1x16xf32>,
            %parallel_loop3A_250 = vector.shape_cast %parallel_loop3A_249 : vector<1x1x1x16xf32> to vector<16xf32>
            %parallel_loop3A_251 = arith.mulf %parallel_loop3A_250, %parallel_loop3A_240 : vector<16xf32>
            %parallel_loop3A_252 = arith.index_cast %parallel_loop3A_242 : i32 to index
            %parallel_loop3A_253 = tpu.vector_load %arg6[%parallel_loop3A_252] {strides = array<i32>} : memref<36864xf32, #tpu.memory_space<vmem>>, vector<16xf32>,
            %parallel_loop3A_254 = vector.shape_cast %parallel_loop3A_253 : vector<16xf32> to vector<16xf32>
            %parallel_loop3A_255 = vector.shape_cast %parallel_loop3A_251 : vector<16xf32> to vector<16xf32>
            tpu.vector_store %arg6[%parallel_loop3A_252], %parallel_loop3A_255 {add = true, strides = array<i32>} : memref<36864xf32, #tpu.memory_space<vmem>>, vector<16xf32>,
            %parallel_loop3A_256 = arith.constant 32 : i32
            %parallel_loop3A_257 = arith.addi %parallel_loop3A_174, %parallel_loop3A_256 : i32
            %parallel_loop3A_258 = arith.constant 0 : i32
            %parallel_loop3A_259 = arith.constant 1 : i32
            %parallel_loop3A_260 = arith.index_cast %parallel_loop3A_258 : i32 to index
            %parallel_loop3A_261 = arith.index_cast %parallel_loop3A_259 : i32 to index
            %parallel_loop3A_262 = arith.index_cast %parallel_loop3A_164 : i32 to index
            %parallel_loop3A_263 = arith.constant 32 : index
            %parallel_loop3A_264 = tpu.vector_load %arg8[%parallel_loop3A_260, %parallel_loop3A_261, %parallel_loop3A_262, %parallel_loop3A_263] {strides = array<i32>} : memref<2x2x96x96xf32, #tpu.memory_space<vmem>>, vector<1x1x1x16xf32>,
            %parallel_loop3A_265 = vector.shape_cast %parallel_loop3A_264 : vector<1x1x1x16xf32> to vector<16xf32>
            %parallel_loop3A_266 = arith.mulf %parallel_loop3A_265, %parallel_loop3A_240 : vector<16xf32>
            %parallel_loop3A_267 = arith.index_cast %parallel_loop3A_257 : i32 to index
            %parallel_loop3A_268 = tpu.vector_load %arg7[%parallel_loop3A_267] {strides = array<i32>} : memref<36864xf32, #tpu.memory_space<vmem>>, vector<16xf32>,
            %parallel_loop3A_269 = vector.shape_cast %parallel_loop3A_268 : vector<16xf32> to vector<16xf32>
            %parallel_loop3A_270 = vector.shape_cast %parallel_loop3A_266 : vector<16xf32> to vector<16xf32>
            tpu.vector_store %arg7[%parallel_loop3A_267], %parallel_loop3A_270 {add = true, strides = array<i32>} : memref<36864xf32, #tpu.memory_space<vmem>>, vector<16xf32>,
            %parallel_loop3A_271 = vector.broadcast %parallel_loop3A_170 : f32 to vector<16xf32>
            %parallel_loop3A_272 = arith.mulf %get3A_12, %parallel_loop3A_271 : vector<16xf32>
            %parallel_loop3A_273 = arith.constant 48 : i32
            %parallel_loop3A_274 = arith.addi %parallel_loop3A_174, %parallel_loop3A_273 : i32
            %parallel_loop3A_275 = arith.constant 0 : i32
            %parallel_loop3A_276 = arith.constant 0 : i32
            %parallel_loop3A_277 = arith.index_cast %parallel_loop3A_275 : i32 to index
            %parallel_loop3A_278 = arith.index_cast %parallel_loop3A_276 : i32 to index
            %parallel_loop3A_279 = arith.index_cast %parallel_loop3A_164 : i32 to index
            %parallel_loop3A_280 = arith.constant 48 : index
            %parallel_loop3A_281 = tpu.vector_load %arg8[%parallel_loop3A_277, %parallel_loop3A_278, %parallel_loop3A_279, %parallel_loop3A_280] {strides = array<i32>} : memref<2x2x96x96xf32, #tpu.memory_space<vmem>>, vector<1x1x1x16xf32>,
            %parallel_loop3A_282 = vector.shape_cast %parallel_loop3A_281 : vector<1x1x1x16xf32> to vector<16xf32>
            %parallel_loop3A_283 = arith.mulf %parallel_loop3A_282, %parallel_loop3A_272 : vector<16xf32>
            %parallel_loop3A_284 = arith.index_cast %parallel_loop3A_274 : i32 to index
            %parallel_loop3A_285 = tpu.vector_load %arg6[%parallel_loop3A_284] {strides = array<i32>} : memref<36864xf32, #tpu.memory_space<vmem>>, vector<16xf32>,
            %parallel_loop3A_286 = vector.shape_cast %parallel_loop3A_285 : vector<16xf32> to vector<16xf32>
            %parallel_loop3A_287 = vector.shape_cast %parallel_loop3A_283 : vector<16xf32> to vector<16xf32>
            tpu.vector_store %arg6[%parallel_loop3A_284], %parallel_loop3A_287 {add = true, strides = array<i32>} : memref<36864xf32, #tpu.memory_space<vmem>>, vector<16xf32>,
            %parallel_loop3A_288 = arith.constant 48 : i32
            %parallel_loop3A_289 = arith.addi %parallel_loop3A_174, %parallel_loop3A_288 : i32
            %parallel_loop3A_290 = arith.constant 0 : i32
            %parallel_loop3A_291 = arith.constant 1 : i32
            %parallel_loop3A_292 = arith.index_cast %parallel_loop3A_290 : i32 to index
            %parallel_loop3A_293 = arith.index_cast %parallel_loop3A_291 : i32 to index
            %parallel_loop3A_294 = arith.index_cast %parallel_loop3A_164 : i32 to index
            %parallel_loop3A_295 = arith.constant 48 : index
            %parallel_loop3A_296 = tpu.vector_load %arg8[%parallel_loop3A_292, %parallel_loop3A_293, %parallel_loop3A_294, %parallel_loop3A_295] {strides = array<i32>} : memref<2x2x96x96xf32, #tpu.memory_space<vmem>>, vector<1x1x1x16xf32>,
            %parallel_loop3A_297 = vector.shape_cast %parallel_loop3A_296 : vector<1x1x1x16xf32> to vector<16xf32>
            %parallel_loop3A_298 = arith.mulf %parallel_loop3A_297, %parallel_loop3A_272 : vector<16xf32>
            %parallel_loop3A_299 = arith.index_cast %parallel_loop3A_289 : i32 to index
            %parallel_loop3A_300 = tpu.vector_load %arg7[%parallel_loop3A_299] {strides = array<i32>} : memref<36864xf32, #tpu.memory_space<vmem>>, vector<16xf32>,
            %parallel_loop3A_301 = vector.shape_cast %parallel_loop3A_300 : vector<16xf32> to vector<16xf32>
            %parallel_loop3A_302 = vector.shape_cast %parallel_loop3A_298 : vector<16xf32> to vector<16xf32>
            tpu.vector_store %arg7[%parallel_loop3A_299], %parallel_loop3A_302 {add = true, strides = array<i32>} : memref<36864xf32, #tpu.memory_space<vmem>>, vector<16xf32>,
            %parallel_loop3A_303 = vector.broadcast %parallel_loop3A_170 : f32 to vector<16xf32>
            %parallel_loop3A_304 = arith.mulf %get3A_15, %parallel_loop3A_303 : vector<16xf32>
            %parallel_loop3A_305 = arith.constant 64 : i32
            %parallel_loop3A_306 = arith.addi %parallel_loop3A_174, %parallel_loop3A_305 : i32
            %parallel_loop3A_307 = arith.constant 0 : i32
            %parallel_loop3A_308 = arith.constant 0 : i32
            %parallel_loop3A_309 = arith.index_cast %parallel_loop3A_307 : i32 to index
            %parallel_loop3A_310 = arith.index_cast %parallel_loop3A_308 : i32 to index
            %parallel_loop3A_311 = arith.index_cast %parallel_loop3A_164 : i32 to index
            %parallel_loop3A_312 = arith.constant 64 : index
            %parallel_loop3A_313 = tpu.vector_load %arg8[%parallel_loop3A_309, %parallel_loop3A_310, %parallel_loop3A_311, %parallel_loop3A_312] {strides = array<i32>} : memref<2x2x96x96xf32, #tpu.memory_space<vmem>>, vector<1x1x1x16xf32>,
            %parallel_loop3A_314 = vector.shape_cast %parallel_loop3A_313 : vector<1x1x1x16xf32> to vector<16xf32>
            %parallel_loop3A_315 = arith.mulf %parallel_loop3A_314, %parallel_loop3A_304 : vector<16xf32>
            %parallel_loop3A_316 = arith.index_cast %parallel_loop3A_306 : i32 to index
            %parallel_loop3A_317 = tpu.vector_load %arg6[%parallel_loop3A_316] {strides = array<i32>} : memref<36864xf32, #tpu.memory_space<vmem>>, vector<16xf32>,
            %parallel_loop3A_318 = vector.shape_cast %parallel_loop3A_317 : vector<16xf32> to vector<16xf32>
            %parallel_loop3A_319 = vector.shape_cast %parallel_loop3A_315 : vector<16xf32> to vector<16xf32>
            tpu.vector_store %arg6[%parallel_loop3A_316], %parallel_loop3A_319 {add = true, strides = array<i32>} : memref<36864xf32, #tpu.memory_space<vmem>>, vector<16xf32>,
            %parallel_loop3A_320 = arith.constant 64 : i32
            %parallel_loop3A_321 = arith.addi %parallel_loop3A_174, %parallel_loop3A_320 : i32
            %parallel_loop3A_322 = arith.constant 0 : i32
            %parallel_loop3A_323 = arith.constant 1 : i32
            %parallel_loop3A_324 = arith.index_cast %parallel_loop3A_322 : i32 to index
            %parallel_loop3A_325 = arith.index_cast %parallel_loop3A_323 : i32 to index
            %parallel_loop3A_326 = arith.index_cast %parallel_loop3A_164 : i32 to index
            %parallel_loop3A_327 = arith.constant 64 : index
            %parallel_loop3A_328 = tpu.vector_load %arg8[%parallel_loop3A_324, %parallel_loop3A_325, %parallel_loop3A_326, %parallel_loop3A_327] {strides = array<i32>} : memref<2x2x96x96xf32, #tpu.memory_space<vmem>>, vector<1x1x1x16xf32>,
            %parallel_loop3A_329 = vector.shape_cast %parallel_loop3A_328 : vector<1x1x1x16xf32> to vector<16xf32>
            %parallel_loop3A_330 = arith.mulf %parallel_loop3A_329, %parallel_loop3A_304 : vector<16xf32>
            %parallel_loop3A_331 = arith.index_cast %parallel_loop3A_321 : i32 to index
            %parallel_loop3A_332 = tpu.vector_load %arg7[%parallel_loop3A_331] {strides = array<i32>} : memref<36864xf32, #tpu.memory_space<vmem>>, vector<16xf32>,
            %parallel_loop3A_333 = vector.shape_cast %parallel_loop3A_332 : vector<16xf32> to vector<16xf32>
            %parallel_loop3A_334 = vector.shape_cast %parallel_loop3A_330 : vector<16xf32> to vector<16xf32>
            tpu.vector_store %arg7[%parallel_loop3A_331], %parallel_loop3A_334 {add = true, strides = array<i32>} : memref<36864xf32, #tpu.memory_space<vmem>>, vector<16xf32>,
            %parallel_loop3A_335 = vector.broadcast %parallel_loop3A_170 : f32 to vector<16xf32>
            %parallel_loop3A_336 = arith.mulf %get3A_18, %parallel_loop3A_335 : vector<16xf32>
            %parallel_loop3A_337 = arith.constant 80 : i32
            %parallel_loop3A_338 = arith.addi %parallel_loop3A_174, %parallel_loop3A_337 : i32
            %parallel_loop3A_339 = arith.constant 0 : i32
            %parallel_loop3A_340 = arith.constant 0 : i32
            %parallel_loop3A_341 = arith.index_cast %parallel_loop3A_339 : i32 to index
            %parallel_loop3A_342 = arith.index_cast %parallel_loop3A_340 : i32 to index
            %parallel_loop3A_343 = arith.index_cast %parallel_loop3A_164 : i32 to index
            %parallel_loop3A_344 = arith.constant 80 : index
            %parallel_loop3A_345 = tpu.vector_load %arg8[%parallel_loop3A_341, %parallel_loop3A_342, %parallel_loop3A_343, %parallel_loop3A_344] {strides = array<i32>} : memref<2x2x96x96xf32, #tpu.memory_space<vmem>>, vector<1x1x1x16xf32>,
            %parallel_loop3A_346 = vector.shape_cast %parallel_loop3A_345 : vector<1x1x1x16xf32> to vector<16xf32>
            %parallel_loop3A_347 = arith.mulf %parallel_loop3A_346, %parallel_loop3A_336 : vector<16xf32>
            %parallel_loop3A_348 = arith.index_cast %parallel_loop3A_338 : i32 to index
            %parallel_loop3A_349 = tpu.vector_load %arg6[%parallel_loop3A_348] {strides = array<i32>} : memref<36864xf32, #tpu.memory_space<vmem>>, vector<16xf32>,
            %parallel_loop3A_350 = vector.shape_cast %parallel_loop3A_349 : vector<16xf32> to vector<16xf32>
            %parallel_loop3A_351 = vector.shape_cast %parallel_loop3A_347 : vector<16xf32> to vector<16xf32>
            tpu.vector_store %arg6[%parallel_loop3A_348], %parallel_loop3A_351 {add = true, strides = array<i32>} : memref<36864xf32, #tpu.memory_space<vmem>>, vector<16xf32>,
            %parallel_loop3A_352 = arith.constant 80 : i32
            %parallel_loop3A_353 = arith.addi %parallel_loop3A_174, %parallel_loop3A_352 : i32
            %parallel_loop3A_354 = arith.constant 0 : i32
            %parallel_loop3A_355 = arith.constant 1 : i32
            %parallel_loop3A_356 = arith.index_cast %parallel_loop3A_354 : i32 to index
            %parallel_loop3A_357 = arith.index_cast %parallel_loop3A_355 : i32 to index
            %parallel_loop3A_358 = arith.index_cast %parallel_loop3A_164 : i32 to index
            %parallel_loop3A_359 = arith.constant 80 : index
            %parallel_loop3A_360 = tpu.vector_load %arg8[%parallel_loop3A_356, %parallel_loop3A_357, %parallel_loop3A_358, %parallel_loop3A_359] {strides = array<i32>} : memref<2x2x96x96xf32, #tpu.memory_space<vmem>>, vector<1x1x1x16xf32>,
            %parallel_loop3A_361 = vector.shape_cast %parallel_loop3A_360 : vector<1x1x1x16xf32> to vector<16xf32>
            %parallel_loop3A_362 = arith.mulf %parallel_loop3A_361, %parallel_loop3A_336 : vector<16xf32>
            %parallel_loop3A_363 = arith.index_cast %parallel_loop3A_353 : i32 to index
            %parallel_loop3A_364 = tpu.vector_load %arg7[%parallel_loop3A_363] {strides = array<i32>} : memref<36864xf32, #tpu.memory_space<vmem>>, vector<16xf32>,
            %parallel_loop3A_365 = vector.shape_cast %parallel_loop3A_364 : vector<16xf32> to vector<16xf32>
            %parallel_loop3A_366 = vector.shape_cast %parallel_loop3A_362 : vector<16xf32> to vector<16xf32>
            tpu.vector_store %arg7[%parallel_loop3A_363], %parallel_loop3A_366 {add = true, strides = array<i32>} : memref<36864xf32, #tpu.memory_space<vmem>>, vector<16xf32>,
          } {sc.loop_unroll_factor = 4 : i64, sc.parallel_access}
        } else {
        }
        %jit3A_71 = arith.constant 2 : i32
        %eq3A_72 = arith.constant 0 : i32
        %eq3A_73 = arith.cmpi eq, %jit3A_71, %eq3A_72 : i32
        %jit3A_74 = arith.constant 1 : i32
        %select_n3A_75 = arith.select %eq3A_73, %jit3A_74, %jit3A_71 : i32
        %rem3A_76 = arith.remsi %while3A_55, %select_n3A_75 : i32
        %ne3A_77 = arith.constant 0 : i32
        %ne3A_78 = arith.cmpi ne, %rem3A_76, %ne3A_77 : i32
        %lt3A_79 = arith.constant 0 : i32
        %lt3A_80 = arith.cmpi slt, %rem3A_76, %lt3A_79 : i32
        %lt3A_81 = arith.constant 0 : i32
        %lt3A_82 = arith.cmpi slt, %select_n3A_75, %lt3A_81 : i32
        %ne3A_83 = arith.xori %lt3A_80, %lt3A_82 : i1
        %and3A_84 = arith.andi %ne3A_83, %ne3A_78 : i1
        %add3A_85 = arith.addi %rem3A_76, %select_n3A_75 : i32
        %select_n3A_86 = arith.select %and3A_84, %add3A_85, %rem3A_76 : i32
        %eq3A_87 = arith.constant 1 : i32
        %eq3A_88 = arith.cmpi eq, %select_n3A_86, %eq3A_87 : i32
        %convert_element_type3A_89 = arith.extui %eq3A_88 : i1 to i32
        %cond3A_90 = arith.constant 0 : i32
        %cond3A_91 = arith.cmpi ne, %convert_element_type3A_89, %cond3A_90 : i32
        scf.if %cond3A_91 {
          %add3A_93 = arith.constant 1 : i32
          %add3A_94 = arith.addi %while3A_55, %add3A_93 : i32
          %lt3A_95 = arith.cmpi slt, %add3A_94, %scan3A_35 : i32
          %convert_element_type3A_96 = arith.extui %lt3A_95 : i1 to i32
          %cond3A_97 = arith.constant 0 : i32
          %cond3A_98 = arith.cmpi ne, %convert_element_type3A_96, %cond3A_97 : i32
          scf.if %cond3A_98 {
            %add3A_164 = arith.constant 1 : i32
            %add3A_165 = arith.addi %while3A_55, %add3A_164 : i32
            %mul3A_166 = arith.constant 4 : i32
            %mul3A_167 = arith.muli %mul3A_166, %add3A_165 : i32
            %get3A_168 = arith.index_cast %mul3A_167 : i32 to index
            %get3A_169 = memref.load %arg11[%get3A_168] : memref<128xi32, #tpu.memory_space<smem>>
            %mul3A_170 = arith.constant 4 : i32
            %mul3A_171 = arith.muli %mul3A_170, %add3A_165 : i32
            %add3A_172 = arith.constant 1 : i32
            %add3A_173 = arith.addi %mul3A_171, %add3A_172 : i32
            %get3A_174 = arith.index_cast %add3A_173 : i32 to index
            %get3A_175 = memref.load %arg11[%get3A_174] : memref<128xi32, #tpu.memory_space<smem>>
            %dma_start3A = arith.constant 0 : i32
            %dma_start3A_176 = arith.constant 0 : i32
            %dma_start3A_177 = arith.constant 0 : i32
            %dma_start3A_178 = arith.constant 0 : i32
            %dma_start3A_179 = arith.constant 0 : i32
            %dma_start3A_180 = tpu.memref_slice %arg8[%dma_start3A_176, %dma_start3A_177, %dma_start3A_178, %dma_start3A_179] : memref<2x2x96x96xf32, #tpu.memory_space<vmem>> -> memref<1x1x96x96xf32, #tpu.memory_space<vmem>>
            %dma_start3A_181 = tpu.memref_squeeze %dma_start3A_180 : memref<1x1x96x96xf32, #tpu.memory_space<vmem>> -> memref<96x96xf32, #tpu.memory_space<vmem>>
            %dma_start3A_182 = arith.constant 0 : i32
            %dma_start3A_183 = arith.constant 0 : i32
            %dma_start3A_184 = tpu.memref_slice %arg2[%get3A_169, %dma_start3A, %get3A_175, %dma_start3A_182, %dma_start3A_183] : memref<27x2x96x96x96xf32, #tpu.memory_space<hbm>> -> memref<1x1x1x96x96xf32, #tpu.memory_space<hbm>>
            %dma_start3A_185 = tpu.memref_squeeze %dma_start3A_184 : memref<1x1x1x96x96xf32, #tpu.memory_space<hbm>> -> memref<96x96xf32, #tpu.memory_space<hbm>>
            %dma_start3A_186 = arith.constant 0 : i32
            %dma_start3A_187 = arith.constant 0 : i32
            %dma_start3A_188 = tpu.memref_slice %arg8[%dma_start3A_176, %dma_start3A_177, %dma_start3A_186, %dma_start3A_187] : memref<2x2x96x96xf32, #tpu.memory_space<vmem>> -> memref<1x1x96x96xf32, #tpu.memory_space<vmem>>
            %dma_start3A_189 = tpu.memref_squeeze %dma_start3A_188 : memref<1x1x96x96xf32, #tpu.memory_space<vmem>> -> memref<96x96xf32, #tpu.memory_space<vmem>>
            %dma_start3A_190 = arith.constant 0 : i32
            %dma_start3A_191 = arith.constant 0 : i32
            %dma_start3A_192 = tpu.memref_slice %arg2[%get3A_169, %dma_start3A, %get3A_175, %dma_start3A_190, %dma_start3A_191] : memref<27x2x96x96x96xf32, #tpu.memory_space<hbm>> -> memref<1x1x1x96x96xf32, #tpu.memory_space<hbm>>
            %dma_start3A_193 = tpu.memref_squeeze %dma_start3A_192 : memref<1x1x1x96x96xf32, #tpu.memory_space<hbm>> -> memref<96x96xf32, #tpu.memory_space<hbm>>
            tpu.enqueue_dma source(%dma_start3A_193 : memref<96x96xf32, #tpu.memory_space<hbm>>) target(%dma_start3A_189 : memref<96x96xf32, #tpu.memory_space<vmem>>) target_semaphore(%arg12 : memref<!tpu.dma_semaphore, #tpu.memory_space<semaphore_mem>>)
            %dma_start3A_194 = arith.constant 1 : i32
            %dma_start3A_195 = arith.constant 0 : i32
            %dma_start3A_196 = arith.constant 1 : i32
            %dma_start3A_197 = arith.constant 0 : i32
            %dma_start3A_198 = arith.constant 0 : i32
            %dma_start3A_199 = tpu.memref_slice %arg8[%dma_start3A_195, %dma_start3A_196, %dma_start3A_197, %dma_start3A_198] : memref<2x2x96x96xf32, #tpu.memory_space<vmem>> -> memref<1x1x96x96xf32, #tpu.memory_space<vmem>>
            %dma_start3A_200 = tpu.memref_squeeze %dma_start3A_199 : memref<1x1x96x96xf32, #tpu.memory_space<vmem>> -> memref<96x96xf32, #tpu.memory_space<vmem>>
            %dma_start3A_201 = arith.constant 0 : i32
            %dma_start3A_202 = arith.constant 0 : i32
            %dma_start3A_203 = tpu.memref_slice %arg2[%get3A_169, %dma_start3A_194, %get3A_175, %dma_start3A_201, %dma_start3A_202] : memref<27x2x96x96x96xf32, #tpu.memory_space<hbm>> -> memref<1x1x1x96x96xf32, #tpu.memory_space<hbm>>
            %dma_start3A_204 = tpu.memref_squeeze %dma_start3A_203 : memref<1x1x1x96x96xf32, #tpu.memory_space<hbm>> -> memref<96x96xf32, #tpu.memory_space<hbm>>
            %dma_start3A_205 = arith.constant 0 : i32
            %dma_start3A_206 = arith.constant 0 : i32
            %dma_start3A_207 = tpu.memref_slice %arg8[%dma_start3A_195, %dma_start3A_196, %dma_start3A_205, %dma_start3A_206] : memref<2x2x96x96xf32, #tpu.memory_space<vmem>> -> memref<1x1x96x96xf32, #tpu.memory_space<vmem>>
            %dma_start3A_208 = tpu.memref_squeeze %dma_start3A_207 : memref<1x1x96x96xf32, #tpu.memory_space<vmem>> -> memref<96x96xf32, #tpu.memory_space<vmem>>
            %dma_start3A_209 = arith.constant 0 : i32
            %dma_start3A_210 = arith.constant 0 : i32
            %dma_start3A_211 = tpu.memref_slice %arg2[%get3A_169, %dma_start3A_194, %get3A_175, %dma_start3A_209, %dma_start3A_210] : memref<27x2x96x96x96xf32, #tpu.memory_space<hbm>> -> memref<1x1x1x96x96xf32, #tpu.memory_space<hbm>>
            %dma_start3A_212 = tpu.memref_squeeze %dma_start3A_211 : memref<1x1x1x96x96xf32, #tpu.memory_space<hbm>> -> memref<96x96xf32, #tpu.memory_space<hbm>>
            tpu.enqueue_dma source(%dma_start3A_212 : memref<96x96xf32, #tpu.memory_space<hbm>>) target(%dma_start3A_208 : memref<96x96xf32, #tpu.memory_space<vmem>>) target_semaphore(%arg12 : memref<!tpu.dma_semaphore, #tpu.memory_space<semaphore_mem>>)
          } else {
          }
          %dma_wait3A = arith.constant 0 : i32
          %dma_wait3A_99 = arith.constant 0 : i32
          %dma_wait3A_100 = arith.constant 0 : i32
          %dma_wait3A_101 = arith.constant 1 : i32
          %dma_wait3A_102 = arith.constant 0 : i32
          %dma_wait3A_103 = arith.constant 0 : i32
          %dma_wait3A_104 = arith.constant 0 : i32
          %dma_wait3A_105 = tpu.memref_slice %arg8[%dma_wait3A_101, %dma_wait3A_102, %dma_wait3A_103, %dma_wait3A_104] : memref<2x2x96x96xf32, #tpu.memory_space<vmem>> -> memref<1x1x96x96xf32, #tpu.memory_space<vmem>>
          %dma_wait3A_106 = tpu.memref_squeeze %dma_wait3A_105 : memref<1x1x96x96xf32, #tpu.memory_space<vmem>> -> memref<96x96xf32, #tpu.memory_space<vmem>>
          %dma_wait3A_107 = arith.constant 0 : i32
          %dma_wait3A_108 = arith.constant 0 : i32
          %dma_wait3A_109 = tpu.memref_slice %arg2[%dma_wait3A, %dma_wait3A_99, %dma_wait3A_100, %dma_wait3A_107, %dma_wait3A_108] : memref<27x2x96x96x96xf32, #tpu.memory_space<hbm>> -> memref<1x1x1x96x96xf32, #tpu.memory_space<hbm>>
          %dma_wait3A_110 = tpu.memref_squeeze %dma_wait3A_109 : memref<1x1x1x96x96xf32, #tpu.memory_space<hbm>> -> memref<96x96xf32, #tpu.memory_space<hbm>>
          %dma_wait3A_111 = arith.constant 0 : i32
          %dma_wait3A_112 = arith.constant 0 : i32
          %dma_wait3A_113 = tpu.memref_slice %arg8[%dma_wait3A_101, %dma_wait3A_102, %dma_wait3A_111, %dma_wait3A_112] : memref<2x2x96x96xf32, #tpu.memory_space<vmem>> -> memref<1x1x96x96xf32, #tpu.memory_space<vmem>>
          %dma_wait3A_114 = tpu.memref_squeeze %dma_wait3A_113 : memref<1x1x96x96xf32, #tpu.memory_space<vmem>> -> memref<96x96xf32, #tpu.memory_space<vmem>>
          %dma_wait3A_115 = arith.constant 0 : i32
          %dma_wait3A_116 = arith.constant 0 : i32
          %dma_wait3A_117 = tpu.memref_slice %arg2[%dma_wait3A, %dma_wait3A_99, %dma_wait3A_100, %dma_wait3A_115, %dma_wait3A_116] : memref<27x2x96x96x96xf32, #tpu.memory_space<hbm>> -> memref<1x1x1x96x96xf32, #tpu.memory_space<hbm>>
          %dma_wait3A_118 = tpu.memref_squeeze %dma_wait3A_117 : memref<1x1x1x96x96xf32, #tpu.memory_space<hbm>> -> memref<96x96xf32, #tpu.memory_space<hbm>>
          tpu.wait_dma2 semaphore(%arg13 : memref<!tpu.dma_semaphore, #tpu.memory_space<semaphore_mem>>) src(%dma_wait3A_118 : memref<96x96xf32, #tpu.memory_space<hbm>>) dst(%dma_wait3A_114 : memref<96x96xf32, #tpu.memory_space<vmem>>)
          %dma_wait3A_119 = arith.constant 0 : i32
          %dma_wait3A_120 = arith.constant 0 : i32
          %dma_wait3A_121 = arith.constant 0 : i32
          %dma_wait3A_122 = arith.constant 1 : i32
          %dma_wait3A_123 = arith.constant 1 : i32
          %dma_wait3A_124 = arith.constant 0 : i32
          %dma_wait3A_125 = arith.constant 0 : i32
          %dma_wait3A_126 = tpu.memref_slice %arg8[%dma_wait3A_122, %dma_wait3A_123, %dma_wait3A_124, %dma_wait3A_125] : memref<2x2x96x96xf32, #tpu.memory_space<vmem>> -> memref<1x1x96x96xf32, #tpu.memory_space<vmem>>
          %dma_wait3A_127 = tpu.memref_squeeze %dma_wait3A_126 : memref<1x1x96x96xf32, #tpu.memory_space<vmem>> -> memref<96x96xf32, #tpu.memory_space<vmem>>
          %dma_wait3A_128 = arith.constant 0 : i32
          %dma_wait3A_129 = arith.constant 0 : i32
          %dma_wait3A_130 = tpu.memref_slice %arg2[%dma_wait3A_119, %dma_wait3A_120, %dma_wait3A_121, %dma_wait3A_128, %dma_wait3A_129] : memref<27x2x96x96x96xf32, #tpu.memory_space<hbm>> -> memref<1x1x1x96x96xf32, #tpu.memory_space<hbm>>
          %dma_wait3A_131 = tpu.memref_squeeze %dma_wait3A_130 : memref<1x1x1x96x96xf32, #tpu.memory_space<hbm>> -> memref<96x96xf32, #tpu.memory_space<hbm>>
          %dma_wait3A_132 = arith.constant 0 : i32
          %dma_wait3A_133 = arith.constant 0 : i32
          %dma_wait3A_134 = tpu.memref_slice %arg8[%dma_wait3A_122, %dma_wait3A_123, %dma_wait3A_132, %dma_wait3A_133] : memref<2x2x96x96xf32, #tpu.memory_space<vmem>> -> memref<1x1x96x96xf32, #tpu.memory_space<vmem>>
          %dma_wait3A_135 = tpu.memref_squeeze %dma_wait3A_134 : memref<1x1x96x96xf32, #tpu.memory_space<vmem>> -> memref<96x96xf32, #tpu.memory_space<vmem>>
          %dma_wait3A_136 = arith.constant 0 : i32
          %dma_wait3A_137 = arith.constant 0 : i32
          %dma_wait3A_138 = tpu.memref_slice %arg2[%dma_wait3A_119, %dma_wait3A_120, %dma_wait3A_121, %dma_wait3A_136, %dma_wait3A_137] : memref<27x2x96x96x96xf32, #tpu.memory_space<hbm>> -> memref<1x1x1x96x96xf32, #tpu.memory_space<hbm>>
          %dma_wait3A_139 = tpu.memref_squeeze %dma_wait3A_138 : memref<1x1x1x96x96xf32, #tpu.memory_space<hbm>> -> memref<96x96xf32, #tpu.memory_space<hbm>>
          tpu.wait_dma2 semaphore(%arg13 : memref<!tpu.dma_semaphore, #tpu.memory_space<semaphore_mem>>) src(%dma_wait3A_139 : memref<96x96xf32, #tpu.memory_space<hbm>>) dst(%dma_wait3A_135 : memref<96x96xf32, #tpu.memory_space<vmem>>)
          %mul3A_140 = arith.constant 4 : i32
          %mul3A_141 = arith.muli %mul3A_140, %while3A_55 : i32
          %add3A_142 = arith.constant 1 : i32
          %add3A_143 = arith.addi %mul3A_141, %add3A_142 : i32
          %get3A_144 = arith.index_cast %add3A_143 : i32 to index
          %get3A_145 = memref.load %arg11[%get3A_144] : memref<128xi32, #tpu.memory_space<smem>>
          %mul3A_146 = arith.constant 4 : i32
          %mul3A_147 = arith.muli %mul3A_146, %while3A_55 : i32
          %add3A_148 = arith.constant 2 : i32
          %add3A_149 = arith.addi %mul3A_147, %add3A_148 : i32
          %get3A_150 = arith.index_cast %add3A_149 : i32 to index
          %get3A_151 = memref.load %arg11[%get3A_150] : memref<128xi32, #tpu.memory_space<smem>>
          %mul3A_152 = arith.constant 4 : i32
          %mul3A_153 = arith.muli %mul3A_152, %while3A_55 : i32
          %add3A_154 = arith.constant 3 : i32
          %add3A_155 = arith.addi %mul3A_153, %add3A_154 : i32
          %get3A_156 = arith.index_cast %add3A_155 : i32 to index
          %get3A_157 = memref.load %arg11[%get3A_156] : memref<128xi32, #tpu.memory_space<smem>>
          %get3A_158 = arith.index_cast %get3A_145 : i32 to index
          %get3A_159 = tpu.vector_load %arg10[%get3A_158] {strides = array<i32>} : memref<112xf32, #tpu.memory_space<vmem>>, vector<16xf32>,
          %get3A_160 = vector.shape_cast %get3A_159 : vector<16xf32> to vector<16xf32>
          %slice3A = vector.extract_strided_slice %get3A_160 {offsets = [0], sizes = [1], strides = [1]} : vector<16xf32> to vector<1xf32>
          %squeeze3A = vector.extract %slice3A[0] : f32 from vector<1xf32>
          %parallel_loop3A_161 = arith.constant 0 : i32
          %parallel_loop3A_162 = arith.constant 96 : i32
          %parallel_loop3A_163 = arith.constant 1 : i32
          scf.for %parallel_loop3A_164 = %parallel_loop3A_161 to %parallel_loop3A_162 step %parallel_loop3A_163  : i32 {
            %parallel_loop3A_165 = arith.index_cast %parallel_loop3A_164 : i32 to index
            %parallel_loop3A_166 = tpu.vector_load %arg10[%parallel_loop3A_165] {strides = array<i32>} : memref<112xf32, #tpu.memory_space<vmem>>, vector<16xf32>,
            %parallel_loop3A_167 = vector.shape_cast %parallel_loop3A_166 : vector<16xf32> to vector<16xf32>
            %parallel_loop3A_168 = vector.extract_strided_slice %parallel_loop3A_167 {offsets = [0], sizes = [1], strides = [1]} : vector<16xf32> to vector<1xf32>
            %parallel_loop3A_169 = vector.extract %parallel_loop3A_168[0] : f32 from vector<1xf32>
            %parallel_loop3A_170 = arith.mulf %squeeze3A, %parallel_loop3A_169 : f32
            %parallel_loop3A_171 = arith.addi %get3A_151, %parallel_loop3A_164 : i32
            %parallel_loop3A_172 = arith.constant 192 : i32
            %parallel_loop3A_173 = arith.muli %parallel_loop3A_171, %parallel_loop3A_172 : i32
            %parallel_loop3A_174 = arith.addi %parallel_loop3A_173, %get3A_157 : i32
            %parallel_loop3A_175 = vector.broadcast %parallel_loop3A_170 : f32 to vector<16xf32>
            %parallel_loop3A_176 = arith.mulf %get3A_3, %parallel_loop3A_175 : vector<16xf32>
            %parallel_loop3A_177 = arith.constant 0 : i32
            %parallel_loop3A_178 = arith.addi %parallel_loop3A_174, %parallel_loop3A_177 : i32
            %parallel_loop3A_179 = arith.constant 1 : i32
            %parallel_loop3A_180 = arith.constant 0 : i32
            %parallel_loop3A_181 = arith.index_cast %parallel_loop3A_179 : i32 to index
            %parallel_loop3A_182 = arith.index_cast %parallel_loop3A_180 : i32 to index
            %parallel_loop3A_183 = arith.index_cast %parallel_loop3A_164 : i32 to index
            %parallel_loop3A_184 = arith.constant 0 : index
            %parallel_loop3A_185 = tpu.vector_load %arg8[%parallel_loop3A_181, %parallel_loop3A_182, %parallel_loop3A_183, %parallel_loop3A_184] {strides = array<i32>} : memref<2x2x96x96xf32, #tpu.memory_space<vmem>>, vector<1x1x1x16xf32>,
            %parallel_loop3A_186 = vector.shape_cast %parallel_loop3A_185 : vector<1x1x1x16xf32> to vector<16xf32>
            %parallel_loop3A_187 = arith.mulf %parallel_loop3A_186, %parallel_loop3A_176 : vector<16xf32>
            %parallel_loop3A_188 = arith.index_cast %parallel_loop3A_178 : i32 to index
            %parallel_loop3A_189 = tpu.vector_load %arg6[%parallel_loop3A_188] {strides = array<i32>} : memref<36864xf32, #tpu.memory_space<vmem>>, vector<16xf32>,
            %parallel_loop3A_190 = vector.shape_cast %parallel_loop3A_189 : vector<16xf32> to vector<16xf32>
            %parallel_loop3A_191 = vector.shape_cast %parallel_loop3A_187 : vector<16xf32> to vector<16xf32>
            tpu.vector_store %arg6[%parallel_loop3A_188], %parallel_loop3A_191 {add = true, strides = array<i32>} : memref<36864xf32, #tpu.memory_space<vmem>>, vector<16xf32>,
            %parallel_loop3A_192 = arith.constant 0 : i32
            %parallel_loop3A_193 = arith.addi %parallel_loop3A_174, %parallel_loop3A_192 : i32
            %parallel_loop3A_194 = arith.constant 1 : i32
            %parallel_loop3A_195 = arith.constant 1 : i32
            %parallel_loop3A_196 = arith.index_cast %parallel_loop3A_194 : i32 to index
            %parallel_loop3A_197 = arith.index_cast %parallel_loop3A_195 : i32 to index
            %parallel_loop3A_198 = arith.index_cast %parallel_loop3A_164 : i32 to index
            %parallel_loop3A_199 = arith.constant 0 : index
            %parallel_loop3A_200 = tpu.vector_load %arg8[%parallel_loop3A_196, %parallel_loop3A_197, %parallel_loop3A_198, %parallel_loop3A_199] {strides = array<i32>} : memref<2x2x96x96xf32, #tpu.memory_space<vmem>>, vector<1x1x1x16xf32>,
            %parallel_loop3A_201 = vector.shape_cast %parallel_loop3A_200 : vector<1x1x1x16xf32> to vector<16xf32>
            %parallel_loop3A_202 = arith.mulf %parallel_loop3A_201, %parallel_loop3A_176 : vector<16xf32>
            %parallel_loop3A_203 = arith.index_cast %parallel_loop3A_193 : i32 to index
            %parallel_loop3A_204 = tpu.vector_load %arg7[%parallel_loop3A_203] {strides = array<i32>} : memref<36864xf32, #tpu.memory_space<vmem>>, vector<16xf32>,
            %parallel_loop3A_205 = vector.shape_cast %parallel_loop3A_204 : vector<16xf32> to vector<16xf32>
            %parallel_loop3A_206 = vector.shape_cast %parallel_loop3A_202 : vector<16xf32> to vector<16xf32>
            tpu.vector_store %arg7[%parallel_loop3A_203], %parallel_loop3A_206 {add = true, strides = array<i32>} : memref<36864xf32, #tpu.memory_space<vmem>>, vector<16xf32>,
            %parallel_loop3A_207 = vector.broadcast %parallel_loop3A_170 : f32 to vector<16xf32>
            %parallel_loop3A_208 = arith.mulf %get3A_6, %parallel_loop3A_207 : vector<16xf32>
            %parallel_loop3A_209 = arith.constant 16 : i32
            %parallel_loop3A_210 = arith.addi %parallel_loop3A_174, %parallel_loop3A_209 : i32
            %parallel_loop3A_211 = arith.constant 1 : i32
            %parallel_loop3A_212 = arith.constant 0 : i32
            %parallel_loop3A_213 = arith.index_cast %parallel_loop3A_211 : i32 to index
            %parallel_loop3A_214 = arith.index_cast %parallel_loop3A_212 : i32 to index
            %parallel_loop3A_215 = arith.index_cast %parallel_loop3A_164 : i32 to index
            %parallel_loop3A_216 = arith.constant 16 : index
            %parallel_loop3A_217 = tpu.vector_load %arg8[%parallel_loop3A_213, %parallel_loop3A_214, %parallel_loop3A_215, %parallel_loop3A_216] {strides = array<i32>} : memref<2x2x96x96xf32, #tpu.memory_space<vmem>>, vector<1x1x1x16xf32>,
            %parallel_loop3A_218 = vector.shape_cast %parallel_loop3A_217 : vector<1x1x1x16xf32> to vector<16xf32>
            %parallel_loop3A_219 = arith.mulf %parallel_loop3A_218, %parallel_loop3A_208 : vector<16xf32>
            %parallel_loop3A_220 = arith.index_cast %parallel_loop3A_210 : i32 to index
            %parallel_loop3A_221 = tpu.vector_load %arg6[%parallel_loop3A_220] {strides = array<i32>} : memref<36864xf32, #tpu.memory_space<vmem>>, vector<16xf32>,
            %parallel_loop3A_222 = vector.shape_cast %parallel_loop3A_221 : vector<16xf32> to vector<16xf32>
            %parallel_loop3A_223 = vector.shape_cast %parallel_loop3A_219 : vector<16xf32> to vector<16xf32>
            tpu.vector_store %arg6[%parallel_loop3A_220], %parallel_loop3A_223 {add = true, strides = array<i32>} : memref<36864xf32, #tpu.memory_space<vmem>>, vector<16xf32>,
            %parallel_loop3A_224 = arith.constant 16 : i32
            %parallel_loop3A_225 = arith.addi %parallel_loop3A_174, %parallel_loop3A_224 : i32
            %parallel_loop3A_226 = arith.constant 1 : i32
            %parallel_loop3A_227 = arith.constant 1 : i32
            %parallel_loop3A_228 = arith.index_cast %parallel_loop3A_226 : i32 to index
            %parallel_loop3A_229 = arith.index_cast %parallel_loop3A_227 : i32 to index
            %parallel_loop3A_230 = arith.index_cast %parallel_loop3A_164 : i32 to index
            %parallel_loop3A_231 = arith.constant 16 : index
            %parallel_loop3A_232 = tpu.vector_load %arg8[%parallel_loop3A_228, %parallel_loop3A_229, %parallel_loop3A_230, %parallel_loop3A_231] {strides = array<i32>} : memref<2x2x96x96xf32, #tpu.memory_space<vmem>>, vector<1x1x1x16xf32>,
            %parallel_loop3A_233 = vector.shape_cast %parallel_loop3A_232 : vector<1x1x1x16xf32> to vector<16xf32>
            %parallel_loop3A_234 = arith.mulf %parallel_loop3A_233, %parallel_loop3A_208 : vector<16xf32>
            %parallel_loop3A_235 = arith.index_cast %parallel_loop3A_225 : i32 to index
            %parallel_loop3A_236 = tpu.vector_load %arg7[%parallel_loop3A_235] {strides = array<i32>} : memref<36864xf32, #tpu.memory_space<vmem>>, vector<16xf32>,
            %parallel_loop3A_237 = vector.shape_cast %parallel_loop3A_236 : vector<16xf32> to vector<16xf32>
            %parallel_loop3A_238 = vector.shape_cast %parallel_loop3A_234 : vector<16xf32> to vector<16xf32>
            tpu.vector_store %arg7[%parallel_loop3A_235], %parallel_loop3A_238 {add = true, strides = array<i32>} : memref<36864xf32, #tpu.memory_space<vmem>>, vector<16xf32>,
            %parallel_loop3A_239 = vector.broadcast %parallel_loop3A_170 : f32 to vector<16xf32>
            %parallel_loop3A_240 = arith.mulf %get3A_9, %parallel_loop3A_239 : vector<16xf32>
            %parallel_loop3A_241 = arith.constant 32 : i32
            %parallel_loop3A_242 = arith.addi %parallel_loop3A_174, %parallel_loop3A_241 : i32
            %parallel_loop3A_243 = arith.constant 1 : i32
            %parallel_loop3A_244 = arith.constant 0 : i32
            %parallel_loop3A_245 = arith.index_cast %parallel_loop3A_243 : i32 to index
            %parallel_loop3A_246 = arith.index_cast %parallel_loop3A_244 : i32 to index
            %parallel_loop3A_247 = arith.index_cast %parallel_loop3A_164 : i32 to index
            %parallel_loop3A_248 = arith.constant 32 : index
            %parallel_loop3A_249 = tpu.vector_load %arg8[%parallel_loop3A_245, %parallel_loop3A_246, %parallel_loop3A_247, %parallel_loop3A_248] {strides = array<i32>} : memref<2x2x96x96xf32, #tpu.memory_space<vmem>>, vector<1x1x1x16xf32>,
            %parallel_loop3A_250 = vector.shape_cast %parallel_loop3A_249 : vector<1x1x1x16xf32> to vector<16xf32>
            %parallel_loop3A_251 = arith.mulf %parallel_loop3A_250, %parallel_loop3A_240 : vector<16xf32>
            %parallel_loop3A_252 = arith.index_cast %parallel_loop3A_242 : i32 to index
            %parallel_loop3A_253 = tpu.vector_load %arg6[%parallel_loop3A_252] {strides = array<i32>} : memref<36864xf32, #tpu.memory_space<vmem>>, vector<16xf32>,
            %parallel_loop3A_254 = vector.shape_cast %parallel_loop3A_253 : vector<16xf32> to vector<16xf32>
            %parallel_loop3A_255 = vector.shape_cast %parallel_loop3A_251 : vector<16xf32> to vector<16xf32>
            tpu.vector_store %arg6[%parallel_loop3A_252], %parallel_loop3A_255 {add = true, strides = array<i32>} : memref<36864xf32, #tpu.memory_space<vmem>>, vector<16xf32>,
            %parallel_loop3A_256 = arith.constant 32 : i32
            %parallel_loop3A_257 = arith.addi %parallel_loop3A_174, %parallel_loop3A_256 : i32
            %parallel_loop3A_258 = arith.constant 1 : i32
            %parallel_loop3A_259 = arith.constant 1 : i32
            %parallel_loop3A_260 = arith.index_cast %parallel_loop3A_258 : i32 to index
            %parallel_loop3A_261 = arith.index_cast %parallel_loop3A_259 : i32 to index
            %parallel_loop3A_262 = arith.index_cast %parallel_loop3A_164 : i32 to index
            %parallel_loop3A_263 = arith.constant 32 : index
            %parallel_loop3A_264 = tpu.vector_load %arg8[%parallel_loop3A_260, %parallel_loop3A_261, %parallel_loop3A_262, %parallel_loop3A_263] {strides = array<i32>} : memref<2x2x96x96xf32, #tpu.memory_space<vmem>>, vector<1x1x1x16xf32>,
            %parallel_loop3A_265 = vector.shape_cast %parallel_loop3A_264 : vector<1x1x1x16xf32> to vector<16xf32>
            %parallel_loop3A_266 = arith.mulf %parallel_loop3A_265, %parallel_loop3A_240 : vector<16xf32>
            %parallel_loop3A_267 = arith.index_cast %parallel_loop3A_257 : i32 to index
            %parallel_loop3A_268 = tpu.vector_load %arg7[%parallel_loop3A_267] {strides = array<i32>} : memref<36864xf32, #tpu.memory_space<vmem>>, vector<16xf32>,
            %parallel_loop3A_269 = vector.shape_cast %parallel_loop3A_268 : vector<16xf32> to vector<16xf32>
            %parallel_loop3A_270 = vector.shape_cast %parallel_loop3A_266 : vector<16xf32> to vector<16xf32>
            tpu.vector_store %arg7[%parallel_loop3A_267], %parallel_loop3A_270 {add = true, strides = array<i32>} : memref<36864xf32, #tpu.memory_space<vmem>>, vector<16xf32>,
            %parallel_loop3A_271 = vector.broadcast %parallel_loop3A_170 : f32 to vector<16xf32>
            %parallel_loop3A_272 = arith.mulf %get3A_12, %parallel_loop3A_271 : vector<16xf32>
            %parallel_loop3A_273 = arith.constant 48 : i32
            %parallel_loop3A_274 = arith.addi %parallel_loop3A_174, %parallel_loop3A_273 : i32
            %parallel_loop3A_275 = arith.constant 1 : i32
            %parallel_loop3A_276 = arith.constant 0 : i32
            %parallel_loop3A_277 = arith.index_cast %parallel_loop3A_275 : i32 to index
            %parallel_loop3A_278 = arith.index_cast %parallel_loop3A_276 : i32 to index
            %parallel_loop3A_279 = arith.index_cast %parallel_loop3A_164 : i32 to index
            %parallel_loop3A_280 = arith.constant 48 : index
            %parallel_loop3A_281 = tpu.vector_load %arg8[%parallel_loop3A_277, %parallel_loop3A_278, %parallel_loop3A_279, %parallel_loop3A_280] {strides = array<i32>} : memref<2x2x96x96xf32, #tpu.memory_space<vmem>>, vector<1x1x1x16xf32>,
            %parallel_loop3A_282 = vector.shape_cast %parallel_loop3A_281 : vector<1x1x1x16xf32> to vector<16xf32>
            %parallel_loop3A_283 = arith.mulf %parallel_loop3A_282, %parallel_loop3A_272 : vector<16xf32>
            %parallel_loop3A_284 = arith.index_cast %parallel_loop3A_274 : i32 to index
            %parallel_loop3A_285 = tpu.vector_load %arg6[%parallel_loop3A_284] {strides = array<i32>} : memref<36864xf32, #tpu.memory_space<vmem>>, vector<16xf32>,
            %parallel_loop3A_286 = vector.shape_cast %parallel_loop3A_285 : vector<16xf32> to vector<16xf32>
            %parallel_loop3A_287 = vector.shape_cast %parallel_loop3A_283 : vector<16xf32> to vector<16xf32>
            tpu.vector_store %arg6[%parallel_loop3A_284], %parallel_loop3A_287 {add = true, strides = array<i32>} : memref<36864xf32, #tpu.memory_space<vmem>>, vector<16xf32>,
            %parallel_loop3A_288 = arith.constant 48 : i32
            %parallel_loop3A_289 = arith.addi %parallel_loop3A_174, %parallel_loop3A_288 : i32
            %parallel_loop3A_290 = arith.constant 1 : i32
            %parallel_loop3A_291 = arith.constant 1 : i32
            %parallel_loop3A_292 = arith.index_cast %parallel_loop3A_290 : i32 to index
            %parallel_loop3A_293 = arith.index_cast %parallel_loop3A_291 : i32 to index
            %parallel_loop3A_294 = arith.index_cast %parallel_loop3A_164 : i32 to index
            %parallel_loop3A_295 = arith.constant 48 : index
            %parallel_loop3A_296 = tpu.vector_load %arg8[%parallel_loop3A_292, %parallel_loop3A_293, %parallel_loop3A_294, %parallel_loop3A_295] {strides = array<i32>} : memref<2x2x96x96xf32, #tpu.memory_space<vmem>>, vector<1x1x1x16xf32>,
            %parallel_loop3A_297 = vector.shape_cast %parallel_loop3A_296 : vector<1x1x1x16xf32> to vector<16xf32>
            %parallel_loop3A_298 = arith.mulf %parallel_loop3A_297, %parallel_loop3A_272 : vector<16xf32>
            %parallel_loop3A_299 = arith.index_cast %parallel_loop3A_289 : i32 to index
            %parallel_loop3A_300 = tpu.vector_load %arg7[%parallel_loop3A_299] {strides = array<i32>} : memref<36864xf32, #tpu.memory_space<vmem>>, vector<16xf32>,
            %parallel_loop3A_301 = vector.shape_cast %parallel_loop3A_300 : vector<16xf32> to vector<16xf32>
            %parallel_loop3A_302 = vector.shape_cast %parallel_loop3A_298 : vector<16xf32> to vector<16xf32>
            tpu.vector_store %arg7[%parallel_loop3A_299], %parallel_loop3A_302 {add = true, strides = array<i32>} : memref<36864xf32, #tpu.memory_space<vmem>>, vector<16xf32>,
            %parallel_loop3A_303 = vector.broadcast %parallel_loop3A_170 : f32 to vector<16xf32>
            %parallel_loop3A_304 = arith.mulf %get3A_15, %parallel_loop3A_303 : vector<16xf32>
            %parallel_loop3A_305 = arith.constant 64 : i32
            %parallel_loop3A_306 = arith.addi %parallel_loop3A_174, %parallel_loop3A_305 : i32
            %parallel_loop3A_307 = arith.constant 1 : i32
            %parallel_loop3A_308 = arith.constant 0 : i32
            %parallel_loop3A_309 = arith.index_cast %parallel_loop3A_307 : i32 to index
            %parallel_loop3A_310 = arith.index_cast %parallel_loop3A_308 : i32 to index
            %parallel_loop3A_311 = arith.index_cast %parallel_loop3A_164 : i32 to index
            %parallel_loop3A_312 = arith.constant 64 : index
            %parallel_loop3A_313 = tpu.vector_load %arg8[%parallel_loop3A_309, %parallel_loop3A_310, %parallel_loop3A_311, %parallel_loop3A_312] {strides = array<i32>} : memref<2x2x96x96xf32, #tpu.memory_space<vmem>>, vector<1x1x1x16xf32>,
            %parallel_loop3A_314 = vector.shape_cast %parallel_loop3A_313 : vector<1x1x1x16xf32> to vector<16xf32>
            %parallel_loop3A_315 = arith.mulf %parallel_loop3A_314, %parallel_loop3A_304 : vector<16xf32>
            %parallel_loop3A_316 = arith.index_cast %parallel_loop3A_306 : i32 to index
            %parallel_loop3A_317 = tpu.vector_load %arg6[%parallel_loop3A_316] {strides = array<i32>} : memref<36864xf32, #tpu.memory_space<vmem>>, vector<16xf32>,
            %parallel_loop3A_318 = vector.shape_cast %parallel_loop3A_317 : vector<16xf32> to vector<16xf32>
            %parallel_loop3A_319 = vector.shape_cast %parallel_loop3A_315 : vector<16xf32> to vector<16xf32>
            tpu.vector_store %arg6[%parallel_loop3A_316], %parallel_loop3A_319 {add = true, strides = array<i32>} : memref<36864xf32, #tpu.memory_space<vmem>>, vector<16xf32>,
            %parallel_loop3A_320 = arith.constant 64 : i32
            %parallel_loop3A_321 = arith.addi %parallel_loop3A_174, %parallel_loop3A_320 : i32
            %parallel_loop3A_322 = arith.constant 1 : i32
            %parallel_loop3A_323 = arith.constant 1 : i32
            %parallel_loop3A_324 = arith.index_cast %parallel_loop3A_322 : i32 to index
            %parallel_loop3A_325 = arith.index_cast %parallel_loop3A_323 : i32 to index
            %parallel_loop3A_326 = arith.index_cast %parallel_loop3A_164 : i32 to index
            %parallel_loop3A_327 = arith.constant 64 : index
            %parallel_loop3A_328 = tpu.vector_load %arg8[%parallel_loop3A_324, %parallel_loop3A_325, %parallel_loop3A_326, %parallel_loop3A_327] {strides = array<i32>} : memref<2x2x96x96xf32, #tpu.memory_space<vmem>>, vector<1x1x1x16xf32>,
            %parallel_loop3A_329 = vector.shape_cast %parallel_loop3A_328 : vector<1x1x1x16xf32> to vector<16xf32>
            %parallel_loop3A_330 = arith.mulf %parallel_loop3A_329, %parallel_loop3A_304 : vector<16xf32>
            %parallel_loop3A_331 = arith.index_cast %parallel_loop3A_321 : i32 to index
            %parallel_loop3A_332 = tpu.vector_load %arg7[%parallel_loop3A_331] {strides = array<i32>} : memref<36864xf32, #tpu.memory_space<vmem>>, vector<16xf32>,
            %parallel_loop3A_333 = vector.shape_cast %parallel_loop3A_332 : vector<16xf32> to vector<16xf32>
            %parallel_loop3A_334 = vector.shape_cast %parallel_loop3A_330 : vector<16xf32> to vector<16xf32>
            tpu.vector_store %arg7[%parallel_loop3A_331], %parallel_loop3A_334 {add = true, strides = array<i32>} : memref<36864xf32, #tpu.memory_space<vmem>>, vector<16xf32>,
            %parallel_loop3A_335 = vector.broadcast %parallel_loop3A_170 : f32 to vector<16xf32>
            %parallel_loop3A_336 = arith.mulf %get3A_18, %parallel_loop3A_335 : vector<16xf32>
            %parallel_loop3A_337 = arith.constant 80 : i32
            %parallel_loop3A_338 = arith.addi %parallel_loop3A_174, %parallel_loop3A_337 : i32
            %parallel_loop3A_339 = arith.constant 1 : i32
            %parallel_loop3A_340 = arith.constant 0 : i32
            %parallel_loop3A_341 = arith.index_cast %parallel_loop3A_339 : i32 to index
            %parallel_loop3A_342 = arith.index_cast %parallel_loop3A_340 : i32 to index
            %parallel_loop3A_343 = arith.index_cast %parallel_loop3A_164 : i32 to index
            %parallel_loop3A_344 = arith.constant 80 : index
            %parallel_loop3A_345 = tpu.vector_load %arg8[%parallel_loop3A_341, %parallel_loop3A_342, %parallel_loop3A_343, %parallel_loop3A_344] {strides = array<i32>} : memref<2x2x96x96xf32, #tpu.memory_space<vmem>>, vector<1x1x1x16xf32>,
            %parallel_loop3A_346 = vector.shape_cast %parallel_loop3A_345 : vector<1x1x1x16xf32> to vector<16xf32>
            %parallel_loop3A_347 = arith.mulf %parallel_loop3A_346, %parallel_loop3A_336 : vector<16xf32>
            %parallel_loop3A_348 = arith.index_cast %parallel_loop3A_338 : i32 to index
            %parallel_loop3A_349 = tpu.vector_load %arg6[%parallel_loop3A_348] {strides = array<i32>} : memref<36864xf32, #tpu.memory_space<vmem>>, vector<16xf32>,
            %parallel_loop3A_350 = vector.shape_cast %parallel_loop3A_349 : vector<16xf32> to vector<16xf32>
            %parallel_loop3A_351 = vector.shape_cast %parallel_loop3A_347 : vector<16xf32> to vector<16xf32>
            tpu.vector_store %arg6[%parallel_loop3A_348], %parallel_loop3A_351 {add = true, strides = array<i32>} : memref<36864xf32, #tpu.memory_space<vmem>>, vector<16xf32>,
            %parallel_loop3A_352 = arith.constant 80 : i32
            %parallel_loop3A_353 = arith.addi %parallel_loop3A_174, %parallel_loop3A_352 : i32
            %parallel_loop3A_354 = arith.constant 1 : i32
            %parallel_loop3A_355 = arith.constant 1 : i32
            %parallel_loop3A_356 = arith.index_cast %parallel_loop3A_354 : i32 to index
            %parallel_loop3A_357 = arith.index_cast %parallel_loop3A_355 : i32 to index
            %parallel_loop3A_358 = arith.index_cast %parallel_loop3A_164 : i32 to index
            %parallel_loop3A_359 = arith.constant 80 : index
            %parallel_loop3A_360 = tpu.vector_load %arg8[%parallel_loop3A_356, %parallel_loop3A_357, %parallel_loop3A_358, %parallel_loop3A_359] {strides = array<i32>} : memref<2x2x96x96xf32, #tpu.memory_space<vmem>>, vector<1x1x1x16xf32>,
            %parallel_loop3A_361 = vector.shape_cast %parallel_loop3A_360 : vector<1x1x1x16xf32> to vector<16xf32>
            %parallel_loop3A_362 = arith.mulf %parallel_loop3A_361, %parallel_loop3A_336 : vector<16xf32>
            %parallel_loop3A_363 = arith.index_cast %parallel_loop3A_353 : i32 to index
            %parallel_loop3A_364 = tpu.vector_load %arg7[%parallel_loop3A_363] {strides = array<i32>} : memref<36864xf32, #tpu.memory_space<vmem>>, vector<16xf32>,
            %parallel_loop3A_365 = vector.shape_cast %parallel_loop3A_364 : vector<16xf32> to vector<16xf32>
            %parallel_loop3A_366 = vector.shape_cast %parallel_loop3A_362 : vector<16xf32> to vector<16xf32>
            tpu.vector_store %arg7[%parallel_loop3A_363], %parallel_loop3A_366 {add = true, strides = array<i32>} : memref<36864xf32, #tpu.memory_space<vmem>>, vector<16xf32>,
          } {sc.loop_unroll_factor = 4 : i64, sc.parallel_access}
        } else {
        }
        %while3A_92 = arith.constant 0 : i32
        scf.yield %while3A_92 : i32
      }
      %while3A_50 = arith.constant 1 : i32
      %while3A_51 = scf.for %while3A_55 = %while3A_47 to %while3A_43 step %while3A_50 iter_args(%while3A_56 = %while3A_49) -> (i32)  : i32 {
        %jit3A = arith.constant 2 : i32
        %eq3A = arith.constant 0 : i32
        %eq3A_57 = arith.cmpi eq, %jit3A, %eq3A : i32
        %jit3A_58 = arith.constant 1 : i32
        %select_n3A = arith.select %eq3A_57, %jit3A_58, %jit3A : i32
        %rem3A = arith.remsi %while3A_55, %select_n3A : i32
        %ne3A = arith.constant 0 : i32
        %ne3A_59 = arith.cmpi ne, %rem3A, %ne3A : i32
        %lt3A = arith.constant 0 : i32
        %lt3A_60 = arith.cmpi slt, %rem3A, %lt3A : i32
        %lt3A_61 = arith.constant 0 : i32
        %lt3A_62 = arith.cmpi slt, %select_n3A, %lt3A_61 : i32
        %ne3A_63 = arith.xori %lt3A_60, %lt3A_62 : i1
        %and3A = arith.andi %ne3A_63, %ne3A_59 : i1
        %add3A_64 = arith.addi %rem3A, %select_n3A : i32
        %select_n3A_65 = arith.select %and3A, %add3A_64, %rem3A : i32
        %eq3A_66 = arith.constant 0 : i32
        %eq3A_67 = arith.cmpi eq, %select_n3A_65, %eq3A_66 : i32
        %convert_element_type3A_68 = arith.extui %eq3A_67 : i1 to i32
        %cond3A_69 = arith.constant 0 : i32
        %cond3A_70 = arith.cmpi ne, %convert_element_type3A_68, %cond3A_69 : i32
        scf.if %cond3A_70 {
          %add3A_93 = arith.constant 1 : i32
          %add3A_94 = arith.addi %while3A_55, %add3A_93 : i32
          %lt3A_95 = arith.cmpi slt, %add3A_94, %scan3A_35 : i32
          %convert_element_type3A_96 = arith.extui %lt3A_95 : i1 to i32
          %cond3A_97 = arith.constant 0 : i32
          %cond3A_98 = arith.cmpi ne, %convert_element_type3A_96, %cond3A_97 : i32
          scf.if %cond3A_98 {
            %add3A_164 = arith.constant 1 : i32
            %add3A_165 = arith.addi %while3A_55, %add3A_164 : i32
            %mul3A_166 = arith.constant 4 : i32
            %mul3A_167 = arith.muli %mul3A_166, %add3A_165 : i32
            %get3A_168 = arith.index_cast %mul3A_167 : i32 to index
            %get3A_169 = memref.load %arg11[%get3A_168] : memref<128xi32, #tpu.memory_space<smem>>
            %mul3A_170 = arith.constant 4 : i32
            %mul3A_171 = arith.muli %mul3A_170, %add3A_165 : i32
            %add3A_172 = arith.constant 1 : i32
            %add3A_173 = arith.addi %mul3A_171, %add3A_172 : i32
            %get3A_174 = arith.index_cast %add3A_173 : i32 to index
            %get3A_175 = memref.load %arg11[%get3A_174] : memref<128xi32, #tpu.memory_space<smem>>
            %dma_start3A = arith.constant 0 : i32
            %dma_start3A_176 = arith.constant 1 : i32
            %dma_start3A_177 = arith.constant 0 : i32
            %dma_start3A_178 = arith.constant 0 : i32
            %dma_start3A_179 = arith.constant 0 : i32
            %dma_start3A_180 = tpu.memref_slice %arg8[%dma_start3A_176, %dma_start3A_177, %dma_start3A_178, %dma_start3A_179] : memref<2x2x96x96xf32, #tpu.memory_space<vmem>> -> memref<1x1x96x96xf32, #tpu.memory_space<vmem>>
            %dma_start3A_181 = tpu.memref_squeeze %dma_start3A_180 : memref<1x1x96x96xf32, #tpu.memory_space<vmem>> -> memref<96x96xf32, #tpu.memory_space<vmem>>
            %dma_start3A_182 = arith.constant 0 : i32
            %dma_start3A_183 = arith.constant 0 : i32
            %dma_start3A_184 = tpu.memref_slice %arg2[%get3A_169, %dma_start3A, %get3A_175, %dma_start3A_182, %dma_start3A_183] : memref<27x2x96x96x96xf32, #tpu.memory_space<hbm>> -> memref<1x1x1x96x96xf32, #tpu.memory_space<hbm>>
            %dma_start3A_185 = tpu.memref_squeeze %dma_start3A_184 : memref<1x1x1x96x96xf32, #tpu.memory_space<hbm>> -> memref<96x96xf32, #tpu.memory_space<hbm>>
            %dma_start3A_186 = arith.constant 0 : i32
            %dma_start3A_187 = arith.constant 0 : i32
            %dma_start3A_188 = tpu.memref_slice %arg8[%dma_start3A_176, %dma_start3A_177, %dma_start3A_186, %dma_start3A_187] : memref<2x2x96x96xf32, #tpu.memory_space<vmem>> -> memref<1x1x96x96xf32, #tpu.memory_space<vmem>>
            %dma_start3A_189 = tpu.memref_squeeze %dma_start3A_188 : memref<1x1x96x96xf32, #tpu.memory_space<vmem>> -> memref<96x96xf32, #tpu.memory_space<vmem>>
            %dma_start3A_190 = arith.constant 0 : i32
            %dma_start3A_191 = arith.constant 0 : i32
            %dma_start3A_192 = tpu.memref_slice %arg2[%get3A_169, %dma_start3A, %get3A_175, %dma_start3A_190, %dma_start3A_191] : memref<27x2x96x96x96xf32, #tpu.memory_space<hbm>> -> memref<1x1x1x96x96xf32, #tpu.memory_space<hbm>>
            %dma_start3A_193 = tpu.memref_squeeze %dma_start3A_192 : memref<1x1x1x96x96xf32, #tpu.memory_space<hbm>> -> memref<96x96xf32, #tpu.memory_space<hbm>>
            tpu.enqueue_dma source(%dma_start3A_193 : memref<96x96xf32, #tpu.memory_space<hbm>>) target(%dma_start3A_189 : memref<96x96xf32, #tpu.memory_space<vmem>>) target_semaphore(%arg13 : memref<!tpu.dma_semaphore, #tpu.memory_space<semaphore_mem>>)
            %dma_start3A_194 = arith.constant 1 : i32
            %dma_start3A_195 = arith.constant 1 : i32
            %dma_start3A_196 = arith.constant 1 : i32
            %dma_start3A_197 = arith.constant 0 : i32
            %dma_start3A_198 = arith.constant 0 : i32
            %dma_start3A_199 = tpu.memref_slice %arg8[%dma_start3A_195, %dma_start3A_196, %dma_start3A_197, %dma_start3A_198] : memref<2x2x96x96xf32, #tpu.memory_space<vmem>> -> memref<1x1x96x96xf32, #tpu.memory_space<vmem>>
            %dma_start3A_200 = tpu.memref_squeeze %dma_start3A_199 : memref<1x1x96x96xf32, #tpu.memory_space<vmem>> -> memref<96x96xf32, #tpu.memory_space<vmem>>
            %dma_start3A_201 = arith.constant 0 : i32
            %dma_start3A_202 = arith.constant 0 : i32
            %dma_start3A_203 = tpu.memref_slice %arg2[%get3A_169, %dma_start3A_194, %get3A_175, %dma_start3A_201, %dma_start3A_202] : memref<27x2x96x96x96xf32, #tpu.memory_space<hbm>> -> memref<1x1x1x96x96xf32, #tpu.memory_space<hbm>>
            %dma_start3A_204 = tpu.memref_squeeze %dma_start3A_203 : memref<1x1x1x96x96xf32, #tpu.memory_space<hbm>> -> memref<96x96xf32, #tpu.memory_space<hbm>>
            %dma_start3A_205 = arith.constant 0 : i32
            %dma_start3A_206 = arith.constant 0 : i32
            %dma_start3A_207 = tpu.memref_slice %arg8[%dma_start3A_195, %dma_start3A_196, %dma_start3A_205, %dma_start3A_206] : memref<2x2x96x96xf32, #tpu.memory_space<vmem>> -> memref<1x1x96x96xf32, #tpu.memory_space<vmem>>
            %dma_start3A_208 = tpu.memref_squeeze %dma_start3A_207 : memref<1x1x96x96xf32, #tpu.memory_space<vmem>> -> memref<96x96xf32, #tpu.memory_space<vmem>>
            %dma_start3A_209 = arith.constant 0 : i32
            %dma_start3A_210 = arith.constant 0 : i32
            %dma_start3A_211 = tpu.memref_slice %arg2[%get3A_169, %dma_start3A_194, %get3A_175, %dma_start3A_209, %dma_start3A_210] : memref<27x2x96x96x96xf32, #tpu.memory_space<hbm>> -> memref<1x1x1x96x96xf32, #tpu.memory_space<hbm>>
            %dma_start3A_212 = tpu.memref_squeeze %dma_start3A_211 : memref<1x1x1x96x96xf32, #tpu.memory_space<hbm>> -> memref<96x96xf32, #tpu.memory_space<hbm>>
            tpu.enqueue_dma source(%dma_start3A_212 : memref<96x96xf32, #tpu.memory_space<hbm>>) target(%dma_start3A_208 : memref<96x96xf32, #tpu.memory_space<vmem>>) target_semaphore(%arg13 : memref<!tpu.dma_semaphore, #tpu.memory_space<semaphore_mem>>)
          } else {
          }
          %dma_wait3A = arith.constant 0 : i32
          %dma_wait3A_99 = arith.constant 0 : i32
          %dma_wait3A_100 = arith.constant 0 : i32
          %dma_wait3A_101 = arith.constant 0 : i32
          %dma_wait3A_102 = arith.constant 0 : i32
          %dma_wait3A_103 = arith.constant 0 : i32
          %dma_wait3A_104 = arith.constant 0 : i32
          %dma_wait3A_105 = tpu.memref_slice %arg8[%dma_wait3A_101, %dma_wait3A_102, %dma_wait3A_103, %dma_wait3A_104] : memref<2x2x96x96xf32, #tpu.memory_space<vmem>> -> memref<1x1x96x96xf32, #tpu.memory_space<vmem>>
          %dma_wait3A_106 = tpu.memref_squeeze %dma_wait3A_105 : memref<1x1x96x96xf32, #tpu.memory_space<vmem>> -> memref<96x96xf32, #tpu.memory_space<vmem>>
          %dma_wait3A_107 = arith.constant 0 : i32
          %dma_wait3A_108 = arith.constant 0 : i32
          %dma_wait3A_109 = tpu.memref_slice %arg2[%dma_wait3A, %dma_wait3A_99, %dma_wait3A_100, %dma_wait3A_107, %dma_wait3A_108] : memref<27x2x96x96x96xf32, #tpu.memory_space<hbm>> -> memref<1x1x1x96x96xf32, #tpu.memory_space<hbm>>
          %dma_wait3A_110 = tpu.memref_squeeze %dma_wait3A_109 : memref<1x1x1x96x96xf32, #tpu.memory_space<hbm>> -> memref<96x96xf32, #tpu.memory_space<hbm>>
          %dma_wait3A_111 = arith.constant 0 : i32
          %dma_wait3A_112 = arith.constant 0 : i32
          %dma_wait3A_113 = tpu.memref_slice %arg8[%dma_wait3A_101, %dma_wait3A_102, %dma_wait3A_111, %dma_wait3A_112] : memref<2x2x96x96xf32, #tpu.memory_space<vmem>> -> memref<1x1x96x96xf32, #tpu.memory_space<vmem>>
          %dma_wait3A_114 = tpu.memref_squeeze %dma_wait3A_113 : memref<1x1x96x96xf32, #tpu.memory_space<vmem>> -> memref<96x96xf32, #tpu.memory_space<vmem>>
          %dma_wait3A_115 = arith.constant 0 : i32
          %dma_wait3A_116 = arith.constant 0 : i32
          %dma_wait3A_117 = tpu.memref_slice %arg2[%dma_wait3A, %dma_wait3A_99, %dma_wait3A_100, %dma_wait3A_115, %dma_wait3A_116] : memref<27x2x96x96x96xf32, #tpu.memory_space<hbm>> -> memref<1x1x1x96x96xf32, #tpu.memory_space<hbm>>
          %dma_wait3A_118 = tpu.memref_squeeze %dma_wait3A_117 : memref<1x1x1x96x96xf32, #tpu.memory_space<hbm>> -> memref<96x96xf32, #tpu.memory_space<hbm>>
          tpu.wait_dma2 semaphore(%arg12 : memref<!tpu.dma_semaphore, #tpu.memory_space<semaphore_mem>>) src(%dma_wait3A_118 : memref<96x96xf32, #tpu.memory_space<hbm>>) dst(%dma_wait3A_114 : memref<96x96xf32, #tpu.memory_space<vmem>>)
          %dma_wait3A_119 = arith.constant 0 : i32
          %dma_wait3A_120 = arith.constant 0 : i32
          %dma_wait3A_121 = arith.constant 0 : i32
          %dma_wait3A_122 = arith.constant 0 : i32
          %dma_wait3A_123 = arith.constant 1 : i32
          %dma_wait3A_124 = arith.constant 0 : i32
          %dma_wait3A_125 = arith.constant 0 : i32
          %dma_wait3A_126 = tpu.memref_slice %arg8[%dma_wait3A_122, %dma_wait3A_123, %dma_wait3A_124, %dma_wait3A_125] : memref<2x2x96x96xf32, #tpu.memory_space<vmem>> -> memref<1x1x96x96xf32, #tpu.memory_space<vmem>>
          %dma_wait3A_127 = tpu.memref_squeeze %dma_wait3A_126 : memref<1x1x96x96xf32, #tpu.memory_space<vmem>> -> memref<96x96xf32, #tpu.memory_space<vmem>>
          %dma_wait3A_128 = arith.constant 0 : i32
          %dma_wait3A_129 = arith.constant 0 : i32
          %dma_wait3A_130 = tpu.memref_slice %arg2[%dma_wait3A_119, %dma_wait3A_120, %dma_wait3A_121, %dma_wait3A_128, %dma_wait3A_129] : memref<27x2x96x96x96xf32, #tpu.memory_space<hbm>> -> memref<1x1x1x96x96xf32, #tpu.memory_space<hbm>>
          %dma_wait3A_131 = tpu.memref_squeeze %dma_wait3A_130 : memref<1x1x1x96x96xf32, #tpu.memory_space<hbm>> -> memref<96x96xf32, #tpu.memory_space<hbm>>
          %dma_wait3A_132 = arith.constant 0 : i32
          %dma_wait3A_133 = arith.constant 0 : i32
          %dma_wait3A_134 = tpu.memref_slice %arg8[%dma_wait3A_122, %dma_wait3A_123, %dma_wait3A_132, %dma_wait3A_133] : memref<2x2x96x96xf32, #tpu.memory_space<vmem>> -> memref<1x1x96x96xf32, #tpu.memory_space<vmem>>
          %dma_wait3A_135 = tpu.memref_squeeze %dma_wait3A_134 : memref<1x1x96x96xf32, #tpu.memory_space<vmem>> -> memref<96x96xf32, #tpu.memory_space<vmem>>
          %dma_wait3A_136 = arith.constant 0 : i32
          %dma_wait3A_137 = arith.constant 0 : i32
          %dma_wait3A_138 = tpu.memref_slice %arg2[%dma_wait3A_119, %dma_wait3A_120, %dma_wait3A_121, %dma_wait3A_136, %dma_wait3A_137] : memref<27x2x96x96x96xf32, #tpu.memory_space<hbm>> -> memref<1x1x1x96x96xf32, #tpu.memory_space<hbm>>
          %dma_wait3A_139 = tpu.memref_squeeze %dma_wait3A_138 : memref<1x1x1x96x96xf32, #tpu.memory_space<hbm>> -> memref<96x96xf32, #tpu.memory_space<hbm>>
          tpu.wait_dma2 semaphore(%arg12 : memref<!tpu.dma_semaphore, #tpu.memory_space<semaphore_mem>>) src(%dma_wait3A_139 : memref<96x96xf32, #tpu.memory_space<hbm>>) dst(%dma_wait3A_135 : memref<96x96xf32, #tpu.memory_space<vmem>>)
          %mul3A_140 = arith.constant 4 : i32
          %mul3A_141 = arith.muli %mul3A_140, %while3A_55 : i32
          %add3A_142 = arith.constant 1 : i32
          %add3A_143 = arith.addi %mul3A_141, %add3A_142 : i32
          %get3A_144 = arith.index_cast %add3A_143 : i32 to index
          %get3A_145 = memref.load %arg11[%get3A_144] : memref<128xi32, #tpu.memory_space<smem>>
          %mul3A_146 = arith.constant 4 : i32
          %mul3A_147 = arith.muli %mul3A_146, %while3A_55 : i32
          %add3A_148 = arith.constant 2 : i32
          %add3A_149 = arith.addi %mul3A_147, %add3A_148 : i32
          %get3A_150 = arith.index_cast %add3A_149 : i32 to index
          %get3A_151 = memref.load %arg11[%get3A_150] : memref<128xi32, #tpu.memory_space<smem>>
          %mul3A_152 = arith.constant 4 : i32
          %mul3A_153 = arith.muli %mul3A_152, %while3A_55 : i32
          %add3A_154 = arith.constant 3 : i32
          %add3A_155 = arith.addi %mul3A_153, %add3A_154 : i32
          %get3A_156 = arith.index_cast %add3A_155 : i32 to index
          %get3A_157 = memref.load %arg11[%get3A_156] : memref<128xi32, #tpu.memory_space<smem>>
          %get3A_158 = arith.index_cast %get3A_145 : i32 to index
          %get3A_159 = tpu.vector_load %arg10[%get3A_158] {strides = array<i32>} : memref<112xf32, #tpu.memory_space<vmem>>, vector<16xf32>,
          %get3A_160 = vector.shape_cast %get3A_159 : vector<16xf32> to vector<16xf32>
          %slice3A = vector.extract_strided_slice %get3A_160 {offsets = [0], sizes = [1], strides = [1]} : vector<16xf32> to vector<1xf32>
          %squeeze3A = vector.extract %slice3A[0] : f32 from vector<1xf32>
          %parallel_loop3A_161 = arith.constant 0 : i32
          %parallel_loop3A_162 = arith.constant 96 : i32
          %parallel_loop3A_163 = arith.constant 1 : i32
          scf.for %parallel_loop3A_164 = %parallel_loop3A_161 to %parallel_loop3A_162 step %parallel_loop3A_163  : i32 {
            %parallel_loop3A_165 = arith.index_cast %parallel_loop3A_164 : i32 to index
            %parallel_loop3A_166 = tpu.vector_load %arg10[%parallel_loop3A_165] {strides = array<i32>} : memref<112xf32, #tpu.memory_space<vmem>>, vector<16xf32>,
            %parallel_loop3A_167 = vector.shape_cast %parallel_loop3A_166 : vector<16xf32> to vector<16xf32>
            %parallel_loop3A_168 = vector.extract_strided_slice %parallel_loop3A_167 {offsets = [0], sizes = [1], strides = [1]} : vector<16xf32> to vector<1xf32>
            %parallel_loop3A_169 = vector.extract %parallel_loop3A_168[0] : f32 from vector<1xf32>
            %parallel_loop3A_170 = arith.mulf %squeeze3A, %parallel_loop3A_169 : f32
            %parallel_loop3A_171 = arith.addi %get3A_151, %parallel_loop3A_164 : i32
            %parallel_loop3A_172 = arith.constant 192 : i32
            %parallel_loop3A_173 = arith.muli %parallel_loop3A_171, %parallel_loop3A_172 : i32
            %parallel_loop3A_174 = arith.addi %parallel_loop3A_173, %get3A_157 : i32
            %parallel_loop3A_175 = vector.broadcast %parallel_loop3A_170 : f32 to vector<16xf32>
            %parallel_loop3A_176 = arith.mulf %get3A_3, %parallel_loop3A_175 : vector<16xf32>
            %parallel_loop3A_177 = arith.constant 0 : i32
            %parallel_loop3A_178 = arith.addi %parallel_loop3A_174, %parallel_loop3A_177 : i32
            %parallel_loop3A_179 = arith.constant 0 : i32
            %parallel_loop3A_180 = arith.constant 0 : i32
            %parallel_loop3A_181 = arith.index_cast %parallel_loop3A_179 : i32 to index
            %parallel_loop3A_182 = arith.index_cast %parallel_loop3A_180 : i32 to index
            %parallel_loop3A_183 = arith.index_cast %parallel_loop3A_164 : i32 to index
            %parallel_loop3A_184 = arith.constant 0 : index
            %parallel_loop3A_185 = tpu.vector_load %arg8[%parallel_loop3A_181, %parallel_loop3A_182, %parallel_loop3A_183, %parallel_loop3A_184] {strides = array<i32>} : memref<2x2x96x96xf32, #tpu.memory_space<vmem>>, vector<1x1x1x16xf32>,
            %parallel_loop3A_186 = vector.shape_cast %parallel_loop3A_185 : vector<1x1x1x16xf32> to vector<16xf32>
            %parallel_loop3A_187 = arith.mulf %parallel_loop3A_186, %parallel_loop3A_176 : vector<16xf32>
            %parallel_loop3A_188 = arith.index_cast %parallel_loop3A_178 : i32 to index
            %parallel_loop3A_189 = tpu.vector_load %arg6[%parallel_loop3A_188] {strides = array<i32>} : memref<36864xf32, #tpu.memory_space<vmem>>, vector<16xf32>,
            %parallel_loop3A_190 = vector.shape_cast %parallel_loop3A_189 : vector<16xf32> to vector<16xf32>
            %parallel_loop3A_191 = vector.shape_cast %parallel_loop3A_187 : vector<16xf32> to vector<16xf32>
            tpu.vector_store %arg6[%parallel_loop3A_188], %parallel_loop3A_191 {add = true, strides = array<i32>} : memref<36864xf32, #tpu.memory_space<vmem>>, vector<16xf32>,
            %parallel_loop3A_192 = arith.constant 0 : i32
            %parallel_loop3A_193 = arith.addi %parallel_loop3A_174, %parallel_loop3A_192 : i32
            %parallel_loop3A_194 = arith.constant 0 : i32
            %parallel_loop3A_195 = arith.constant 1 : i32
            %parallel_loop3A_196 = arith.index_cast %parallel_loop3A_194 : i32 to index
            %parallel_loop3A_197 = arith.index_cast %parallel_loop3A_195 : i32 to index
            %parallel_loop3A_198 = arith.index_cast %parallel_loop3A_164 : i32 to index
            %parallel_loop3A_199 = arith.constant 0 : index
            %parallel_loop3A_200 = tpu.vector_load %arg8[%parallel_loop3A_196, %parallel_loop3A_197, %parallel_loop3A_198, %parallel_loop3A_199] {strides = array<i32>} : memref<2x2x96x96xf32, #tpu.memory_space<vmem>>, vector<1x1x1x16xf32>,
            %parallel_loop3A_201 = vector.shape_cast %parallel_loop3A_200 : vector<1x1x1x16xf32> to vector<16xf32>
            %parallel_loop3A_202 = arith.mulf %parallel_loop3A_201, %parallel_loop3A_176 : vector<16xf32>
            %parallel_loop3A_203 = arith.index_cast %parallel_loop3A_193 : i32 to index
            %parallel_loop3A_204 = tpu.vector_load %arg7[%parallel_loop3A_203] {strides = array<i32>} : memref<36864xf32, #tpu.memory_space<vmem>>, vector<16xf32>,
            %parallel_loop3A_205 = vector.shape_cast %parallel_loop3A_204 : vector<16xf32> to vector<16xf32>
            %parallel_loop3A_206 = vector.shape_cast %parallel_loop3A_202 : vector<16xf32> to vector<16xf32>
            tpu.vector_store %arg7[%parallel_loop3A_203], %parallel_loop3A_206 {add = true, strides = array<i32>} : memref<36864xf32, #tpu.memory_space<vmem>>, vector<16xf32>,
            %parallel_loop3A_207 = vector.broadcast %parallel_loop3A_170 : f32 to vector<16xf32>
            %parallel_loop3A_208 = arith.mulf %get3A_6, %parallel_loop3A_207 : vector<16xf32>
            %parallel_loop3A_209 = arith.constant 16 : i32
            %parallel_loop3A_210 = arith.addi %parallel_loop3A_174, %parallel_loop3A_209 : i32
            %parallel_loop3A_211 = arith.constant 0 : i32
            %parallel_loop3A_212 = arith.constant 0 : i32
            %parallel_loop3A_213 = arith.index_cast %parallel_loop3A_211 : i32 to index
            %parallel_loop3A_214 = arith.index_cast %parallel_loop3A_212 : i32 to index
            %parallel_loop3A_215 = arith.index_cast %parallel_loop3A_164 : i32 to index
            %parallel_loop3A_216 = arith.constant 16 : index
            %parallel_loop3A_217 = tpu.vector_load %arg8[%parallel_loop3A_213, %parallel_loop3A_214, %parallel_loop3A_215, %parallel_loop3A_216] {strides = array<i32>} : memref<2x2x96x96xf32, #tpu.memory_space<vmem>>, vector<1x1x1x16xf32>,
            %parallel_loop3A_218 = vector.shape_cast %parallel_loop3A_217 : vector<1x1x1x16xf32> to vector<16xf32>
            %parallel_loop3A_219 = arith.mulf %parallel_loop3A_218, %parallel_loop3A_208 : vector<16xf32>
            %parallel_loop3A_220 = arith.index_cast %parallel_loop3A_210 : i32 to index
            %parallel_loop3A_221 = tpu.vector_load %arg6[%parallel_loop3A_220] {strides = array<i32>} : memref<36864xf32, #tpu.memory_space<vmem>>, vector<16xf32>,
            %parallel_loop3A_222 = vector.shape_cast %parallel_loop3A_221 : vector<16xf32> to vector<16xf32>
            %parallel_loop3A_223 = vector.shape_cast %parallel_loop3A_219 : vector<16xf32> to vector<16xf32>
            tpu.vector_store %arg6[%parallel_loop3A_220], %parallel_loop3A_223 {add = true, strides = array<i32>} : memref<36864xf32, #tpu.memory_space<vmem>>, vector<16xf32>,
            %parallel_loop3A_224 = arith.constant 16 : i32
            %parallel_loop3A_225 = arith.addi %parallel_loop3A_174, %parallel_loop3A_224 : i32
            %parallel_loop3A_226 = arith.constant 0 : i32
            %parallel_loop3A_227 = arith.constant 1 : i32
            %parallel_loop3A_228 = arith.index_cast %parallel_loop3A_226 : i32 to index
            %parallel_loop3A_229 = arith.index_cast %parallel_loop3A_227 : i32 to index
            %parallel_loop3A_230 = arith.index_cast %parallel_loop3A_164 : i32 to index
            %parallel_loop3A_231 = arith.constant 16 : index
            %parallel_loop3A_232 = tpu.vector_load %arg8[%parallel_loop3A_228, %parallel_loop3A_229, %parallel_loop3A_230, %parallel_loop3A_231] {strides = array<i32>} : memref<2x2x96x96xf32, #tpu.memory_space<vmem>>, vector<1x1x1x16xf32>,
            %parallel_loop3A_233 = vector.shape_cast %parallel_loop3A_232 : vector<1x1x1x16xf32> to vector<16xf32>
            %parallel_loop3A_234 = arith.mulf %parallel_loop3A_233, %parallel_loop3A_208 : vector<16xf32>
            %parallel_loop3A_235 = arith.index_cast %parallel_loop3A_225 : i32 to index
            %parallel_loop3A_236 = tpu.vector_load %arg7[%parallel_loop3A_235] {strides = array<i32>} : memref<36864xf32, #tpu.memory_space<vmem>>, vector<16xf32>,
            %parallel_loop3A_237 = vector.shape_cast %parallel_loop3A_236 : vector<16xf32> to vector<16xf32>
            %parallel_loop3A_238 = vector.shape_cast %parallel_loop3A_234 : vector<16xf32> to vector<16xf32>
            tpu.vector_store %arg7[%parallel_loop3A_235], %parallel_loop3A_238 {add = true, strides = array<i32>} : memref<36864xf32, #tpu.memory_space<vmem>>, vector<16xf32>,
            %parallel_loop3A_239 = vector.broadcast %parallel_loop3A_170 : f32 to vector<16xf32>
            %parallel_loop3A_240 = arith.mulf %get3A_9, %parallel_loop3A_239 : vector<16xf32>
            %parallel_loop3A_241 = arith.constant 32 : i32
            %parallel_loop3A_242 = arith.addi %parallel_loop3A_174, %parallel_loop3A_241 : i32
            %parallel_loop3A_243 = arith.constant 0 : i32
            %parallel_loop3A_244 = arith.constant 0 : i32
            %parallel_loop3A_245 = arith.index_cast %parallel_loop3A_243 : i32 to index
            %parallel_loop3A_246 = arith.index_cast %parallel_loop3A_244 : i32 to index
            %parallel_loop3A_247 = arith.index_cast %parallel_loop3A_164 : i32 to index
            %parallel_loop3A_248 = arith.constant 32 : index
            %parallel_loop3A_249 = tpu.vector_load %arg8[%parallel_loop3A_245, %parallel_loop3A_246, %parallel_loop3A_247, %parallel_loop3A_248] {strides = array<i32>} : memref<2x2x96x96xf32, #tpu.memory_space<vmem>>, vector<1x1x1x16xf32>,
            %parallel_loop3A_250 = vector.shape_cast %parallel_loop3A_249 : vector<1x1x1x16xf32> to vector<16xf32>
            %parallel_loop3A_251 = arith.mulf %parallel_loop3A_250, %parallel_loop3A_240 : vector<16xf32>
            %parallel_loop3A_252 = arith.index_cast %parallel_loop3A_242 : i32 to index
            %parallel_loop3A_253 = tpu.vector_load %arg6[%parallel_loop3A_252] {strides = array<i32>} : memref<36864xf32, #tpu.memory_space<vmem>>, vector<16xf32>,
            %parallel_loop3A_254 = vector.shape_cast %parallel_loop3A_253 : vector<16xf32> to vector<16xf32>
            %parallel_loop3A_255 = vector.shape_cast %parallel_loop3A_251 : vector<16xf32> to vector<16xf32>
            tpu.vector_store %arg6[%parallel_loop3A_252], %parallel_loop3A_255 {add = true, strides = array<i32>} : memref<36864xf32, #tpu.memory_space<vmem>>, vector<16xf32>,
            %parallel_loop3A_256 = arith.constant 32 : i32
            %parallel_loop3A_257 = arith.addi %parallel_loop3A_174, %parallel_loop3A_256 : i32
            %parallel_loop3A_258 = arith.constant 0 : i32
            %parallel_loop3A_259 = arith.constant 1 : i32
            %parallel_loop3A_260 = arith.index_cast %parallel_loop3A_258 : i32 to index
            %parallel_loop3A_261 = arith.index_cast %parallel_loop3A_259 : i32 to index
            %parallel_loop3A_262 = arith.index_cast %parallel_loop3A_164 : i32 to index
            %parallel_loop3A_263 = arith.constant 32 : index
            %parallel_loop3A_264 = tpu.vector_load %arg8[%parallel_loop3A_260, %parallel_loop3A_261, %parallel_loop3A_262, %parallel_loop3A_263] {strides = array<i32>} : memref<2x2x96x96xf32, #tpu.memory_space<vmem>>, vector<1x1x1x16xf32>,
            %parallel_loop3A_265 = vector.shape_cast %parallel_loop3A_264 : vector<1x1x1x16xf32> to vector<16xf32>
            %parallel_loop3A_266 = arith.mulf %parallel_loop3A_265, %parallel_loop3A_240 : vector<16xf32>
            %parallel_loop3A_267 = arith.index_cast %parallel_loop3A_257 : i32 to index
            %parallel_loop3A_268 = tpu.vector_load %arg7[%parallel_loop3A_267] {strides = array<i32>} : memref<36864xf32, #tpu.memory_space<vmem>>, vector<16xf32>,
            %parallel_loop3A_269 = vector.shape_cast %parallel_loop3A_268 : vector<16xf32> to vector<16xf32>
            %parallel_loop3A_270 = vector.shape_cast %parallel_loop3A_266 : vector<16xf32> to vector<16xf32>
            tpu.vector_store %arg7[%parallel_loop3A_267], %parallel_loop3A_270 {add = true, strides = array<i32>} : memref<36864xf32, #tpu.memory_space<vmem>>, vector<16xf32>,
            %parallel_loop3A_271 = vector.broadcast %parallel_loop3A_170 : f32 to vector<16xf32>
            %parallel_loop3A_272 = arith.mulf %get3A_12, %parallel_loop3A_271 : vector<16xf32>
            %parallel_loop3A_273 = arith.constant 48 : i32
            %parallel_loop3A_274 = arith.addi %parallel_loop3A_174, %parallel_loop3A_273 : i32
            %parallel_loop3A_275 = arith.constant 0 : i32
            %parallel_loop3A_276 = arith.constant 0 : i32
            %parallel_loop3A_277 = arith.index_cast %parallel_loop3A_275 : i32 to index
            %parallel_loop3A_278 = arith.index_cast %parallel_loop3A_276 : i32 to index
            %parallel_loop3A_279 = arith.index_cast %parallel_loop3A_164 : i32 to index
            %parallel_loop3A_280 = arith.constant 48 : index
            %parallel_loop3A_281 = tpu.vector_load %arg8[%parallel_loop3A_277, %parallel_loop3A_278, %parallel_loop3A_279, %parallel_loop3A_280] {strides = array<i32>} : memref<2x2x96x96xf32, #tpu.memory_space<vmem>>, vector<1x1x1x16xf32>,
            %parallel_loop3A_282 = vector.shape_cast %parallel_loop3A_281 : vector<1x1x1x16xf32> to vector<16xf32>
            %parallel_loop3A_283 = arith.mulf %parallel_loop3A_282, %parallel_loop3A_272 : vector<16xf32>
            %parallel_loop3A_284 = arith.index_cast %parallel_loop3A_274 : i32 to index
            %parallel_loop3A_285 = tpu.vector_load %arg6[%parallel_loop3A_284] {strides = array<i32>} : memref<36864xf32, #tpu.memory_space<vmem>>, vector<16xf32>,
            %parallel_loop3A_286 = vector.shape_cast %parallel_loop3A_285 : vector<16xf32> to vector<16xf32>
            %parallel_loop3A_287 = vector.shape_cast %parallel_loop3A_283 : vector<16xf32> to vector<16xf32>
            tpu.vector_store %arg6[%parallel_loop3A_284], %parallel_loop3A_287 {add = true, strides = array<i32>} : memref<36864xf32, #tpu.memory_space<vmem>>, vector<16xf32>,
            %parallel_loop3A_288 = arith.constant 48 : i32
            %parallel_loop3A_289 = arith.addi %parallel_loop3A_174, %parallel_loop3A_288 : i32
            %parallel_loop3A_290 = arith.constant 0 : i32
            %parallel_loop3A_291 = arith.constant 1 : i32
            %parallel_loop3A_292 = arith.index_cast %parallel_loop3A_290 : i32 to index
            %parallel_loop3A_293 = arith.index_cast %parallel_loop3A_291 : i32 to index
            %parallel_loop3A_294 = arith.index_cast %parallel_loop3A_164 : i32 to index
            %parallel_loop3A_295 = arith.constant 48 : index
            %parallel_loop3A_296 = tpu.vector_load %arg8[%parallel_loop3A_292, %parallel_loop3A_293, %parallel_loop3A_294, %parallel_loop3A_295] {strides = array<i32>} : memref<2x2x96x96xf32, #tpu.memory_space<vmem>>, vector<1x1x1x16xf32>,
            %parallel_loop3A_297 = vector.shape_cast %parallel_loop3A_296 : vector<1x1x1x16xf32> to vector<16xf32>
            %parallel_loop3A_298 = arith.mulf %parallel_loop3A_297, %parallel_loop3A_272 : vector<16xf32>
            %parallel_loop3A_299 = arith.index_cast %parallel_loop3A_289 : i32 to index
            %parallel_loop3A_300 = tpu.vector_load %arg7[%parallel_loop3A_299] {strides = array<i32>} : memref<36864xf32, #tpu.memory_space<vmem>>, vector<16xf32>,
            %parallel_loop3A_301 = vector.shape_cast %parallel_loop3A_300 : vector<16xf32> to vector<16xf32>
            %parallel_loop3A_302 = vector.shape_cast %parallel_loop3A_298 : vector<16xf32> to vector<16xf32>
            tpu.vector_store %arg7[%parallel_loop3A_299], %parallel_loop3A_302 {add = true, strides = array<i32>} : memref<36864xf32, #tpu.memory_space<vmem>>, vector<16xf32>,
            %parallel_loop3A_303 = vector.broadcast %parallel_loop3A_170 : f32 to vector<16xf32>
            %parallel_loop3A_304 = arith.mulf %get3A_15, %parallel_loop3A_303 : vector<16xf32>
            %parallel_loop3A_305 = arith.constant 64 : i32
            %parallel_loop3A_306 = arith.addi %parallel_loop3A_174, %parallel_loop3A_305 : i32
            %parallel_loop3A_307 = arith.constant 0 : i32
            %parallel_loop3A_308 = arith.constant 0 : i32
            %parallel_loop3A_309 = arith.index_cast %parallel_loop3A_307 : i32 to index
            %parallel_loop3A_310 = arith.index_cast %parallel_loop3A_308 : i32 to index
            %parallel_loop3A_311 = arith.index_cast %parallel_loop3A_164 : i32 to index
            %parallel_loop3A_312 = arith.constant 64 : index
            %parallel_loop3A_313 = tpu.vector_load %arg8[%parallel_loop3A_309, %parallel_loop3A_310, %parallel_loop3A_311, %parallel_loop3A_312] {strides = array<i32>} : memref<2x2x96x96xf32, #tpu.memory_space<vmem>>, vector<1x1x1x16xf32>,
            %parallel_loop3A_314 = vector.shape_cast %parallel_loop3A_313 : vector<1x1x1x16xf32> to vector<16xf32>
            %parallel_loop3A_315 = arith.mulf %parallel_loop3A_314, %parallel_loop3A_304 : vector<16xf32>
            %parallel_loop3A_316 = arith.index_cast %parallel_loop3A_306 : i32 to index
            %parallel_loop3A_317 = tpu.vector_load %arg6[%parallel_loop3A_316] {strides = array<i32>} : memref<36864xf32, #tpu.memory_space<vmem>>, vector<16xf32>,
            %parallel_loop3A_318 = vector.shape_cast %parallel_loop3A_317 : vector<16xf32> to vector<16xf32>
            %parallel_loop3A_319 = vector.shape_cast %parallel_loop3A_315 : vector<16xf32> to vector<16xf32>
            tpu.vector_store %arg6[%parallel_loop3A_316], %parallel_loop3A_319 {add = true, strides = array<i32>} : memref<36864xf32, #tpu.memory_space<vmem>>, vector<16xf32>,
            %parallel_loop3A_320 = arith.constant 64 : i32
            %parallel_loop3A_321 = arith.addi %parallel_loop3A_174, %parallel_loop3A_320 : i32
            %parallel_loop3A_322 = arith.constant 0 : i32
            %parallel_loop3A_323 = arith.constant 1 : i32
            %parallel_loop3A_324 = arith.index_cast %parallel_loop3A_322 : i32 to index
            %parallel_loop3A_325 = arith.index_cast %parallel_loop3A_323 : i32 to index
            %parallel_loop3A_326 = arith.index_cast %parallel_loop3A_164 : i32 to index
            %parallel_loop3A_327 = arith.constant 64 : index
            %parallel_loop3A_328 = tpu.vector_load %arg8[%parallel_loop3A_324, %parallel_loop3A_325, %parallel_loop3A_326, %parallel_loop3A_327] {strides = array<i32>} : memref<2x2x96x96xf32, #tpu.memory_space<vmem>>, vector<1x1x1x16xf32>,
            %parallel_loop3A_329 = vector.shape_cast %parallel_loop3A_328 : vector<1x1x1x16xf32> to vector<16xf32>
            %parallel_loop3A_330 = arith.mulf %parallel_loop3A_329, %parallel_loop3A_304 : vector<16xf32>
            %parallel_loop3A_331 = arith.index_cast %parallel_loop3A_321 : i32 to index
            %parallel_loop3A_332 = tpu.vector_load %arg7[%parallel_loop3A_331] {strides = array<i32>} : memref<36864xf32, #tpu.memory_space<vmem>>, vector<16xf32>,
            %parallel_loop3A_333 = vector.shape_cast %parallel_loop3A_332 : vector<16xf32> to vector<16xf32>
            %parallel_loop3A_334 = vector.shape_cast %parallel_loop3A_330 : vector<16xf32> to vector<16xf32>
            tpu.vector_store %arg7[%parallel_loop3A_331], %parallel_loop3A_334 {add = true, strides = array<i32>} : memref<36864xf32, #tpu.memory_space<vmem>>, vector<16xf32>,
            %parallel_loop3A_335 = vector.broadcast %parallel_loop3A_170 : f32 to vector<16xf32>
            %parallel_loop3A_336 = arith.mulf %get3A_18, %parallel_loop3A_335 : vector<16xf32>
            %parallel_loop3A_337 = arith.constant 80 : i32
            %parallel_loop3A_338 = arith.addi %parallel_loop3A_174, %parallel_loop3A_337 : i32
            %parallel_loop3A_339 = arith.constant 0 : i32
            %parallel_loop3A_340 = arith.constant 0 : i32
            %parallel_loop3A_341 = arith.index_cast %parallel_loop3A_339 : i32 to index
            %parallel_loop3A_342 = arith.index_cast %parallel_loop3A_340 : i32 to index
            %parallel_loop3A_343 = arith.index_cast %parallel_loop3A_164 : i32 to index
            %parallel_loop3A_344 = arith.constant 80 : index
            %parallel_loop3A_345 = tpu.vector_load %arg8[%parallel_loop3A_341, %parallel_loop3A_342, %parallel_loop3A_343, %parallel_loop3A_344] {strides = array<i32>} : memref<2x2x96x96xf32, #tpu.memory_space<vmem>>, vector<1x1x1x16xf32>,
            %parallel_loop3A_346 = vector.shape_cast %parallel_loop3A_345 : vector<1x1x1x16xf32> to vector<16xf32>
            %parallel_loop3A_347 = arith.mulf %parallel_loop3A_346, %parallel_loop3A_336 : vector<16xf32>
            %parallel_loop3A_348 = arith.index_cast %parallel_loop3A_338 : i32 to index
            %parallel_loop3A_349 = tpu.vector_load %arg6[%parallel_loop3A_348] {strides = array<i32>} : memref<36864xf32, #tpu.memory_space<vmem>>, vector<16xf32>,
            %parallel_loop3A_350 = vector.shape_cast %parallel_loop3A_349 : vector<16xf32> to vector<16xf32>
            %parallel_loop3A_351 = vector.shape_cast %parallel_loop3A_347 : vector<16xf32> to vector<16xf32>
            tpu.vector_store %arg6[%parallel_loop3A_348], %parallel_loop3A_351 {add = true, strides = array<i32>} : memref<36864xf32, #tpu.memory_space<vmem>>, vector<16xf32>,
            %parallel_loop3A_352 = arith.constant 80 : i32
            %parallel_loop3A_353 = arith.addi %parallel_loop3A_174, %parallel_loop3A_352 : i32
            %parallel_loop3A_354 = arith.constant 0 : i32
            %parallel_loop3A_355 = arith.constant 1 : i32
            %parallel_loop3A_356 = arith.index_cast %parallel_loop3A_354 : i32 to index
            %parallel_loop3A_357 = arith.index_cast %parallel_loop3A_355 : i32 to index
            %parallel_loop3A_358 = arith.index_cast %parallel_loop3A_164 : i32 to index
            %parallel_loop3A_359 = arith.constant 80 : index
            %parallel_loop3A_360 = tpu.vector_load %arg8[%parallel_loop3A_356, %parallel_loop3A_357, %parallel_loop3A_358, %parallel_loop3A_359] {strides = array<i32>} : memref<2x2x96x96xf32, #tpu.memory_space<vmem>>, vector<1x1x1x16xf32>,
            %parallel_loop3A_361 = vector.shape_cast %parallel_loop3A_360 : vector<1x1x1x16xf32> to vector<16xf32>
            %parallel_loop3A_362 = arith.mulf %parallel_loop3A_361, %parallel_loop3A_336 : vector<16xf32>
            %parallel_loop3A_363 = arith.index_cast %parallel_loop3A_353 : i32 to index
            %parallel_loop3A_364 = tpu.vector_load %arg7[%parallel_loop3A_363] {strides = array<i32>} : memref<36864xf32, #tpu.memory_space<vmem>>, vector<16xf32>,
            %parallel_loop3A_365 = vector.shape_cast %parallel_loop3A_364 : vector<16xf32> to vector<16xf32>
            %parallel_loop3A_366 = vector.shape_cast %parallel_loop3A_362 : vector<16xf32> to vector<16xf32>
            tpu.vector_store %arg7[%parallel_loop3A_363], %parallel_loop3A_366 {add = true, strides = array<i32>} : memref<36864xf32, #tpu.memory_space<vmem>>, vector<16xf32>,
          } {sc.loop_unroll_factor = 4 : i64, sc.parallel_access}
        } else {
        }
        %jit3A_71 = arith.constant 2 : i32
        %eq3A_72 = arith.constant 0 : i32
        %eq3A_73 = arith.cmpi eq, %jit3A_71, %eq3A_72 : i32
        %jit3A_74 = arith.constant 1 : i32
        %select_n3A_75 = arith.select %eq3A_73, %jit3A_74, %jit3A_71 : i32
        %rem3A_76 = arith.remsi %while3A_55, %select_n3A_75 : i32
        %ne3A_77 = arith.constant 0 : i32
        %ne3A_78 = arith.cmpi ne, %rem3A_76, %ne3A_77 : i32
        %lt3A_79 = arith.constant 0 : i32
        %lt3A_80 = arith.cmpi slt, %rem3A_76, %lt3A_79 : i32
        %lt3A_81 = arith.constant 0 : i32
        %lt3A_82 = arith.cmpi slt, %select_n3A_75, %lt3A_81 : i32
        %ne3A_83 = arith.xori %lt3A_80, %lt3A_82 : i1
        %and3A_84 = arith.andi %ne3A_83, %ne3A_78 : i1
        %add3A_85 = arith.addi %rem3A_76, %select_n3A_75 : i32
        %select_n3A_86 = arith.select %and3A_84, %add3A_85, %rem3A_76 : i32
        %eq3A_87 = arith.constant 1 : i32
        %eq3A_88 = arith.cmpi eq, %select_n3A_86, %eq3A_87 : i32
        %convert_element_type3A_89 = arith.extui %eq3A_88 : i1 to i32
        %cond3A_90 = arith.constant 0 : i32
        %cond3A_91 = arith.cmpi ne, %convert_element_type3A_89, %cond3A_90 : i32
        scf.if %cond3A_91 {
          %add3A_93 = arith.constant 1 : i32
          %add3A_94 = arith.addi %while3A_55, %add3A_93 : i32
          %lt3A_95 = arith.cmpi slt, %add3A_94, %scan3A_35 : i32
          %convert_element_type3A_96 = arith.extui %lt3A_95 : i1 to i32
          %cond3A_97 = arith.constant 0 : i32
          %cond3A_98 = arith.cmpi ne, %convert_element_type3A_96, %cond3A_97 : i32
          scf.if %cond3A_98 {
            %add3A_164 = arith.constant 1 : i32
            %add3A_165 = arith.addi %while3A_55, %add3A_164 : i32
            %mul3A_166 = arith.constant 4 : i32
            %mul3A_167 = arith.muli %mul3A_166, %add3A_165 : i32
            %get3A_168 = arith.index_cast %mul3A_167 : i32 to index
            %get3A_169 = memref.load %arg11[%get3A_168] : memref<128xi32, #tpu.memory_space<smem>>
            %mul3A_170 = arith.constant 4 : i32
            %mul3A_171 = arith.muli %mul3A_170, %add3A_165 : i32
            %add3A_172 = arith.constant 1 : i32
            %add3A_173 = arith.addi %mul3A_171, %add3A_172 : i32
            %get3A_174 = arith.index_cast %add3A_173 : i32 to index
            %get3A_175 = memref.load %arg11[%get3A_174] : memref<128xi32, #tpu.memory_space<smem>>
            %dma_start3A = arith.constant 0 : i32
            %dma_start3A_176 = arith.constant 0 : i32
            %dma_start3A_177 = arith.constant 0 : i32
            %dma_start3A_178 = arith.constant 0 : i32
            %dma_start3A_179 = arith.constant 0 : i32
            %dma_start3A_180 = tpu.memref_slice %arg8[%dma_start3A_176, %dma_start3A_177, %dma_start3A_178, %dma_start3A_179] : memref<2x2x96x96xf32, #tpu.memory_space<vmem>> -> memref<1x1x96x96xf32, #tpu.memory_space<vmem>>
            %dma_start3A_181 = tpu.memref_squeeze %dma_start3A_180 : memref<1x1x96x96xf32, #tpu.memory_space<vmem>> -> memref<96x96xf32, #tpu.memory_space<vmem>>
            %dma_start3A_182 = arith.constant 0 : i32
            %dma_start3A_183 = arith.constant 0 : i32
            %dma_start3A_184 = tpu.memref_slice %arg2[%get3A_169, %dma_start3A, %get3A_175, %dma_start3A_182, %dma_start3A_183] : memref<27x2x96x96x96xf32, #tpu.memory_space<hbm>> -> memref<1x1x1x96x96xf32, #tpu.memory_space<hbm>>
            %dma_start3A_185 = tpu.memref_squeeze %dma_start3A_184 : memref<1x1x1x96x96xf32, #tpu.memory_space<hbm>> -> memref<96x96xf32, #tpu.memory_space<hbm>>
            %dma_start3A_186 = arith.constant 0 : i32
            %dma_start3A_187 = arith.constant 0 : i32
            %dma_start3A_188 = tpu.memref_slice %arg8[%dma_start3A_176, %dma_start3A_177, %dma_start3A_186, %dma_start3A_187] : memref<2x2x96x96xf32, #tpu.memory_space<vmem>> -> memref<1x1x96x96xf32, #tpu.memory_space<vmem>>
            %dma_start3A_189 = tpu.memref_squeeze %dma_start3A_188 : memref<1x1x96x96xf32, #tpu.memory_space<vmem>> -> memref<96x96xf32, #tpu.memory_space<vmem>>
            %dma_start3A_190 = arith.constant 0 : i32
            %dma_start3A_191 = arith.constant 0 : i32
            %dma_start3A_192 = tpu.memref_slice %arg2[%get3A_169, %dma_start3A, %get3A_175, %dma_start3A_190, %dma_start3A_191] : memref<27x2x96x96x96xf32, #tpu.memory_space<hbm>> -> memref<1x1x1x96x96xf32, #tpu.memory_space<hbm>>
            %dma_start3A_193 = tpu.memref_squeeze %dma_start3A_192 : memref<1x1x1x96x96xf32, #tpu.memory_space<hbm>> -> memref<96x96xf32, #tpu.memory_space<hbm>>
            tpu.enqueue_dma source(%dma_start3A_193 : memref<96x96xf32, #tpu.memory_space<hbm>>) target(%dma_start3A_189 : memref<96x96xf32, #tpu.memory_space<vmem>>) target_semaphore(%arg12 : memref<!tpu.dma_semaphore, #tpu.memory_space<semaphore_mem>>)
            %dma_start3A_194 = arith.constant 1 : i32
            %dma_start3A_195 = arith.constant 0 : i32
            %dma_start3A_196 = arith.constant 1 : i32
            %dma_start3A_197 = arith.constant 0 : i32
            %dma_start3A_198 = arith.constant 0 : i32
            %dma_start3A_199 = tpu.memref_slice %arg8[%dma_start3A_195, %dma_start3A_196, %dma_start3A_197, %dma_start3A_198] : memref<2x2x96x96xf32, #tpu.memory_space<vmem>> -> memref<1x1x96x96xf32, #tpu.memory_space<vmem>>
            %dma_start3A_200 = tpu.memref_squeeze %dma_start3A_199 : memref<1x1x96x96xf32, #tpu.memory_space<vmem>> -> memref<96x96xf32, #tpu.memory_space<vmem>>
            %dma_start3A_201 = arith.constant 0 : i32
            %dma_start3A_202 = arith.constant 0 : i32
            %dma_start3A_203 = tpu.memref_slice %arg2[%get3A_169, %dma_start3A_194, %get3A_175, %dma_start3A_201, %dma_start3A_202] : memref<27x2x96x96x96xf32, #tpu.memory_space<hbm>> -> memref<1x1x1x96x96xf32, #tpu.memory_space<hbm>>
            %dma_start3A_204 = tpu.memref_squeeze %dma_start3A_203 : memref<1x1x1x96x96xf32, #tpu.memory_space<hbm>> -> memref<96x96xf32, #tpu.memory_space<hbm>>
            %dma_start3A_205 = arith.constant 0 : i32
            %dma_start3A_206 = arith.constant 0 : i32
            %dma_start3A_207 = tpu.memref_slice %arg8[%dma_start3A_195, %dma_start3A_196, %dma_start3A_205, %dma_start3A_206] : memref<2x2x96x96xf32, #tpu.memory_space<vmem>> -> memref<1x1x96x96xf32, #tpu.memory_space<vmem>>
            %dma_start3A_208 = tpu.memref_squeeze %dma_start3A_207 : memref<1x1x96x96xf32, #tpu.memory_space<vmem>> -> memref<96x96xf32, #tpu.memory_space<vmem>>
            %dma_start3A_209 = arith.constant 0 : i32
            %dma_start3A_210 = arith.constant 0 : i32
            %dma_start3A_211 = tpu.memref_slice %arg2[%get3A_169, %dma_start3A_194, %get3A_175, %dma_start3A_209, %dma_start3A_210] : memref<27x2x96x96x96xf32, #tpu.memory_space<hbm>> -> memref<1x1x1x96x96xf32, #tpu.memory_space<hbm>>
            %dma_start3A_212 = tpu.memref_squeeze %dma_start3A_211 : memref<1x1x1x96x96xf32, #tpu.memory_space<hbm>> -> memref<96x96xf32, #tpu.memory_space<hbm>>
            tpu.enqueue_dma source(%dma_start3A_212 : memref<96x96xf32, #tpu.memory_space<hbm>>) target(%dma_start3A_208 : memref<96x96xf32, #tpu.memory_space<vmem>>) target_semaphore(%arg12 : memref<!tpu.dma_semaphore, #tpu.memory_space<semaphore_mem>>)
          } else {
          }
          %dma_wait3A = arith.constant 0 : i32
          %dma_wait3A_99 = arith.constant 0 : i32
          %dma_wait3A_100 = arith.constant 0 : i32
          %dma_wait3A_101 = arith.constant 1 : i32
          %dma_wait3A_102 = arith.constant 0 : i32
          %dma_wait3A_103 = arith.constant 0 : i32
          %dma_wait3A_104 = arith.constant 0 : i32
          %dma_wait3A_105 = tpu.memref_slice %arg8[%dma_wait3A_101, %dma_wait3A_102, %dma_wait3A_103, %dma_wait3A_104] : memref<2x2x96x96xf32, #tpu.memory_space<vmem>> -> memref<1x1x96x96xf32, #tpu.memory_space<vmem>>
          %dma_wait3A_106 = tpu.memref_squeeze %dma_wait3A_105 : memref<1x1x96x96xf32, #tpu.memory_space<vmem>> -> memref<96x96xf32, #tpu.memory_space<vmem>>
          %dma_wait3A_107 = arith.constant 0 : i32
          %dma_wait3A_108 = arith.constant 0 : i32
          %dma_wait3A_109 = tpu.memref_slice %arg2[%dma_wait3A, %dma_wait3A_99, %dma_wait3A_100, %dma_wait3A_107, %dma_wait3A_108] : memref<27x2x96x96x96xf32, #tpu.memory_space<hbm>> -> memref<1x1x1x96x96xf32, #tpu.memory_space<hbm>>
          %dma_wait3A_110 = tpu.memref_squeeze %dma_wait3A_109 : memref<1x1x1x96x96xf32, #tpu.memory_space<hbm>> -> memref<96x96xf32, #tpu.memory_space<hbm>>
          %dma_wait3A_111 = arith.constant 0 : i32
          %dma_wait3A_112 = arith.constant 0 : i32
          %dma_wait3A_113 = tpu.memref_slice %arg8[%dma_wait3A_101, %dma_wait3A_102, %dma_wait3A_111, %dma_wait3A_112] : memref<2x2x96x96xf32, #tpu.memory_space<vmem>> -> memref<1x1x96x96xf32, #tpu.memory_space<vmem>>
          %dma_wait3A_114 = tpu.memref_squeeze %dma_wait3A_113 : memref<1x1x96x96xf32, #tpu.memory_space<vmem>> -> memref<96x96xf32, #tpu.memory_space<vmem>>
          %dma_wait3A_115 = arith.constant 0 : i32
          %dma_wait3A_116 = arith.constant 0 : i32
          %dma_wait3A_117 = tpu.memref_slice %arg2[%dma_wait3A, %dma_wait3A_99, %dma_wait3A_100, %dma_wait3A_115, %dma_wait3A_116] : memref<27x2x96x96x96xf32, #tpu.memory_space<hbm>> -> memref<1x1x1x96x96xf32, #tpu.memory_space<hbm>>
          %dma_wait3A_118 = tpu.memref_squeeze %dma_wait3A_117 : memref<1x1x1x96x96xf32, #tpu.memory_space<hbm>> -> memref<96x96xf32, #tpu.memory_space<hbm>>
          tpu.wait_dma2 semaphore(%arg13 : memref<!tpu.dma_semaphore, #tpu.memory_space<semaphore_mem>>) src(%dma_wait3A_118 : memref<96x96xf32, #tpu.memory_space<hbm>>) dst(%dma_wait3A_114 : memref<96x96xf32, #tpu.memory_space<vmem>>)
          %dma_wait3A_119 = arith.constant 0 : i32
          %dma_wait3A_120 = arith.constant 0 : i32
          %dma_wait3A_121 = arith.constant 0 : i32
          %dma_wait3A_122 = arith.constant 1 : i32
          %dma_wait3A_123 = arith.constant 1 : i32
          %dma_wait3A_124 = arith.constant 0 : i32
          %dma_wait3A_125 = arith.constant 0 : i32
          %dma_wait3A_126 = tpu.memref_slice %arg8[%dma_wait3A_122, %dma_wait3A_123, %dma_wait3A_124, %dma_wait3A_125] : memref<2x2x96x96xf32, #tpu.memory_space<vmem>> -> memref<1x1x96x96xf32, #tpu.memory_space<vmem>>
          %dma_wait3A_127 = tpu.memref_squeeze %dma_wait3A_126 : memref<1x1x96x96xf32, #tpu.memory_space<vmem>> -> memref<96x96xf32, #tpu.memory_space<vmem>>
          %dma_wait3A_128 = arith.constant 0 : i32
          %dma_wait3A_129 = arith.constant 0 : i32
          %dma_wait3A_130 = tpu.memref_slice %arg2[%dma_wait3A_119, %dma_wait3A_120, %dma_wait3A_121, %dma_wait3A_128, %dma_wait3A_129] : memref<27x2x96x96x96xf32, #tpu.memory_space<hbm>> -> memref<1x1x1x96x96xf32, #tpu.memory_space<hbm>>
          %dma_wait3A_131 = tpu.memref_squeeze %dma_wait3A_130 : memref<1x1x1x96x96xf32, #tpu.memory_space<hbm>> -> memref<96x96xf32, #tpu.memory_space<hbm>>
          %dma_wait3A_132 = arith.constant 0 : i32
          %dma_wait3A_133 = arith.constant 0 : i32
          %dma_wait3A_134 = tpu.memref_slice %arg8[%dma_wait3A_122, %dma_wait3A_123, %dma_wait3A_132, %dma_wait3A_133] : memref<2x2x96x96xf32, #tpu.memory_space<vmem>> -> memref<1x1x96x96xf32, #tpu.memory_space<vmem>>
          %dma_wait3A_135 = tpu.memref_squeeze %dma_wait3A_134 : memref<1x1x96x96xf32, #tpu.memory_space<vmem>> -> memref<96x96xf32, #tpu.memory_space<vmem>>
          %dma_wait3A_136 = arith.constant 0 : i32
          %dma_wait3A_137 = arith.constant 0 : i32
          %dma_wait3A_138 = tpu.memref_slice %arg2[%dma_wait3A_119, %dma_wait3A_120, %dma_wait3A_121, %dma_wait3A_136, %dma_wait3A_137] : memref<27x2x96x96x96xf32, #tpu.memory_space<hbm>> -> memref<1x1x1x96x96xf32, #tpu.memory_space<hbm>>
          %dma_wait3A_139 = tpu.memref_squeeze %dma_wait3A_138 : memref<1x1x1x96x96xf32, #tpu.memory_space<hbm>> -> memref<96x96xf32, #tpu.memory_space<hbm>>
          tpu.wait_dma2 semaphore(%arg13 : memref<!tpu.dma_semaphore, #tpu.memory_space<semaphore_mem>>) src(%dma_wait3A_139 : memref<96x96xf32, #tpu.memory_space<hbm>>) dst(%dma_wait3A_135 : memref<96x96xf32, #tpu.memory_space<vmem>>)
          %mul3A_140 = arith.constant 4 : i32
          %mul3A_141 = arith.muli %mul3A_140, %while3A_55 : i32
          %add3A_142 = arith.constant 1 : i32
          %add3A_143 = arith.addi %mul3A_141, %add3A_142 : i32
          %get3A_144 = arith.index_cast %add3A_143 : i32 to index
          %get3A_145 = memref.load %arg11[%get3A_144] : memref<128xi32, #tpu.memory_space<smem>>
          %mul3A_146 = arith.constant 4 : i32
          %mul3A_147 = arith.muli %mul3A_146, %while3A_55 : i32
          %add3A_148 = arith.constant 2 : i32
          %add3A_149 = arith.addi %mul3A_147, %add3A_148 : i32
          %get3A_150 = arith.index_cast %add3A_149 : i32 to index
          %get3A_151 = memref.load %arg11[%get3A_150] : memref<128xi32, #tpu.memory_space<smem>>
          %mul3A_152 = arith.constant 4 : i32
          %mul3A_153 = arith.muli %mul3A_152, %while3A_55 : i32
          %add3A_154 = arith.constant 3 : i32
          %add3A_155 = arith.addi %mul3A_153, %add3A_154 : i32
          %get3A_156 = arith.index_cast %add3A_155 : i32 to index
          %get3A_157 = memref.load %arg11[%get3A_156] : memref<128xi32, #tpu.memory_space<smem>>
          %get3A_158 = arith.index_cast %get3A_145 : i32 to index
          %get3A_159 = tpu.vector_load %arg10[%get3A_158] {strides = array<i32>} : memref<112xf32, #tpu.memory_space<vmem>>, vector<16xf32>,
          %get3A_160 = vector.shape_cast %get3A_159 : vector<16xf32> to vector<16xf32>
          %slice3A = vector.extract_strided_slice %get3A_160 {offsets = [0], sizes = [1], strides = [1]} : vector<16xf32> to vector<1xf32>
          %squeeze3A = vector.extract %slice3A[0] : f32 from vector<1xf32>
          %parallel_loop3A_161 = arith.constant 0 : i32
          %parallel_loop3A_162 = arith.constant 96 : i32
          %parallel_loop3A_163 = arith.constant 1 : i32
          scf.for %parallel_loop3A_164 = %parallel_loop3A_161 to %parallel_loop3A_162 step %parallel_loop3A_163  : i32 {
            %parallel_loop3A_165 = arith.index_cast %parallel_loop3A_164 : i32 to index
            %parallel_loop3A_166 = tpu.vector_load %arg10[%parallel_loop3A_165] {strides = array<i32>} : memref<112xf32, #tpu.memory_space<vmem>>, vector<16xf32>,
            %parallel_loop3A_167 = vector.shape_cast %parallel_loop3A_166 : vector<16xf32> to vector<16xf32>
            %parallel_loop3A_168 = vector.extract_strided_slice %parallel_loop3A_167 {offsets = [0], sizes = [1], strides = [1]} : vector<16xf32> to vector<1xf32>
            %parallel_loop3A_169 = vector.extract %parallel_loop3A_168[0] : f32 from vector<1xf32>
            %parallel_loop3A_170 = arith.mulf %squeeze3A, %parallel_loop3A_169 : f32
            %parallel_loop3A_171 = arith.addi %get3A_151, %parallel_loop3A_164 : i32
            %parallel_loop3A_172 = arith.constant 192 : i32
            %parallel_loop3A_173 = arith.muli %parallel_loop3A_171, %parallel_loop3A_172 : i32
            %parallel_loop3A_174 = arith.addi %parallel_loop3A_173, %get3A_157 : i32
            %parallel_loop3A_175 = vector.broadcast %parallel_loop3A_170 : f32 to vector<16xf32>
            %parallel_loop3A_176 = arith.mulf %get3A_3, %parallel_loop3A_175 : vector<16xf32>
            %parallel_loop3A_177 = arith.constant 0 : i32
            %parallel_loop3A_178 = arith.addi %parallel_loop3A_174, %parallel_loop3A_177 : i32
            %parallel_loop3A_179 = arith.constant 1 : i32
            %parallel_loop3A_180 = arith.constant 0 : i32
            %parallel_loop3A_181 = arith.index_cast %parallel_loop3A_179 : i32 to index
            %parallel_loop3A_182 = arith.index_cast %parallel_loop3A_180 : i32 to index
            %parallel_loop3A_183 = arith.index_cast %parallel_loop3A_164 : i32 to index
            %parallel_loop3A_184 = arith.constant 0 : index
            %parallel_loop3A_185 = tpu.vector_load %arg8[%parallel_loop3A_181, %parallel_loop3A_182, %parallel_loop3A_183, %parallel_loop3A_184] {strides = array<i32>} : memref<2x2x96x96xf32, #tpu.memory_space<vmem>>, vector<1x1x1x16xf32>,
            %parallel_loop3A_186 = vector.shape_cast %parallel_loop3A_185 : vector<1x1x1x16xf32> to vector<16xf32>
            %parallel_loop3A_187 = arith.mulf %parallel_loop3A_186, %parallel_loop3A_176 : vector<16xf32>
            %parallel_loop3A_188 = arith.index_cast %parallel_loop3A_178 : i32 to index
            %parallel_loop3A_189 = tpu.vector_load %arg6[%parallel_loop3A_188] {strides = array<i32>} : memref<36864xf32, #tpu.memory_space<vmem>>, vector<16xf32>,
            %parallel_loop3A_190 = vector.shape_cast %parallel_loop3A_189 : vector<16xf32> to vector<16xf32>
            %parallel_loop3A_191 = vector.shape_cast %parallel_loop3A_187 : vector<16xf32> to vector<16xf32>
            tpu.vector_store %arg6[%parallel_loop3A_188], %parallel_loop3A_191 {add = true, strides = array<i32>} : memref<36864xf32, #tpu.memory_space<vmem>>, vector<16xf32>,
            %parallel_loop3A_192 = arith.constant 0 : i32
            %parallel_loop3A_193 = arith.addi %parallel_loop3A_174, %parallel_loop3A_192 : i32
            %parallel_loop3A_194 = arith.constant 1 : i32
            %parallel_loop3A_195 = arith.constant 1 : i32
            %parallel_loop3A_196 = arith.index_cast %parallel_loop3A_194 : i32 to index
            %parallel_loop3A_197 = arith.index_cast %parallel_loop3A_195 : i32 to index
            %parallel_loop3A_198 = arith.index_cast %parallel_loop3A_164 : i32 to index
            %parallel_loop3A_199 = arith.constant 0 : index
            %parallel_loop3A_200 = tpu.vector_load %arg8[%parallel_loop3A_196, %parallel_loop3A_197, %parallel_loop3A_198, %parallel_loop3A_199] {strides = array<i32>} : memref<2x2x96x96xf32, #tpu.memory_space<vmem>>, vector<1x1x1x16xf32>,
            %parallel_loop3A_201 = vector.shape_cast %parallel_loop3A_200 : vector<1x1x1x16xf32> to vector<16xf32>
            %parallel_loop3A_202 = arith.mulf %parallel_loop3A_201, %parallel_loop3A_176 : vector<16xf32>
            %parallel_loop3A_203 = arith.index_cast %parallel_loop3A_193 : i32 to index
            %parallel_loop3A_204 = tpu.vector_load %arg7[%parallel_loop3A_203] {strides = array<i32>} : memref<36864xf32, #tpu.memory_space<vmem>>, vector<16xf32>,
            %parallel_loop3A_205 = vector.shape_cast %parallel_loop3A_204 : vector<16xf32> to vector<16xf32>
            %parallel_loop3A_206 = vector.shape_cast %parallel_loop3A_202 : vector<16xf32> to vector<16xf32>
            tpu.vector_store %arg7[%parallel_loop3A_203], %parallel_loop3A_206 {add = true, strides = array<i32>} : memref<36864xf32, #tpu.memory_space<vmem>>, vector<16xf32>,
            %parallel_loop3A_207 = vector.broadcast %parallel_loop3A_170 : f32 to vector<16xf32>
            %parallel_loop3A_208 = arith.mulf %get3A_6, %parallel_loop3A_207 : vector<16xf32>
            %parallel_loop3A_209 = arith.constant 16 : i32
            %parallel_loop3A_210 = arith.addi %parallel_loop3A_174, %parallel_loop3A_209 : i32
            %parallel_loop3A_211 = arith.constant 1 : i32
            %parallel_loop3A_212 = arith.constant 0 : i32
            %parallel_loop3A_213 = arith.index_cast %parallel_loop3A_211 : i32 to index
            %parallel_loop3A_214 = arith.index_cast %parallel_loop3A_212 : i32 to index
            %parallel_loop3A_215 = arith.index_cast %parallel_loop3A_164 : i32 to index
            %parallel_loop3A_216 = arith.constant 16 : index
            %parallel_loop3A_217 = tpu.vector_load %arg8[%parallel_loop3A_213, %parallel_loop3A_214, %parallel_loop3A_215, %parallel_loop3A_216] {strides = array<i32>} : memref<2x2x96x96xf32, #tpu.memory_space<vmem>>, vector<1x1x1x16xf32>,
            %parallel_loop3A_218 = vector.shape_cast %parallel_loop3A_217 : vector<1x1x1x16xf32> to vector<16xf32>
            %parallel_loop3A_219 = arith.mulf %parallel_loop3A_218, %parallel_loop3A_208 : vector<16xf32>
            %parallel_loop3A_220 = arith.index_cast %parallel_loop3A_210 : i32 to index
            %parallel_loop3A_221 = tpu.vector_load %arg6[%parallel_loop3A_220] {strides = array<i32>} : memref<36864xf32, #tpu.memory_space<vmem>>, vector<16xf32>,
            %parallel_loop3A_222 = vector.shape_cast %parallel_loop3A_221 : vector<16xf32> to vector<16xf32>
            %parallel_loop3A_223 = vector.shape_cast %parallel_loop3A_219 : vector<16xf32> to vector<16xf32>
            tpu.vector_store %arg6[%parallel_loop3A_220], %parallel_loop3A_223 {add = true, strides = array<i32>} : memref<36864xf32, #tpu.memory_space<vmem>>, vector<16xf32>,
            %parallel_loop3A_224 = arith.constant 16 : i32
            %parallel_loop3A_225 = arith.addi %parallel_loop3A_174, %parallel_loop3A_224 : i32
            %parallel_loop3A_226 = arith.constant 1 : i32
            %parallel_loop3A_227 = arith.constant 1 : i32
            %parallel_loop3A_228 = arith.index_cast %parallel_loop3A_226 : i32 to index
            %parallel_loop3A_229 = arith.index_cast %parallel_loop3A_227 : i32 to index
            %parallel_loop3A_230 = arith.index_cast %parallel_loop3A_164 : i32 to index
            %parallel_loop3A_231 = arith.constant 16 : index
            %parallel_loop3A_232 = tpu.vector_load %arg8[%parallel_loop3A_228, %parallel_loop3A_229, %parallel_loop3A_230, %parallel_loop3A_231] {strides = array<i32>} : memref<2x2x96x96xf32, #tpu.memory_space<vmem>>, vector<1x1x1x16xf32>,
            %parallel_loop3A_233 = vector.shape_cast %parallel_loop3A_232 : vector<1x1x1x16xf32> to vector<16xf32>
            %parallel_loop3A_234 = arith.mulf %parallel_loop3A_233, %parallel_loop3A_208 : vector<16xf32>
            %parallel_loop3A_235 = arith.index_cast %parallel_loop3A_225 : i32 to index
            %parallel_loop3A_236 = tpu.vector_load %arg7[%parallel_loop3A_235] {strides = array<i32>} : memref<36864xf32, #tpu.memory_space<vmem>>, vector<16xf32>,
            %parallel_loop3A_237 = vector.shape_cast %parallel_loop3A_236 : vector<16xf32> to vector<16xf32>
            %parallel_loop3A_238 = vector.shape_cast %parallel_loop3A_234 : vector<16xf32> to vector<16xf32>
            tpu.vector_store %arg7[%parallel_loop3A_235], %parallel_loop3A_238 {add = true, strides = array<i32>} : memref<36864xf32, #tpu.memory_space<vmem>>, vector<16xf32>,
            %parallel_loop3A_239 = vector.broadcast %parallel_loop3A_170 : f32 to vector<16xf32>
            %parallel_loop3A_240 = arith.mulf %get3A_9, %parallel_loop3A_239 : vector<16xf32>
            %parallel_loop3A_241 = arith.constant 32 : i32
            %parallel_loop3A_242 = arith.addi %parallel_loop3A_174, %parallel_loop3A_241 : i32
            %parallel_loop3A_243 = arith.constant 1 : i32
            %parallel_loop3A_244 = arith.constant 0 : i32
            %parallel_loop3A_245 = arith.index_cast %parallel_loop3A_243 : i32 to index
            %parallel_loop3A_246 = arith.index_cast %parallel_loop3A_244 : i32 to index
            %parallel_loop3A_247 = arith.index_cast %parallel_loop3A_164 : i32 to index
            %parallel_loop3A_248 = arith.constant 32 : index
            %parallel_loop3A_249 = tpu.vector_load %arg8[%parallel_loop3A_245, %parallel_loop3A_246, %parallel_loop3A_247, %parallel_loop3A_248] {strides = array<i32>} : memref<2x2x96x96xf32, #tpu.memory_space<vmem>>, vector<1x1x1x16xf32>,
            %parallel_loop3A_250 = vector.shape_cast %parallel_loop3A_249 : vector<1x1x1x16xf32> to vector<16xf32>
            %parallel_loop3A_251 = arith.mulf %parallel_loop3A_250, %parallel_loop3A_240 : vector<16xf32>
            %parallel_loop3A_252 = arith.index_cast %parallel_loop3A_242 : i32 to index
            %parallel_loop3A_253 = tpu.vector_load %arg6[%parallel_loop3A_252] {strides = array<i32>} : memref<36864xf32, #tpu.memory_space<vmem>>, vector<16xf32>,
            %parallel_loop3A_254 = vector.shape_cast %parallel_loop3A_253 : vector<16xf32> to vector<16xf32>
            %parallel_loop3A_255 = vector.shape_cast %parallel_loop3A_251 : vector<16xf32> to vector<16xf32>
            tpu.vector_store %arg6[%parallel_loop3A_252], %parallel_loop3A_255 {add = true, strides = array<i32>} : memref<36864xf32, #tpu.memory_space<vmem>>, vector<16xf32>,
            %parallel_loop3A_256 = arith.constant 32 : i32
            %parallel_loop3A_257 = arith.addi %parallel_loop3A_174, %parallel_loop3A_256 : i32
            %parallel_loop3A_258 = arith.constant 1 : i32
            %parallel_loop3A_259 = arith.constant 1 : i32
            %parallel_loop3A_260 = arith.index_cast %parallel_loop3A_258 : i32 to index
            %parallel_loop3A_261 = arith.index_cast %parallel_loop3A_259 : i32 to index
            %parallel_loop3A_262 = arith.index_cast %parallel_loop3A_164 : i32 to index
            %parallel_loop3A_263 = arith.constant 32 : index
            %parallel_loop3A_264 = tpu.vector_load %arg8[%parallel_loop3A_260, %parallel_loop3A_261, %parallel_loop3A_262, %parallel_loop3A_263] {strides = array<i32>} : memref<2x2x96x96xf32, #tpu.memory_space<vmem>>, vector<1x1x1x16xf32>,
            %parallel_loop3A_265 = vector.shape_cast %parallel_loop3A_264 : vector<1x1x1x16xf32> to vector<16xf32>
            %parallel_loop3A_266 = arith.mulf %parallel_loop3A_265, %parallel_loop3A_240 : vector<16xf32>
            %parallel_loop3A_267 = arith.index_cast %parallel_loop3A_257 : i32 to index
            %parallel_loop3A_268 = tpu.vector_load %arg7[%parallel_loop3A_267] {strides = array<i32>} : memref<36864xf32, #tpu.memory_space<vmem>>, vector<16xf32>,
            %parallel_loop3A_269 = vector.shape_cast %parallel_loop3A_268 : vector<16xf32> to vector<16xf32>
            %parallel_loop3A_270 = vector.shape_cast %parallel_loop3A_266 : vector<16xf32> to vector<16xf32>
            tpu.vector_store %arg7[%parallel_loop3A_267], %parallel_loop3A_270 {add = true, strides = array<i32>} : memref<36864xf32, #tpu.memory_space<vmem>>, vector<16xf32>,
            %parallel_loop3A_271 = vector.broadcast %parallel_loop3A_170 : f32 to vector<16xf32>
            %parallel_loop3A_272 = arith.mulf %get3A_12, %parallel_loop3A_271 : vector<16xf32>
            %parallel_loop3A_273 = arith.constant 48 : i32
            %parallel_loop3A_274 = arith.addi %parallel_loop3A_174, %parallel_loop3A_273 : i32
            %parallel_loop3A_275 = arith.constant 1 : i32
            %parallel_loop3A_276 = arith.constant 0 : i32
            %parallel_loop3A_277 = arith.index_cast %parallel_loop3A_275 : i32 to index
            %parallel_loop3A_278 = arith.index_cast %parallel_loop3A_276 : i32 to index
            %parallel_loop3A_279 = arith.index_cast %parallel_loop3A_164 : i32 to index
            %parallel_loop3A_280 = arith.constant 48 : index
            %parallel_loop3A_281 = tpu.vector_load %arg8[%parallel_loop3A_277, %parallel_loop3A_278, %parallel_loop3A_279, %parallel_loop3A_280] {strides = array<i32>} : memref<2x2x96x96xf32, #tpu.memory_space<vmem>>, vector<1x1x1x16xf32>,
            %parallel_loop3A_282 = vector.shape_cast %parallel_loop3A_281 : vector<1x1x1x16xf32> to vector<16xf32>
            %parallel_loop3A_283 = arith.mulf %parallel_loop3A_282, %parallel_loop3A_272 : vector<16xf32>
            %parallel_loop3A_284 = arith.index_cast %parallel_loop3A_274 : i32 to index
            %parallel_loop3A_285 = tpu.vector_load %arg6[%parallel_loop3A_284] {strides = array<i32>} : memref<36864xf32, #tpu.memory_space<vmem>>, vector<16xf32>,
            %parallel_loop3A_286 = vector.shape_cast %parallel_loop3A_285 : vector<16xf32> to vector<16xf32>
            %parallel_loop3A_287 = vector.shape_cast %parallel_loop3A_283 : vector<16xf32> to vector<16xf32>
            tpu.vector_store %arg6[%parallel_loop3A_284], %parallel_loop3A_287 {add = true, strides = array<i32>} : memref<36864xf32, #tpu.memory_space<vmem>>, vector<16xf32>,
            %parallel_loop3A_288 = arith.constant 48 : i32
            %parallel_loop3A_289 = arith.addi %parallel_loop3A_174, %parallel_loop3A_288 : i32
            %parallel_loop3A_290 = arith.constant 1 : i32
            %parallel_loop3A_291 = arith.constant 1 : i32
            %parallel_loop3A_292 = arith.index_cast %parallel_loop3A_290 : i32 to index
            %parallel_loop3A_293 = arith.index_cast %parallel_loop3A_291 : i32 to index
            %parallel_loop3A_294 = arith.index_cast %parallel_loop3A_164 : i32 to index
            %parallel_loop3A_295 = arith.constant 48 : index
            %parallel_loop3A_296 = tpu.vector_load %arg8[%parallel_loop3A_292, %parallel_loop3A_293, %parallel_loop3A_294, %parallel_loop3A_295] {strides = array<i32>} : memref<2x2x96x96xf32, #tpu.memory_space<vmem>>, vector<1x1x1x16xf32>,
            %parallel_loop3A_297 = vector.shape_cast %parallel_loop3A_296 : vector<1x1x1x16xf32> to vector<16xf32>
            %parallel_loop3A_298 = arith.mulf %parallel_loop3A_297, %parallel_loop3A_272 : vector<16xf32>
            %parallel_loop3A_299 = arith.index_cast %parallel_loop3A_289 : i32 to index
            %parallel_loop3A_300 = tpu.vector_load %arg7[%parallel_loop3A_299] {strides = array<i32>} : memref<36864xf32, #tpu.memory_space<vmem>>, vector<16xf32>,
            %parallel_loop3A_301 = vector.shape_cast %parallel_loop3A_300 : vector<16xf32> to vector<16xf32>
            %parallel_loop3A_302 = vector.shape_cast %parallel_loop3A_298 : vector<16xf32> to vector<16xf32>
            tpu.vector_store %arg7[%parallel_loop3A_299], %parallel_loop3A_302 {add = true, strides = array<i32>} : memref<36864xf32, #tpu.memory_space<vmem>>, vector<16xf32>,
            %parallel_loop3A_303 = vector.broadcast %parallel_loop3A_170 : f32 to vector<16xf32>
            %parallel_loop3A_304 = arith.mulf %get3A_15, %parallel_loop3A_303 : vector<16xf32>
            %parallel_loop3A_305 = arith.constant 64 : i32
            %parallel_loop3A_306 = arith.addi %parallel_loop3A_174, %parallel_loop3A_305 : i32
            %parallel_loop3A_307 = arith.constant 1 : i32
            %parallel_loop3A_308 = arith.constant 0 : i32
            %parallel_loop3A_309 = arith.index_cast %parallel_loop3A_307 : i32 to index
            %parallel_loop3A_310 = arith.index_cast %parallel_loop3A_308 : i32 to index
            %parallel_loop3A_311 = arith.index_cast %parallel_loop3A_164 : i32 to index
            %parallel_loop3A_312 = arith.constant 64 : index
            %parallel_loop3A_313 = tpu.vector_load %arg8[%parallel_loop3A_309, %parallel_loop3A_310, %parallel_loop3A_311, %parallel_loop3A_312] {strides = array<i32>} : memref<2x2x96x96xf32, #tpu.memory_space<vmem>>, vector<1x1x1x16xf32>,
            %parallel_loop3A_314 = vector.shape_cast %parallel_loop3A_313 : vector<1x1x1x16xf32> to vector<16xf32>
            %parallel_loop3A_315 = arith.mulf %parallel_loop3A_314, %parallel_loop3A_304 : vector<16xf32>
            %parallel_loop3A_316 = arith.index_cast %parallel_loop3A_306 : i32 to index
            %parallel_loop3A_317 = tpu.vector_load %arg6[%parallel_loop3A_316] {strides = array<i32>} : memref<36864xf32, #tpu.memory_space<vmem>>, vector<16xf32>,
            %parallel_loop3A_318 = vector.shape_cast %parallel_loop3A_317 : vector<16xf32> to vector<16xf32>
            %parallel_loop3A_319 = vector.shape_cast %parallel_loop3A_315 : vector<16xf32> to vector<16xf32>
            tpu.vector_store %arg6[%parallel_loop3A_316], %parallel_loop3A_319 {add = true, strides = array<i32>} : memref<36864xf32, #tpu.memory_space<vmem>>, vector<16xf32>,
            %parallel_loop3A_320 = arith.constant 64 : i32
            %parallel_loop3A_321 = arith.addi %parallel_loop3A_174, %parallel_loop3A_320 : i32
            %parallel_loop3A_322 = arith.constant 1 : i32
            %parallel_loop3A_323 = arith.constant 1 : i32
            %parallel_loop3A_324 = arith.index_cast %parallel_loop3A_322 : i32 to index
            %parallel_loop3A_325 = arith.index_cast %parallel_loop3A_323 : i32 to index
            %parallel_loop3A_326 = arith.index_cast %parallel_loop3A_164 : i32 to index
            %parallel_loop3A_327 = arith.constant 64 : index
            %parallel_loop3A_328 = tpu.vector_load %arg8[%parallel_loop3A_324, %parallel_loop3A_325, %parallel_loop3A_326, %parallel_loop3A_327] {strides = array<i32>} : memref<2x2x96x96xf32, #tpu.memory_space<vmem>>, vector<1x1x1x16xf32>,
            %parallel_loop3A_329 = vector.shape_cast %parallel_loop3A_328 : vector<1x1x1x16xf32> to vector<16xf32>
            %parallel_loop3A_330 = arith.mulf %parallel_loop3A_329, %parallel_loop3A_304 : vector<16xf32>
            %parallel_loop3A_331 = arith.index_cast %parallel_loop3A_321 : i32 to index
            %parallel_loop3A_332 = tpu.vector_load %arg7[%parallel_loop3A_331] {strides = array<i32>} : memref<36864xf32, #tpu.memory_space<vmem>>, vector<16xf32>,
            %parallel_loop3A_333 = vector.shape_cast %parallel_loop3A_332 : vector<16xf32> to vector<16xf32>
            %parallel_loop3A_334 = vector.shape_cast %parallel_loop3A_330 : vector<16xf32> to vector<16xf32>
            tpu.vector_store %arg7[%parallel_loop3A_331], %parallel_loop3A_334 {add = true, strides = array<i32>} : memref<36864xf32, #tpu.memory_space<vmem>>, vector<16xf32>,
            %parallel_loop3A_335 = vector.broadcast %parallel_loop3A_170 : f32 to vector<16xf32>
            %parallel_loop3A_336 = arith.mulf %get3A_18, %parallel_loop3A_335 : vector<16xf32>
            %parallel_loop3A_337 = arith.constant 80 : i32
            %parallel_loop3A_338 = arith.addi %parallel_loop3A_174, %parallel_loop3A_337 : i32
            %parallel_loop3A_339 = arith.constant 1 : i32
            %parallel_loop3A_340 = arith.constant 0 : i32
            %parallel_loop3A_341 = arith.index_cast %parallel_loop3A_339 : i32 to index
            %parallel_loop3A_342 = arith.index_cast %parallel_loop3A_340 : i32 to index
            %parallel_loop3A_343 = arith.index_cast %parallel_loop3A_164 : i32 to index
            %parallel_loop3A_344 = arith.constant 80 : index
            %parallel_loop3A_345 = tpu.vector_load %arg8[%parallel_loop3A_341, %parallel_loop3A_342, %parallel_loop3A_343, %parallel_loop3A_344] {strides = array<i32>} : memref<2x2x96x96xf32, #tpu.memory_space<vmem>>, vector<1x1x1x16xf32>,
            %parallel_loop3A_346 = vector.shape_cast %parallel_loop3A_345 : vector<1x1x1x16xf32> to vector<16xf32>
            %parallel_loop3A_347 = arith.mulf %parallel_loop3A_346, %parallel_loop3A_336 : vector<16xf32>
            %parallel_loop3A_348 = arith.index_cast %parallel_loop3A_338 : i32 to index
            %parallel_loop3A_349 = tpu.vector_load %arg6[%parallel_loop3A_348] {strides = array<i32>} : memref<36864xf32, #tpu.memory_space<vmem>>, vector<16xf32>,
            %parallel_loop3A_350 = vector.shape_cast %parallel_loop3A_349 : vector<16xf32> to vector<16xf32>
            %parallel_loop3A_351 = vector.shape_cast %parallel_loop3A_347 : vector<16xf32> to vector<16xf32>
            tpu.vector_store %arg6[%parallel_loop3A_348], %parallel_loop3A_351 {add = true, strides = array<i32>} : memref<36864xf32, #tpu.memory_space<vmem>>, vector<16xf32>,
            %parallel_loop3A_352 = arith.constant 80 : i32
            %parallel_loop3A_353 = arith.addi %parallel_loop3A_174, %parallel_loop3A_352 : i32
            %parallel_loop3A_354 = arith.constant 1 : i32
            %parallel_loop3A_355 = arith.constant 1 : i32
            %parallel_loop3A_356 = arith.index_cast %parallel_loop3A_354 : i32 to index
            %parallel_loop3A_357 = arith.index_cast %parallel_loop3A_355 : i32 to index
            %parallel_loop3A_358 = arith.index_cast %parallel_loop3A_164 : i32 to index
            %parallel_loop3A_359 = arith.constant 80 : index
            %parallel_loop3A_360 = tpu.vector_load %arg8[%parallel_loop3A_356, %parallel_loop3A_357, %parallel_loop3A_358, %parallel_loop3A_359] {strides = array<i32>} : memref<2x2x96x96xf32, #tpu.memory_space<vmem>>, vector<1x1x1x16xf32>,
            %parallel_loop3A_361 = vector.shape_cast %parallel_loop3A_360 : vector<1x1x1x16xf32> to vector<16xf32>
            %parallel_loop3A_362 = arith.mulf %parallel_loop3A_361, %parallel_loop3A_336 : vector<16xf32>
            %parallel_loop3A_363 = arith.index_cast %parallel_loop3A_353 : i32 to index
            %parallel_loop3A_364 = tpu.vector_load %arg7[%parallel_loop3A_363] {strides = array<i32>} : memref<36864xf32, #tpu.memory_space<vmem>>, vector<16xf32>,
            %parallel_loop3A_365 = vector.shape_cast %parallel_loop3A_364 : vector<16xf32> to vector<16xf32>
            %parallel_loop3A_366 = vector.shape_cast %parallel_loop3A_362 : vector<16xf32> to vector<16xf32>
            tpu.vector_store %arg7[%parallel_loop3A_363], %parallel_loop3A_366 {add = true, strides = array<i32>} : memref<36864xf32, #tpu.memory_space<vmem>>, vector<16xf32>,
          } {sc.loop_unroll_factor = 4 : i64, sc.parallel_access}
        } else {
        }
        %while3A_92 = arith.constant 0 : i32
        scf.yield %while3A_92 : i32
      }
      "tpu.region"() ({
        %run_scoped3A = tpu.sem_alloc : memref<!tpu.dma_semaphore, #tpu.memory_space<semaphore_mem>>
        %dma_start3A = arith.constant 0 : i32
        %dma_start3A_55 = tpu.memref_slice %arg5[%add3A_29, %dma_start3A] : memref<384x36864xf32, #tpu.memory_space<hbm>> -> memref<1x36864xf32, #tpu.memory_space<hbm>>
        %dma_start3A_56 = tpu.memref_squeeze %dma_start3A_55 : memref<1x36864xf32, #tpu.memory_space<hbm>> -> memref<36864xf32, #tpu.memory_space<hbm>>
        %dma_start3A_57 = arith.constant 0 : i32
        %dma_start3A_58 = tpu.memref_slice %arg5[%add3A_29, %dma_start3A_57] : memref<384x36864xf32, #tpu.memory_space<hbm>> -> memref<1x36864xf32, #tpu.memory_space<hbm>>
        %dma_start3A_59 = tpu.memref_squeeze %dma_start3A_58 : memref<1x36864xf32, #tpu.memory_space<hbm>> -> memref<36864xf32, #tpu.memory_space<hbm>>
        tpu.enqueue_dma source(%arg6 : memref<36864xf32, #tpu.memory_space<vmem>>) target(%dma_start3A_59 : memref<36864xf32, #tpu.memory_space<hbm>>) target_semaphore(%run_scoped3A : memref<!tpu.dma_semaphore, #tpu.memory_space<semaphore_mem>>)
        %dma_wait3A = arith.constant 0 : i32
        %dma_wait3A_60 = tpu.memref_slice %arg5[%add3A_29, %dma_wait3A] : memref<384x36864xf32, #tpu.memory_space<hbm>> -> memref<1x36864xf32, #tpu.memory_space<hbm>>
        %dma_wait3A_61 = tpu.memref_squeeze %dma_wait3A_60 : memref<1x36864xf32, #tpu.memory_space<hbm>> -> memref<36864xf32, #tpu.memory_space<hbm>>
        %dma_wait3A_62 = arith.constant 0 : i32
        %dma_wait3A_63 = tpu.memref_slice %arg5[%add3A_29, %dma_wait3A_62] : memref<384x36864xf32, #tpu.memory_space<hbm>> -> memref<1x36864xf32, #tpu.memory_space<hbm>>
        %dma_wait3A_64 = tpu.memref_squeeze %dma_wait3A_63 : memref<1x36864xf32, #tpu.memory_space<hbm>> -> memref<36864xf32, #tpu.memory_space<hbm>>
        tpu.wait_dma2 semaphore(%run_scoped3A : memref<!tpu.dma_semaphore, #tpu.memory_space<semaphore_mem>>) src(%arg6 : memref<36864xf32, #tpu.memory_space<vmem>>) dst(%dma_wait3A_64 : memref<36864xf32, #tpu.memory_space<hbm>>)
        tpu.yield
      }) : () -> ()
      %add3A_52 = arith.constant 192 : i32
      %add3A_53 = arith.addi %add3A_52, %add3A_29 : i32
      "tpu.region"() ({
        %run_scoped3A = tpu.sem_alloc : memref<!tpu.dma_semaphore, #tpu.memory_space<semaphore_mem>>
        %dma_start3A = arith.constant 0 : i32
        %dma_start3A_55 = tpu.memref_slice %arg5[%add3A_53, %dma_start3A] : memref<384x36864xf32, #tpu.memory_space<hbm>> -> memref<1x36864xf32, #tpu.memory_space<hbm>>
        %dma_start3A_56 = tpu.memref_squeeze %dma_start3A_55 : memref<1x36864xf32, #tpu.memory_space<hbm>> -> memref<36864xf32, #tpu.memory_space<hbm>>
        %dma_start3A_57 = arith.constant 0 : i32
        %dma_start3A_58 = tpu.memref_slice %arg5[%add3A_53, %dma_start3A_57] : memref<384x36864xf32, #tpu.memory_space<hbm>> -> memref<1x36864xf32, #tpu.memory_space<hbm>>
        %dma_start3A_59 = tpu.memref_squeeze %dma_start3A_58 : memref<1x36864xf32, #tpu.memory_space<hbm>> -> memref<36864xf32, #tpu.memory_space<hbm>>
        tpu.enqueue_dma source(%arg7 : memref<36864xf32, #tpu.memory_space<vmem>>) target(%dma_start3A_59 : memref<36864xf32, #tpu.memory_space<hbm>>) target_semaphore(%run_scoped3A : memref<!tpu.dma_semaphore, #tpu.memory_space<semaphore_mem>>)
        %dma_wait3A = arith.constant 0 : i32
        %dma_wait3A_60 = tpu.memref_slice %arg5[%add3A_53, %dma_wait3A] : memref<384x36864xf32, #tpu.memory_space<hbm>> -> memref<1x36864xf32, #tpu.memory_space<hbm>>
        %dma_wait3A_61 = tpu.memref_squeeze %dma_wait3A_60 : memref<1x36864xf32, #tpu.memory_space<hbm>> -> memref<36864xf32, #tpu.memory_space<hbm>>
        %dma_wait3A_62 = arith.constant 0 : i32
        %dma_wait3A_63 = tpu.memref_slice %arg5[%add3A_53, %dma_wait3A_62] : memref<384x36864xf32, #tpu.memory_space<hbm>> -> memref<1x36864xf32, #tpu.memory_space<hbm>>
        %dma_wait3A_64 = tpu.memref_squeeze %dma_wait3A_63 : memref<1x36864xf32, #tpu.memory_space<hbm>> -> memref<36864xf32, #tpu.memory_space<hbm>>
        tpu.wait_dma2 semaphore(%run_scoped3A : memref<!tpu.dma_semaphore, #tpu.memory_space<semaphore_mem>>) src(%arg7 : memref<36864xf32, #tpu.memory_space<vmem>>) dst(%dma_wait3A_64 : memref<36864xf32, #tpu.memory_space<hbm>>)
        tpu.yield
      }) : () -> ()
      %scan3A_54 = arith.constant 0 : i32
      scf.yield %scan3A_54 : i32
    }
    %scan3A_24 = arith.constant 6 : i32
    return
  }
}

module attributes {stable_mosaic.version = 14 : i64} {
  func.func @_tc_finalize_body(%arg0: i32, %arg1: memref<2x1x192x192xf32, #tpu.memory_space<vmem>>, %arg2: memref<192x27xf32, #tpu.memory_space<vmem>>, %arg3: memref<2x96x96x96xf32, #tpu.memory_space<vmem>>, %arg4: memref<96x192xf32, #tpu.memory_space<vmem>>, %arg5: memref<192x27xf32, #tpu.memory_space<vmem>>, %arg6: memref<27x192xf32, #tpu.memory_space<vmem>>, %arg7: memref<2x1x192x192xf32, #tpu.memory_space<vmem>>) attributes {dimension_semantics = [#tpu.dimension_semantics<arbitrary>], iteration_bounds = array<i64: 192>, scalar_prefetch = 0 : i64, scratch_operands = 0 : i64, tpu.core_type = #tpu.core_type<tc>, window_params = [{transform_indices = @transform_0, window_bounds = array<i64: 2, 1, 192, 192>}, {pipeline_mode = #tpu.pipeline_mode<synchronous>, transform_indices = @transform_1, window_bounds = array<i64: 192, 27>}, {pipeline_mode = #tpu.pipeline_mode<synchronous>, transform_indices = @transform_2, window_bounds = array<i64: 2, 96, 96, 96>}, {pipeline_mode = #tpu.pipeline_mode<synchronous>, transform_indices = @transform_3, window_bounds = array<i64: 96, 192>}, {pipeline_mode = #tpu.pipeline_mode<synchronous>, transform_indices = @transform_4, window_bounds = array<i64: 192, 27>}, {pipeline_mode = #tpu.pipeline_mode<synchronous>, transform_indices = @transform_5, window_bounds = array<i64: 27, 192>}, {transform_indices = @transform_6, window_bounds = array<i64: 2, 1, 192, 192>}]} {
    %jit3A = arith.constant 2 : i32
    %div3A = arith.divsi %arg0, %jit3A : i32
    %sign3A = arith.constant 0 : i32
    %sign3A_0 = arith.cmpi sgt, %arg0, %sign3A : i32
    %sign3A_1 = arith.extui %sign3A_0 : i1 to i32
    %sign3A_2 = arith.constant 0 : i32
    %sign3A_3 = arith.cmpi slt, %arg0, %sign3A_2 : i32
    %sign3A_4 = arith.extui %sign3A_3 : i1 to i32
    %sign3A_5 = arith.subi %sign3A_1, %sign3A_4 : i32
    %sign3A_6 = arith.constant 0 : i32
    %sign3A_7 = arith.cmpi sgt, %jit3A, %sign3A_6 : i32
    %sign3A_8 = arith.extui %sign3A_7 : i1 to i32
    %sign3A_9 = arith.constant 0 : i32
    %sign3A_10 = arith.cmpi slt, %jit3A, %sign3A_9 : i32
    %sign3A_11 = arith.extui %sign3A_10 : i1 to i32
    %sign3A_12 = arith.subi %sign3A_8, %sign3A_11 : i32
    %ne3A = arith.cmpi ne, %sign3A_5, %sign3A_12 : i32
    %rem3A = arith.remsi %arg0, %jit3A : i32
    %ne3A_13 = arith.constant 0 : i32
    %ne3A_14 = arith.cmpi ne, %rem3A, %ne3A_13 : i32
    %and3A = arith.andi %ne3A, %ne3A_14 : i1
    %sub3A = arith.constant 1 : i32
    %sub3A_15 = arith.subi %div3A, %sub3A : i32
    %select_n3A = arith.select %and3A, %sub3A_15, %div3A : i32
    %jit3A_16 = arith.constant 2 : i32
    %eq3A = arith.constant 0 : i32
    %eq3A_17 = arith.cmpi eq, %jit3A_16, %eq3A : i32
    %jit3A_18 = arith.constant 1 : i32
    %select_n3A_19 = arith.select %eq3A_17, %jit3A_18, %jit3A_16 : i32
    %rem3A_20 = arith.remsi %arg0, %select_n3A_19 : i32
    %ne3A_21 = arith.constant 0 : i32
    %ne3A_22 = arith.cmpi ne, %rem3A_20, %ne3A_21 : i32
    %lt3A = arith.constant 0 : i32
    %lt3A_23 = arith.cmpi slt, %rem3A_20, %lt3A : i32
    %lt3A_24 = arith.constant 0 : i32
    %lt3A_25 = arith.cmpi slt, %select_n3A_19, %lt3A_24 : i32
    %ne3A_26 = arith.xori %lt3A_23, %lt3A_25 : i1
    %and3A_27 = arith.andi %ne3A_26, %ne3A_22 : i1
    %add3A = arith.addi %rem3A_20, %select_n3A_19 : i32
    %select_n3A_28 = arith.select %and3A_27, %add3A, %rem3A_20 : i32
    %eq3A_29 = arith.constant 0 : i32
    %eq3A_30 = arith.cmpi eq, %select_n3A_28, %eq3A_29 : i32
    %sub3A_31 = arith.constant 1 : i32
    %sub3A_32 = arith.subi %select_n3A, %sub3A_31 : i32
    %select_n3A_33 = arith.select %eq3A_30, %sub3A_32, %select_n3A : i32
    %jit3A_34 = arith.constant 0 : i32
    %jit3A_35 = arith.constant 95 : i32
    %max3A = arith.maxsi %jit3A_34, %select_n3A_33 : i32
    %min3A = arith.minsi %jit3A_35, %max3A : i32
    %eq3A_36 = arith.constant 0 : i32
    %eq3A_37 = arith.cmpi eq, %select_n3A_28, %eq3A_36 : i32
    %add3A_38 = arith.constant 1 : i32
    %add3A_39 = arith.addi %select_n3A, %add3A_38 : i32
    %select_n3A_40 = arith.select %eq3A_37, %select_n3A, %add3A_39 : i32
    %jit3A_41 = arith.constant 0 : i32
    %jit3A_42 = arith.constant 95 : i32
    %max3A_43 = arith.maxsi %jit3A_41, %select_n3A_40 : i32
    %min3A_44 = arith.minsi %jit3A_42, %max3A_43 : i32
    %eq3A_45 = arith.constant 0 : i32
    %eq3A_46 = arith.cmpi eq, %select_n3A_28, %eq3A_45 : i32
    %jit3A_47 = arith.constant 2.500000e-01 : f32
    %jit3A_48 = arith.constant 7.500000e-01 : f32
    %select_n3A_49 = arith.select %eq3A_46, %jit3A_47, %jit3A_48 : f32
    %get3A = arith.constant 0 : index
    %get3A_50 = arith.index_cast %min3A : i32 to index
    %get3A_51 = arith.constant 0 : index
    %get3A_52 = arith.constant 0 : index
    %get3A_53 = vector.load %arg3[%get3A, %get3A_50, %get3A_51, %get3A_52] : memref<2x96x96x96xf32, #tpu.memory_space<vmem>>, vector<2x1x96x96xf32>
    %reshape3A = vector.shape_cast %get3A_53 : vector<2x1x96x96xf32> to vector<2x96x96xf32>
    %get3A_54 = arith.constant 0 : index
    %get3A_55 = arith.index_cast %min3A_44 : i32 to index
    %get3A_56 = arith.constant 0 : index
    %get3A_57 = arith.constant 0 : index
    %get3A_58 = vector.load %arg3[%get3A_54, %get3A_55, %get3A_56, %get3A_57] : memref<2x96x96x96xf32, #tpu.memory_space<vmem>>, vector<2x1x96x96xf32>
    %reshape3A_59 = vector.shape_cast %get3A_58 : vector<2x1x96x96xf32> to vector<2x96x96xf32>
    %mul3A = vector.broadcast %select_n3A_49 : f32 to vector<2x96x96xf32>
    %mul3A_60 = arith.mulf %mul3A, %reshape3A : vector<2x96x96xf32>
    %sub3A_61 = arith.constant 1.000000e+00 : f32
    %sub3A_62 = arith.subf %sub3A_61, %select_n3A_49 : f32
    %mul3A_63 = vector.broadcast %sub3A_62 : f32 to vector<2x96x96xf32>
    %mul3A_64 = arith.mulf %mul3A_63, %reshape3A_59 : vector<2x96x96xf32>
    %add3A_65 = arith.addf %mul3A_60, %mul3A_64 : vector<2x96x96xf32>
    %get3A_66 = arith.constant 0 : index
    %get3A_67 = arith.constant 0 : index
    %get3A_68 = vector.load %arg4[%get3A_66, %get3A_67] : memref<96x192xf32, #tpu.memory_space<vmem>>, vector<96x192xf32>
    %dot_general3A = arith.constant dense<0.000000e+00> : vector<2x96x192xf32>
    %dot_general3A_69 = tpu.matmul %add3A_65, %get3A_68, %dot_general3A {dimension_numbers = #tpu.dot_dimension_numbers<[2], [0], [0, 1], [1], [0, 0, 0, 1, 1, 1], [], []>, transpose_lhs_hint = false} : vector<2x96x96xf32>, vector<96x192xf32>, vector<2x96x192xf32> -> vector<2x96x192xf32>
    %dot_general3A_70 = arith.constant dense<0.000000e+00> : vector<2x192x192xf32>
    %dot_general3A_71 = tpu.matmul %dot_general3A_69, %get3A_68, %dot_general3A_70 {dimension_numbers = #tpu.dot_dimension_numbers<[1], [0], [0, 2], [1], [0, 0, 0, 2, 1, 1], [], []>, transpose_lhs_hint = false} : vector<2x96x192xf32>, vector<96x192xf32>, vector<2x192x192xf32> -> vector<2x192x192xf32>
    %transpose3A = tpu.transpose %dot_general3A_71, [0, 2, 1] : vector<2x192x192xf32> -> vector<2x192x192xf32>
    %get3A_72 = arith.index_cast %arg0 : i32 to index
    %get3A_73 = arith.constant 0 : index
    %get3A_74 = vector.load %arg2[%get3A_72, %get3A_73] : memref<192x27xf32, #tpu.memory_space<vmem>>, vector<1x27xf32>
    %get3A_75 = arith.constant 0 : index
    %get3A_76 = arith.constant 0 : index
    %get3A_77 = vector.load %arg5[%get3A_75, %get3A_76] : memref<192x27xf32, #tpu.memory_space<vmem>>, vector<192x27xf32>
    %mul3A_78 = vector.broadcast %get3A_74 : vector<1x27xf32> to vector<192x27xf32>
    %mul3A_79 = arith.mulf %get3A_77, %mul3A_78 : vector<192x27xf32>
    %get3A_80 = arith.constant 0 : index
    %get3A_81 = arith.constant 0 : index
    %get3A_82 = vector.load %arg6[%get3A_80, %get3A_81] : memref<27x192xf32, #tpu.memory_space<vmem>>, vector<27x192xf32>
    %dot_general3A_83 = arith.constant dense<0.000000e+00> : vector<192x192xf32>
    %dot_general3A_84 = tpu.matmul %mul3A_79, %get3A_82, %dot_general3A_83 {dimension_numbers = #tpu.dot_dimension_numbers<[1], [0], [0], [1], [0, 0, 1, 1], [], []>, transpose_lhs_hint = false} : vector<192x27xf32>, vector<27x192xf32>, vector<192x192xf32> -> vector<192x192xf32>
    %reshape3A_85 = vector.shape_cast %dot_general3A_84 : vector<192x192xf32> to vector<1x192x192xf32>
    %get3A_86 = arith.constant 0 : index
    %get3A_87 = arith.constant 0 : index
    %get3A_88 = arith.constant 0 : index
    %get3A_89 = arith.constant 0 : index
    %get3A_90 = vector.load %arg1[%get3A_86, %get3A_87, %get3A_88, %get3A_89] : memref<2x1x192x192xf32, #tpu.memory_space<vmem>>, vector<2x1x192x192xf32>
    %reshape3A_91 = vector.shape_cast %get3A_90 : vector<2x1x192x192xf32> to vector<2x192x192xf32>
    %add3A_92 = arith.constant 9.99999968E-21 : f32
    %add3A_93 = vector.broadcast %add3A_92 : f32 to vector<1x192x192xf32>
    %add3A_94 = arith.addf %reshape3A_85, %add3A_93 : vector<1x192x192xf32>
    %div3A_95 = vector.broadcast %add3A_94 : vector<1x192x192xf32> to vector<2x192x192xf32>
    %div3A_96 = arith.divf %reshape3A_91, %div3A_95 : vector<2x192x192xf32>
    %gt3A = arith.constant 0.000000e+00 : f32
    %gt3A_97 = vector.broadcast %gt3A : f32 to vector<1x192x192xf32>
    %gt3A_98 = arith.cmpf ogt, %reshape3A_85, %gt3A_97 : vector<1x192x192xf32>
    %jit3A_99 = arith.constant 0.000000e+00 : f32
    %broadcast_in_dim3A = vector.shape_cast %gt3A_98 : vector<1x192x192xi1> to vector<1x192x192xi1>
    %broadcast_in_dim3A_100 = vector.broadcast %broadcast_in_dim3A : vector<1x192x192xi1> to vector<2x192x192xi1>
    %broadcast_in_dim3A_101 = vector.broadcast %jit3A_99 : f32 to vector<2x192x192xf32>
    %select_n3A_102 = arith.select %broadcast_in_dim3A_100, %broadcast_in_dim3A_101, %transpose3A : vector<2x192x192xi1>, vector<2x192x192xf32>
    %add3A_103 = arith.addf %div3A_96, %select_n3A_102 : vector<2x192x192xf32>
    %reshape3A_104 = vector.shape_cast %add3A_103 : vector<2x192x192xf32> to vector<2x1x192x192xf32>
    %swap3A = arith.constant 0 : index
    %swap3A_105 = arith.constant 0 : index
    %swap3A_106 = arith.constant 0 : index
    %swap3A_107 = arith.constant 0 : index
    %swap3A_108 = vector.load %arg7[%swap3A, %swap3A_105, %swap3A_106, %swap3A_107] : memref<2x1x192x192xf32, #tpu.memory_space<vmem>>, vector<2x1x192x192xf32>
    tpu.vector_store %arg7[%swap3A, %swap3A_105, %swap3A_106, %swap3A_107], %reshape3A_104 {strides = array<i32>} : memref<2x1x192x192xf32, #tpu.memory_space<vmem>>, vector<2x1x192x192xf32>,
    return
  }
  func.func @transform_0(%arg0: i32) -> (i32, i32, i32, i32) {
    %c0_i32 = arith.constant 0 : i32
    %c0_i32_0 = arith.constant 0 : i32
    %c0_i32_1 = arith.constant 0 : i32
    %c0_i32_2 = arith.constant 0 : i32
    return %c0_i32, %arg0, %c0_i32_0, %c0_i32_1 : i32, i32, i32, i32
  }
  func.func @transform_1(%arg0: i32) -> (i32, i32) {
    %c0_i32 = arith.constant 0 : i32
    %c0_i32_0 = arith.constant 0 : i32
    %c0_i32_1 = arith.constant 0 : i32
    return %c0_i32, %c0_i32_0 : i32, i32
  }
  func.func @transform_2(%arg0: i32) -> (i32, i32, i32, i32) {
    %c0_i32 = arith.constant 0 : i32
    %c0_i32_0 = arith.constant 0 : i32
    %c0_i32_1 = arith.constant 0 : i32
    %c0_i32_2 = arith.constant 0 : i32
    %c0_i32_3 = arith.constant 0 : i32
    return %c0_i32, %c0_i32_0, %c0_i32_1, %c0_i32_2 : i32, i32, i32, i32
  }
  func.func @transform_3(%arg0: i32) -> (i32, i32) {
    %c0_i32 = arith.constant 0 : i32
    %c0_i32_0 = arith.constant 0 : i32
    %c0_i32_1 = arith.constant 0 : i32
    return %c0_i32, %c0_i32_0 : i32, i32
  }
  func.func @transform_4(%arg0: i32) -> (i32, i32) {
    %c0_i32 = arith.constant 0 : i32
    %c0_i32_0 = arith.constant 0 : i32
    %c0_i32_1 = arith.constant 0 : i32
    return %c0_i32, %c0_i32_0 : i32, i32
  }
  func.func @transform_5(%arg0: i32) -> (i32, i32) {
    %c0_i32 = arith.constant 0 : i32
    %c0_i32_0 = arith.constant 0 : i32
    %c0_i32_1 = arith.constant 0 : i32
    return %c0_i32, %c0_i32_0 : i32, i32
  }
  func.func @transform_6(%arg0: i32) -> (i32, i32, i32, i32) {
    %c0_i32 = arith.constant 0 : i32
    %c0_i32_0 = arith.constant 0 : i32
    %c0_i32_1 = arith.constant 0 : i32
    %c0_i32_2 = arith.constant 0 : i32
    return %c0_i32, %arg0, %c0_i32_0, %c0_i32_1 : i32, i32, i32, i32
  }
}

</mosaic_0001>

<sc_bundles>
// kernel: kernel.4.cloned.1.call-start
scs
__scs_entry_jumppad:
0x0: {  	(pc) =	sbr.rel $0x88, $3  }
0x1: {  	(tag) =	ssettag $0x0;
	lr =	simm.s32 $0x1  }
0x2: {  	[smem:$0x3F9E] =	sst lr;
	_ =	strace $0xD0000000  }
0x3: {  	_ = 	snop  }
0x4: {  	_ = 	snop  }
0x5: {  	_ = 	snop  }
0x6: {  	_ = 	snop  }
0x7: {  	_ = 	snop  }
__scs_overlays_trampoline_lowered:
0x8: {  	[smem:$0x3FAD] =	sst s0  }
0x9: {  	[smem:$0x3FAE] =	sst s1  }
0xa: {  	[smem:$0x3FAF] =	sst s2  }
0xb: {  	[smem:$0x3FB0] =	sst s3  }
0xc: {  	[smem:$0x3FB1] =	sst s4  }
0xd: {  	[smem:$0x3FB2] =	sst s5  }
0xe: {  	[smem:$0x3FB3] =	sst s6  }
0xf: {  	[smem:$0x3FB4] =	sst s7  }
0x10: {  	[smem:$0x3FB5] =	sst s8  }
0x11: {  	[smem:$0x3FB6] =	sst s9;
	s0 =	simm.s32 @!p0 $0x0  }
0x12: {  	s1 =	sld [smem:$0x3F9C];
	s0 =	simm.s32 @p0 $0x1  }
0x13: {  	[smem:$0x3FB7] =	sst s0;
	s0 =	simm.s32 @!p1 $0x0  }
0x14: {  	s2 =	sld [smem:$0x3F9B];
	s0 =	simm.s32 @p1 $0x1  }
0x15: {  	[smem:$0x3FB8] =	sst s0;
	s0 =	simm.s32 @!p2 $0x0  }
0x16: {  	s3 =	sld [smem:$0x3FDB];
	s0 =	simm.s32 @p2 $0x1  }
0x17: {  	s4 =	simm.s32 $0x1BF5;
	[smem:$0x3FBA] =	sst s0  }
0x18: {  	s0 =	sld [smem:$0x3F9D];
	_ =	swait.ge [sflag:s4], $0x0  }
0x19: {  	s7 =	sld [smem:$0x3F9E]  }
0x1a: {  	s8 =	sadd.s32 $0xFFFFE003, lr  }
0x1b: {  	s9 =	sadd.s32 $0xFFFFFEF7, lr;
	s5 =	simm.s32 $0xFFFFFFFF;
	p2 =	slt.u32 s8, $0xFFFFF086  }
0x1c: {  	p1 =	slt.u32 s9, $0xF7A;
	s5 =	simm.s32 @!p2 $0x0  }
0x1d: {  	s5 =	simm.s32 @p1 $0x1;
	p0 =	seq.s32 s7, s2  }
0x1e: {  	s7 =	smul.u32 @!p0 $0xF7A, s2;
	p2 =	seq.s32 @!p0 s5, $0x0  }
0x1f: {  	s9 =	smul.u32 $0xF7A, s1;
	s8 =	simm.s32 @!p0 $0x1BF5;
	p2 =	por !p2, p0  }
0x20: {  	[sflag:s8] =	ssyncset.s32 @!p0 $0xFFFFF086;
	s6 =	sadd.s32 @!p0 s3, s7;
	s7 =	simm.s32 @!p0 $0x108  }
0x21: {  	s3 =	sadd.s32 s3, s9;
	s6 =	sadd.s32 @!p0 $0x88, s6;
	s7 =	simm.s32 @p2 $0x1082  }
0x22: {  	[simem:s7], [sflag:s8] =	dma.local @!p0 [hbm:s6], $0xF7A  }
0x23: {  	s9 =	sor.u32 $0xD0000000, s2;
	s6 =	simm.s32 $0x108;
	_ =	swait.ge @!p0 [sflag:s8], $0x0  }
0x24: {  	s3 =	sadd.s32 $0x88, s3;
	s6 =	simm.s32 @!p1 $0x1082;
	[sflag:s4] =	ssyncset.s32 $0xFFFFF086  }
0x25: {  	[simem:s6], [sflag:s4] =	dma.local [hbm:s3], $0xF7A  }
0x26: {  	[smem:$0x3F9E] =	sst s1;
	(tag) =	ssettag s2;
	_ =	strace s9  }
0x27: {  	s1 =	sld [smem:$0x3FAE]  }
0x28: {  	s2 =	sld [smem:$0x3FAF]  }
0x29: {  	s4 =	sld [smem:$0x3FB1]  }
0x2a: {  	p0 =	seq.s32 s5, $0x0;
	s5 =	sld [smem:$0x3FB2]  }
0x2b: {  	s6 =	sld [smem:$0x3FB3]  }
0x2c: {  	s7 =	sld [smem:$0x3FB4]  }
0x2d: {  	s3 =	simm.s32 $0x108;
	s8 =	sld [smem:$0x3FB5]  }
0x2e: {  	s3 =	simm.s32 @!p0 $0x1082;
	s9 =	sld [smem:$0x3FB6]  }
0x2f: {  	lr =	sadd.s32 s0, s3;
	s0 =	sld [smem:$0x3FAD]  }
0x30: {  	s3 =	sld [smem:$0x3FB0]  }
0x31: {  	[smem:$0x3FB9] =	sst s10  }
0x32: {  	s10 =	sld [smem:$0x3FB7];
	_ =	sdelay $0x3  }
0x33: {  	p0 =	seq.s32 s10, $0x1;
	s10 =	sld [smem:$0x3FB9];
	_ =	sdelay $0x3  }
0x34: {  	[smem:$0x3FB9] =	sst s10  }
0x35: {  	s10 =	sld [smem:$0x3FB8];
	_ =	sdelay $0x3  }
0x36: {  	p1 =	seq.s32 s10, $0x1;
	s10 =	sld [smem:$0x3FB9];
	_ =	sdelay $0x3  }
0x37: {  	[smem:$0x3FB9] =	sst s10  }
0x38: {  	s10 =	sld [smem:$0x3FBA]  }
0x39: {  	_ = 	snop;
	(pc) =	sbr.ind lr, $3  }
0x3a: {  	_ = 	snop  }
0x3b: {  	_ = 	snop  }
0x3c: {  	p2 =	seq.s32 s10, $0x1;
	s10 =	sld [smem:$0x3FB9]  }
0x3d: {  	_ =	shalt  }
0x3e: {  	_ =	shalt  }
0x3f: {  	_ =	shalt  }
0x40: {  	_ =	shalt  }
0x41: {  	_ =	shalt  }
0x42: {  	_ =	shalt  }
0x43: {  	_ =	shalt  }
0x44: {  	_ =	shalt  }
0x45: {  	_ =	shalt  }
0x46: {  	_ =	shalt  }
0x47: {  	_ =	shalt  }
0x48: {  	_ =	shalt  }
0x49: {  	_ =	shalt  }
0x4a: {  	_ =	shalt  }
0x4b: {  	_ =	shalt  }
0x4c: {  	_ =	shalt  }
0x4d: {  	_ =	shalt  }
0x4e: {  	_ =	shalt  }
0x4f: {  	_ =	shalt  }
0x50: {  	_ =	shalt  }
0x51: {  	_ =	shalt  }
0x52: {  	_ =	shalt  }
0x53: {  	_ =	shalt  }
0x54: {  	_ =	shalt  }
0x55: {  	_ =	shalt  }
0x56: {  	_ =	shalt  }
0x57: {  	_ =	shalt  }
0x58: {  	_ =	shalt  }
0x59: {  	_ =	shalt  }
0x5a: {  	_ =	shalt  }
0x5b: {  	_ =	shalt  }
0x5c: {  	_ =	shalt  }
0x5d: {  	_ =	shalt  }
0x5e: {  	_ =	shalt  }
0x5f: {  	_ =	shalt  }
0x60: {  	_ =	shalt  }
0x61: {  	_ =	shalt  }
0x62: {  	_ =	shalt  }
0x63: {  	_ =	shalt  }
0x64: {  	_ =	shalt  }
0x65: {  	_ =	shalt  }
0x66: {  	_ =	shalt  }
0x67: {  	_ =	shalt  }
0x68: {  	_ =	shalt  }
0x69: {  	_ =	shalt  }
0x6a: {  	_ =	shalt  }
0x6b: {  	_ =	shalt  }
0x6c: {  	_ =	shalt  }
0x6d: {  	_ =	shalt  }
0x6e: {  	_ =	shalt  }
0x6f: {  	_ =	shalt  }
0x70: {  	_ =	shalt  }
0x71: {  	_ =	shalt  }
0x72: {  	_ =	shalt  }
0x73: {  	_ =	shalt  }
0x74: {  	_ =	shalt  }
0x75: {  	_ =	shalt  }
0x76: {  	_ =	shalt  }
0x77: {  	_ =	shalt  }
0x78: {  	_ =	shalt  }
0x79: {  	_ =	shalt  }
0x7a: {  	_ =	shalt  }
0x7b: {  	_ =	shalt  }
0x7c: {  	_ =	shalt  }
0x7d: {  	_ =	shalt  }
0x7e: {  	_ =	shalt  }
0x7f: {  	_ =	shalt  }
0x80: {  	_ =	shalt  }
0x81: {  	_ =	shalt  }
0x82: {  	_ =	shalt  }
0x83: {  	_ =	shalt  }
0x84: {  	_ =	shalt  }
0x85: {  	_ =	shalt  }
0x86: {  	_ =	shalt  }
0x87: {  	_ =	shalt  }
.Lfunc_end0:
.L_simem_size_0:
called_computation_lowered:
.L_overlay_start_0:
0x88: {  	s2 =	sld [smem:$0x3FD9]  }
0x89: {  	s3 =	sld [smem:$0x3FFE];
	_ =	sdelay $0x1  }
0x8a: {  	s1 =	srdreg.scid  }
0x8b: {  	s0 =	sand.u32 $0x1, s1  }
0x8c: {  	s17 =	sshll.u32 s0, $0xA;
	s2 =	sadd.s32 s3, s2  }
0x8d: {  	s2 =	sadd.s32 s2, s17  }
0x8e: {  	[smem:$0x3FC5] =	sst s2  }
0x8f: {  	_ = 	snop  }
0x90: {  	s2 =	sld [smem:$0x3FC9]  }
0x91: {  	s18 =	sld [smem:$0x3FD0];
	(tm) =	ssettm $0x1  }
0x92: {  	s4 =	sld [smem:$0x3FFB];
	_ =	sdelay $0x3  }
0x93: {  	_ =	strace s4  }
0x94: {  	s4 =	sld [smem:$0x3FFC];
	_ =	sdelay $0x3  }
0x95: {  	_ =	strace s4  }
0x96: {  	s4 =	sld [smem:$0x3FFD];
	_ =	sdelay $0x3  }
0x97: {  	_ =	strace s4  }
0x98: {  	_ =	strace $0x8FFFFFFF  }
0x99: {  	s19 =	sld [smem:$0x3FDB];
	_ =	sdelay $0x1  }
0x9a: {  	s5 =	simm.s32 $_scs_section_size  }
0x9b: {  	s6 =	simm.s32 $_size__tile_overlayer_lowered;
	s7 =	simm.s32 $_tile_overlayer_lowered  }
0x9c: {  	s22 =	simm.s32 $0x1BFF;
	s21 =	sshll.u32 s7, $0x1;
	s4 =	sadd.s32 s5, s19  }
0x9d: {  	s8 =	simm.s32 $0x0;
	s20 =	sshll.u32 s6, $0x1;
	s6 =	sadd.s32 s21, s4  }
0x9e: {  	[timem:s8], [sflag:s22] =	dma.local [hbm:s6], s20  }
0x9f: {  	_ =	swait.ge [sflag:s22], s20  }
0xa0: {  	s5 =	ssub.s32 $0x0, s20;
	[sflag:s22] =	ssyncset.done $0x0  }
0xa1: {  	[sflag:s22] =	ssyncadd.s32 s5;
	_ =	sdelay $0x1  }
0xa2: {  	s23 =	simm.s32 $0x1B8B  }
0xa3: {  	_ =	swait.ge [sflag:s23], $0x1  }
0xa4: {  	[sflag:s23] =	ssyncset.done $0x0  }
0xa5: {  	s25 =	simm.s32 $0x1B8E;
	s24 =	sld [smem:$0x3FFE];
	[sflag:s23] =	ssyncadd.s32 $0xFFFFFFFF  }
0xa6: {  	s26 =	simm.s32 $execute0_lowered;
	[smem:$0x3FD2] =	sst s25  }
0xa7: {  	s6 =	sshll.u32 s26, $0x1;
	_ =	strace $0x80000046;
	[dreg:$0x1] =	wrdreg $0xFFFFFFFF  }
0xa8: {  	s28 =	simm.s32 $_size_execute0_lowered;
	s4 =	sadd.s32 s4, s6;
	[dreg:$0x0] =	wrdreg $0x0  }
0xa9: {  	s6 =	sshll.u32 s28, $0x1;
	[dreg:$0x2] =	wrdreg s4  }
0xaa: {  	[dreg:$0x3] =	wrdreg s6  }
0xab: {  	[dreg:$0x4] =	wrdreg $0xC0  }
0xac: {  	_ =	task [dreg:s8], $0x5FFFF  }
0xad: {  	[dreg:$0x1] =	wrdreg $0xFFFFFFFF  }
0xae: {  	[dreg:$0x0] =	wrdreg $0x60  }
0xaf: {  	[dreg:$0x2] =	wrdreg s2  }
0xb0: {  	[dreg:$0x3] =	wrdreg s24  }
0xb1: {  	[dreg:$0x4] =	wrdreg s18  }
0xb2: {  	[dreg:$0x5] =	wrdreg $0x9  }
0xb3: {  	_ =	task.clear_ibuf [dreg:s8], $0x6FFFF;
	_ =	strace $0x90000046  }
0xb4: {  	s29 =	simm.s32 $0x9;
	_ =	strace $0x80000048  }
0xb5: {  	_ =	swait.ge [sflag:s29], $0x1  }
0xb6: {  	[sflag:s29] =	ssyncadd.s32 $0xFFFFFFFF  }
0xb7: {  	_ =	strace $0x90000048  }
0xb8: {  	_ =	sfence  }
0xb9: {  	s30 =	sld [smem:$0x0];
	_ =	sdelay $0x2  }
0xba: {  	s31 =	sshll.u32 s1, $0xD;
	s1 =	sshrl.u32 s1, $0x2  }
0xbb: {  	s3 =	sand.u32 $0x4000, s31;
	s1 =	sadd.s32 s1, s30  }
0xbc: {  	s0 =	sor.u32 s3, s0;
	s1 =	sshll.u32 s1, $0x11  }
0xbd: {  	s0 =	sor.u32 s1, s0  }
0xbe: {  	s0 =	sadd.s32 $0x8F2B, s0  }
0xbf: {  	[sflag:s0] =	ssyncadd.remote.s32 $0x1  }
0xc0: {  	_ =	sfence.sel $0xFFFF  }
0xc1: {  	[dreg:$0x0] =	wrdreg $0xFFFFFFFF;
	(pc) =	sbr.abs _section_cstart, $3  }
0xc2: {  	[dreg:$0x1] =	wrdreg $0xFFFFFFFF  }
0xc3: {  	_ =	task.clear_ibuf [dreg:s8], $0x2FFFF;
	_ =	strace $0x9FFFFFFF  }
0xc4: {  	(tm) =	ssettm $0x7FFFFFFF  }
0xc5: {  	_ =	shalt  }
tec
execute0_lowered:
.L_overlay_start_1:
0x0: {  	(tag) =	ssettag $0x1  }
0x1: {  	s1 =	rddreg [dreg:$0x0]  }
0x2: {  	s0 =	rddreg [dreg:$0x1];
	s4 =	simm.s32 $0x0;
	s2 =	srdreg.scid  }
0x3: {  	s3 =	stileid.u32;
	s11 =	simm.s32 $0x3;
	s13 =	simm.s32 $0x1  }
0x4: {  	s16 =	simm.s32 $0x2;
	s17 =	simm.s32 $0x80;
	s18 =	simm.s32 $0x400  }
0x5: {  	[smem:$0x7FF] =	sst s4;
	s2 =	sand.u32 $0x1, s2;
	s3 =	sshll.u32 s3, $0x1  }
.Ltmp0:
0x6: {  	s29 =	sadd.s32 $0x1600, s0;
	s28 =	ssub.s32 $0x2, s2;
	(pc) =	sbr.rel .LBB2_1-.Ltmp0, $4  }
0x7: {  	s0 =	sadd.s32 $0x1800, s0;
	_ =	strace $0x80000047;
	s30 =	sshrl.u32 s28, $0x1  }
0x8: {  	s5 =	sor.u32 s2, s3;
	[dreg:$0x4] =	wrdreg s29;
	s31 =	ssub.s32 s28, s30  }
0x9: {  	[dreg:$0x5] =	wrdreg s0;
	s3 =	sshll.u32 s5, $0x7;
	s0 =	smax.u32 s31, $0x1  }
0xa: {  	v0 =	vimm.f32 $0.0e+00;
	s2 =	simm.s32 $0x0;
	s8 =	sand.u32 $0x380, s3;
	[dreg:$0x6] =	wrdreg s0  }
.LBB2_17:
0xb: {  	s2 =	rddreg [dreg:$0x7]  }
0xc: {  	s0 =	rddreg [dreg:$0x6];
	s2 =	sadd.s32 $0x1, s2  }
0xd: {  	p0 =	sne.s32 s2, s0  }
.Ltmp1:
0xe: {  	_ = 	snop;
	(pc) =	sbr.rel @!p0 .LBB2_18-.Ltmp1, $1  }
0xf: {  	_ =	sdelay $0x3  }
.LBB2_1:
0x10: {  	[dreg:$0x7] =	wrdreg s2  }
0x11: {  	s0 =	simm.s32 $0x0;
	s29 =	rddreg [dreg:$0x4];
	s3 =	simm.s32 $0x1E000  }
0x12: {  	[tilespmem:s3], [sflag:$0x3] =	stream.linear.gather [hbm4b:s29+s0], $0xD80, $0x38;
	[tilespmem:$0x1F080] =	vst v63  }
0x13: {  	_ =	swait.ge [sflag:s11], $0xD80  }
0x14: {  	[sflag:s11] =	ssyncset.done $0x0  }
0x15: {  	s31 =	simm.s32 $0x1F000;
	s30 =	rddreg [dreg:$0x5];
	[sflag:s11] =	ssyncadd.s32 $0xFFFFF280  }
0x16: {  	[tilespmem:s31], [sflag:$0x3] =	stream.linear.gather [hbm4b:s30+s0], $0x60, $0x38;
	[tilespmem:$0x1F080] =	vst v63  }
0x17: {  	_ =	swait.ge [sflag:s11], $0x60  }
0x18: {  	[sflag:s11] =	ssyncset.done $0x0  }
0x19: {  	[sflag:s11] =	ssyncadd.s32 $0xFFFFFFA0  }
0x1a: {  	v1 =	vld [tilespmem:$0x1F000]  }
.Ltmp2:
0x1b: {  	v2 =	vld [tilespmem:$0x1F010];
	(pc) =	sbr.rel .LBB2_2-.Ltmp2, $4  }
0x1c: {  	v3 =	vld [tilespmem:$0x1F020]  }
0x1d: {  	v4 =	vld [tilespmem:$0x1F030]  }
0x1e: {  	v5 =	vld [tilespmem:$0x1F040]  }
0x1f: {  	s21 =	simm.s32 $0x0;
	v6 =	vld [tilespmem:$0x1F050]  }
.LBB2_16:
0x20: {  	s0 =	sshrl.u32 s22, $0x3  }
0x21: {  	s0 =	smul.u32 $0x48000, s0;
	_ =	sdelay $0x1  }
0x22: {  	s0 =	sor.u32 s8, s0  }
0x23: {  	s3 =	rddreg [dreg:$0x2];
	s2 =	sshrl.u32 s0, $0x3  }
0x24: {  	s4 =	simm.s32 $0x0;
	s31 =	simm.s32 $0x9000;
	s2 =	sadd.s32 s3, s2  }
0x25: {  	[hbm4b:s2+s17] =	stream.strided.scatter [tilespmem:s4], [sflag:$0x3], $0x9000, s18, s17, $0x38;
	[tilespmem:$0x1F080] =	vst v63  }
0x26: {  	s21 =	sadd.s32 $0x1, s21;
	s0 =	sadd.s32 $0x6C0000, s0;
	_ =	swait.ge [sflag:s11], $0x9000  }
0x27: {  	p0 =	sne.s32 s21, $0x6;
	s0 =	sshrl.u32 s0, $0x3;
	[sflag:s11] =	ssyncset.done $0x0  }
.Ltmp3:
0x28: {  	s0 =	sadd.s32 s3, s0;
	[sflag:s11] =	ssyncadd.s32 $0xFFFF7000;
	(pc) =	sbr.rel @!p0 .LBB2_17-.Ltmp3, $4  }
0x29: {  	[hbm4b:s0+s17] =	stream.strided.scatter [tilespmem:s31], [sflag:$0x3], $0x9000, s18, s17, $0x38;
	[tilespmem:$0x1F080] =	vst v63  }
0x2a: {  	_ =	swait.ge [sflag:s11], $0x9000  }
0x2b: {  	[sflag:s11] =	ssyncset.done $0x0  }
0x2c: {  	[sflag:s11] =	ssyncadd.s32 $0xFFFF7000  }
.LBB2_2:
0x2d: {  	s0 =	simm.s32 $0x1E000  }
0x2e: {  	v10 =	vld [tilespmem:s0+$0x0];
	_ =	sdelay $0x3  }
0x2f: {  	s28 =	simm.s32 $0x1E080  }
0x30: {  	v8 =	vld [tilespmem:s28+$0x0];
	(v2sf) =	vpush v10, $0x0;
	_ =	sdelay $0x4  }
0x31: {  	(v2sf) =	vpush v8, $0x0;
	_ =	sdelay $0x4  }
0x32: {  	s29 =	simm.s32 $0x1E100  }
0x33: {  	v7 =	vld [tilespmem:s29+$0x0];
	_ =	sdelay $0x3  }
0x34: {  	s2 =	sshll.u32 s21, $0x5;
	s4 =	spop (v2sf)  }
0x35: {  	s30 =	simm.s32 $0x1E180;
	s22 =	sor.u32 s5, s2;
	(v2sf) =	vpush v7, $0x0;
	s31 =	sadd.s32 $0x60, s4  }
0x36: {  	v9 =	vld [tilespmem:s30+$0x0];
	p0 =	sge.s32 s22, s4;
	p1 =	slt.s32 s22, s31  }
0x37: {  	p0 =	por !p0, !p1  }
0x38: {  	p1 =	por !p0, !p0  }
0x39: {  	s6 =	spop (v2sf);
	(v2sf) =	vpush @p1 v10, $0x1;
	p0 =	por p1, p1  }
0x3a: {  	s7 =	simm.s32 $0x0;
	(v2sf) =	vpush @p0 v10, $0x2  }
0x3b: {  	s3 =	simm.s32 $0x1;
	s12 =	simm.s32 $0x4;
	s9 =	sadd.s32 $0x60, s6;
	(v2sf) =	vpush v9, $0x0  }
0x3c: {  	s14 =	simm.s32 $0x1E200;
	p2 =	sge.s32 s22, s6;
	p3 =	slt.s32 s22, s9  }
0x3d: {  	s10 =	simm.s32 $0x0;
	s2 =	simm.s32 $0x2;
	p2 =	por !p2, !p3  }
0x3e: {  	s0 =	simm.s32 $0x3;
	p2 =	por !p2, !p2;
	s9 =	simm.s32 @p0 $0x0  }
.LBB2_3:
0x3f: {  	p3 =	por p1, p1  }
0x40: {  	p1 =	por p2, p2;
	s15 =	smov.u32 s4;
	s4 =	smov.u32 s6  }
0x41: {  	p4 =	por p0, p0;
	[smem:s9] =	sst @p0 s7;
	s7 =	smov.u32 s3  }
0x42: {  	v10 =	vld [tilespmem:s14+$0x0];
	(v2sf) =	vpush @p2 v8, $0x1;
	s3 =	smov.u32 s2;
	s2 =	smov.u32 s0;
	p0 =	por p2, p2  }
0x43: {  	s0 =	smov.u32 s12;
	(v2sf) =	vpush @p0 v8, $0x2;
	v8 =	vmov v7;
	v7 =	vmov v9  }
0x44: {  	s12 =	sadd.s32 $0x1, s12;
	s14 =	sadd.s32 $0x80, s14;
	s6 =	spop (v2sf)  }
0x45: {  	p5 =	sne.s32 s12, $0x1B;
	s19 =	sadd.s32 $0x60, s6;
	p2 =	sge.s32 s22, s6  }
.Ltmp4:
0x46: {  	p6 =	slt.s32 s22, s19;
	s19 =	simm.s32 $0x1;
	(pc) =	sbr.rel @p5 .LBB2_3-.Ltmp4, $4  }
0x47: {  	s15 =	ssub.s32 @p4 s22, s15;
	(v2sf) =	vpush v10, $0x0;
	p2 =	por !p2, !p6;
	s19 =	simm.s32 @!p4 $0x0;
	v9 =	vmov v10  }
0x48: {  	[smem:s9+$0x1] =	sst @p4 s15;
	s10 =	sadd.s32 s19, s10;
	s15 =	spop @p3 (v2sf)  }
0x49: {  	s19 =	sshll.u32 @p0 s10, $0x4;
	[smem:s9+$0x2] =	sst @p4 s15;
	s15 =	spop @p3 (v2sf)  }
0x4a: {  	p2 =	por !p2, !p2;
	[smem:s9+$0x3] =	sst @p4 s15;
	s9 =	sshra.s32 @p0 s19, $0x2  }
0x4b: {  	_ =	sdelay $0x6  }
0x4c: {  	s14 =	spop (v2sf)  }
0x4d: {  	(v2sf) =	vpush @p2 v8, $0x1;
	p5 =	por p2, p2;
	s12 =	sadd.s32 $0x60, s14  }
0x4e: {  	(v2sf) =	vpush @p5 v8, $0x2;
	p3 =	sge.s32 s22, s14;
	p4 =	slt.s32 s22, s12;
	s15 =	spop @p1 (v2sf)  }
0x4f: {  	p3 =	por !p3, !p4;
	s19 =	spop @p1 (v2sf)  }
0x50: {  	p1 =	por !p3, !p3;
	s12 =	spop (v2sf)  }
0x51: {  	(v2sf) =	vpush @p1 v7, $0x1;
	p4 =	por p1, p1;
	s20 =	sadd.s32 $0x60, s12  }
0x52: {  	(v2sf) =	vpush @p4 v7, $0x2;
	p6 =	sge.s32 s22, s12;
	p3 =	slt.s32 s22, s20  }
0x53: {  	p3 =	por !p6, !p3  }
0x54: {  	[smem:s9] =	sst @p0 s7;
	p6 =	por p0, p0;
	p0 =	por !p3, !p3  }
0x55: {  	s7 =	simm.s32 $0x1;
	(v2sf) =	vpush @p0 v9, $0x1;
	p3 =	por p0, p0  }
0x56: {  	s4 =	ssub.s32 @p6 s22, s4;
	s7 =	simm.s32 @!p6 $0x0;
	(v2sf) =	vpush @p3 v9, $0x2  }
0x57: {  	[smem:s9+$0x1] =	sst @p6 s4;
	s7 =	sadd.s32 s7, s10;
	s4 =	simm.s32 $0x40  }
0x58: {  	s10 =	sshll.u32 @p5 s7, $0x4;
	[smem:s9+$0x2] =	sst @p6 s15;
	[tilespmem:s4+$0x30] =	vst v0  }
0x59: {  	[tilespmem:s4+$0xFFFFFFF0] =	vst v0;
	s15 =	simm.s32 $0x1;
	[smem:s9+$0x3] =	sst @p6 s19;
	s9 =	sshra.s32 @p5 s10, $0x2  }
0x5a: {  	[tilespmem:s4+$0xFFFFFFC0] =	vst v0;
	s10 =	simm.s32 $0x1;
	[smem:s9] =	sst @p5 s3;
	p5 =	por p5, p5  }
0x5b: {  	[tilespmem:s4+$0xFFFFFFE0] =	vst v0;
	s3 =	simm.s32 $0x9040;
	s6 =	ssub.s32 @p5 s22, s6;
	s10 =	simm.s32 @!p5 $0x0  }
0x5c: {  	[tilespmem:s4+$0x10] =	vst v0;
	[smem:s9+$0x1] =	sst @p5 s6;
	s6 =	sadd.s32 s10, s7;
	s7 =	spop @p2 (v2sf)  }
0x5d: {  	[tilespmem:s4+$0x20] =	vst v0;
	s10 =	sshll.u32 @p4 s6, $0x4;
	[smem:s9+$0x2] =	sst @p5 s7;
	s7 =	spop @p2 (v2sf)  }
0x5e: {  	[tilespmem:s4+$0x0] =	vst v0;
	p2 =	por p4, p4;
	[smem:s9+$0x3] =	sst @p5 s7;
	s7 =	sshra.s32 @p4 s10, $0x2  }
0x5f: {  	[tilespmem:s4+$0xFFFFFFD0] =	vst v0;
	s15 =	simm.s32 @!p2 $0x0;
	[smem:s7] =	sst @p4 s2;
	s2 =	ssub.s32 @p2 s22, s14  }
0x60: {  	[tilespmem:s3+$0xFFFFFFC0] =	vst v0;
	s6 =	sadd.s32 s15, s6;
	[smem:s7+$0x1] =	sst @p2 s2;
	s2 =	spop @p1 (v2sf)  }
0x61: {  	[tilespmem:s3+$0x30] =	vst v0;
	s9 =	sshll.u32 @p3 s6, $0x4;
	[smem:s7+$0x2] =	sst @p2 s2;
	s2 =	spop @p1 (v2sf)  }
0x62: {  	[tilespmem:s3+$0x20] =	vst v0;
	s9 =	sshra.s32 @p3 s9, $0x2;
	p1 =	por p3, p3;
	[smem:s7+$0x3] =	sst @p2 s2  }
0x63: {  	[tilespmem:s3+$0x10] =	vst v0;
	[smem:s9] =	sst @p3 s0;
	s0 =	ssub.s32 @p1 s22, s12  }
0x64: {  	[tilespmem:s3+$0xFFFFFFE0] =	vst v0;
	s2 =	simm.s32 $0x1;
	[smem:s9+$0x1] =	sst @p1 s0;
	s0 =	spop @p0 (v2sf)  }
0x65: {  	[tilespmem:s3+$0x0] =	vst v0;
	s2 =	simm.s32 @!p1 $0x0;
	[smem:s9+$0x2] =	sst @p1 s0;
	s0 =	spop @p0 (v2sf)  }
0x66: {  	[tilespmem:s3+$0xFFFFFFF0] =	vst v0;
	s23 =	sadd.s32 s2, s6;
	[smem:s9+$0x3] =	sst @p1 s0;
	s0 =	simm.s32 $0x0  }
.LBB2_5:
0x67: {  	s0 =	sadd.s32 $0x8, s0;
	[tilespmem:s3+$0xFFFFFFD0] =	vst v0;
	s4 =	sadd.s32 $0x80, s4;
	s3 =	sadd.s32 $0x80, s3  }
0x68: {  	[tilespmem:s4+$0x30] =	vst v0;
	p0 =	slt.u32 s0, $0x8F8  }
0x69: {  	[tilespmem:s4+$0xFFFFFFF0] =	vst v0  }
0x6a: {  	[tilespmem:s4+$0xFFFFFFC0] =	vst v0  }
0x6b: {  	[tilespmem:s3+$0xFFFFFFC0] =	vst v0  }
0x6c: {  	[tilespmem:s3+$0x30] =	vst v0  }
0x6d: {  	[tilespmem:s4+$0xFFFFFFE0] =	vst v0  }
0x6e: {  	[tilespmem:s4+$0x10] =	vst v0  }
0x6f: {  	[tilespmem:s4+$0x20] =	vst v0  }
0x70: {  	[tilespmem:s3+$0x20] =	vst v0  }
0x71: {  	[tilespmem:s3+$0x10] =	vst v0  }
.Ltmp5:
0x72: {  	[tilespmem:s3+$0xFFFFFFE0] =	vst v0;
	(pc) =	sbr.rel @p0 .LBB2_5-.Ltmp5, $4  }
0x73: {  	[tilespmem:s4+$0x0] =	vst v0  }
0x74: {  	[tilespmem:s3+$0x0] =	vst v0  }
0x75: {  	[tilespmem:s3+$0xFFFFFFF0] =	vst v0  }
0x76: {  	[tilespmem:s4+$0xFFFFFFD0] =	vst v0  }
0x77: {  	p0 =	slt.s32 s23, $0x1  }
.Ltmp6:
0x78: {  	_ = 	snop;
	(pc) =	sbr.rel @p0 .LBB2_16-.Ltmp6, $2  }
0x79: {  	_ =	sdelay $0x2  }
0x7a: {  	[tilespmem:s3+$0xFFFFFFD0] =	vst v0  }
0x7b: {  	s0 =	sld [smem:$0x0]  }
0x7c: {  	s2 =	sld [smem:$0x1];
	_ =	sdelay $0x1  }
0x7d: {  	s0 =	smul.u32 $0x240000, s0  }
0x7e: {  	s2 =	smul.u32 $0x3000, s2;
	_ =	sdelay $0x1  }
0x7f: {  	s25 =	simm.s32 $0x0;
	s0 =	sadd.s32 s0, s2  }
.Ltmp7:
0x80: {  	s2 =	sshrl.u32 s0, $0x3;
	s0 =	sadd.s32 $0x120000, s0;
	(pc) =	sbr.rel .LBB2_8-.Ltmp7, $4  }
0x81: {  	s3 =	simm.s32 $0x12000;
	s2 =	sadd.s32 s1, s2;
	s0 =	sshrl.u32 s0, $0x3  }
0x82: {  	[tilespmem:s3], [sflag:$0x1] =	stream.linear.gather [hbm4b:s2+s25], $0x3000, $0x38;
	[tilespmem:$0x1F080] =	vst v63  }
0x83: {  	s31 =	simm.s32 $0x15000;
	s0 =	sadd.s32 s1, s0  }
0x84: {  	[tilespmem:s31], [sflag:$0x1] =	stream.linear.gather [hbm4b:s0+s25], $0x3000, $0x38;
	[tilespmem:$0x1F080] =	vst v63  }
.LBB2_15:
0x85: {  	p0 =	slt.s32 s24, s23  }
.Ltmp8:
0x86: {  	_ = 	snop;
	(pc) =	sbr.rel @!p0 .LBB2_16-.Ltmp8, $2  }
0x87: {  	_ =	sdelay $0x2  }
0x88: {  	s25 =	smov.u32 s24  }
.LBB2_8:
0x89: {  	s26 =	sand.u32 $0x1, s25  }
0x8a: {  	p0 =	seq.s32 s26, $0x1  }
.Ltmp9:
0x8b: {  	_ = 	snop;
	(pc) =	sbr.rel @p0 .LBB2_12-.Ltmp9, $1  }
0x8c: {  	_ =	sdelay $0x3  }
0x8d: {  	s24 =	sor.u32 $0x1, s25  }
0x8e: {  	p0 =	sge.s32 s24, s23  }
0x8f: {  	s0 =	sshll.u32 @!p0 s24, $0x4  }
0x90: {  	s0 =	sshra.s32 @!p0 s0, $0x2  }
0x91: {  	s2 =	sld @!p0 [smem:s0+$0x0];
	s0 =	sor.u32 @!p0 $0x1, s0  }
0x92: {  	s0 =	sld @!p0 [smem:s0+$0x0];
	_ =	sdelay $0x1  }
0x93: {  	s2 =	smul.u32 @!p0 $0x240000, s2  }
0x94: {  	s0 =	smul.u32 @!p0 $0x3000, s0;
	_ =	sdelay $0x1  }
0x95: {  	s0 =	sadd.s32 @!p0 s2, s0  }
0x96: {  	s3 =	simm.s32 @!p0 $0x0;
	s2 =	sshrl.u32 @!p0 s0, $0x3;
	s0 =	sadd.s32 @!p0 $0x120000, s0  }
0x97: {  	s4 =	simm.s32 @!p0 $0x18000;
	s2 =	sadd.s32 @!p0 s1, s2;
	s0 =	sshrl.u32 @!p0 s0, $0x3  }
0x98: {  	[tilespmem:s4], [sflag:$0x2] =	stream.linear.gather @!p0 [hbm4b:s2+s3], $0x3000, $0x38;
	[tilespmem:$0x1F080] =	vst v63  }
0x99: {  	s0 =	sadd.s32 @!p0 s1, s0;
	s2 =	simm.s32 @!p0 $0x1B000  }
0x9a: {  	[tilespmem:s2], [sflag:$0x2] =	stream.linear.gather @!p0 [hbm4b:s0+s3], $0x3000, $0x38;
	[tilespmem:$0x1F080] =	vst v63  }
0x9b: {  	_ =	swait.ge [sflag:s13], $0x3000  }
0x9c: {  	[sflag:s13] =	ssyncset.done $0x0  }
0x9d: {  	[sflag:s13] =	ssyncadd.s32 $0xFFFFD000  }
0x9e: {  	s2 =	sshll.u32 s25, $0x4;
	_ =	swait.ge [sflag:s13], $0x3000  }
0x9f: {  	s0 =	sshra.s32 s2, $0x2;
	[sflag:s13] =	ssyncset.done $0x0  }
0xa0: {  	s3 =	sor.u32 $0x1, s0;
	[sflag:s13] =	ssyncadd.s32 $0xFFFFD000  }
0xa1: {  	s2 =	sld [smem:s3+$0x0];
	_ =	sdelay $0x2  }
0xa2: {  	s4 =	simm.s32 $0x1F002;
	v7 =	vld [tilespmem:s2+$0x1F000]  }
0xa3: {  	v8 =	vld [tilespmem:s4+$0x1];
	_ =	sdelay $0x3  }
0xa4: {  	(v2sf) =	vpush v7, $0x0  }
0xa5: {  	(v2sf) =	vpush v8, $0x0;
	_ =	sdelay $0x4  }
0xa6: {  	v7 =	vld [tilespmem:s4+$0xFFFFFFFF]  }
0xa7: {  	v8 =	vld [tilespmem:s4+$0x0]  }
0xa8: {  	v9 =	vld [tilespmem:s4+$0xFFFFFFFE];
	_ =	sdelay $0x2  }
0xa9: {  	(v2sf) =	vpush v7, $0x0  }
0xaa: {  	(v2sf) =	vpush v8, $0x0  }
0xab: {  	(v2sf) =	vpush v9, $0x0;
	_ =	sdelay $0x1  }
0xac: {  	s7 =	simm.s32 $0x151D0;
	s6 =	sor.u32 $0x2, s0;
	s29 =	spop (v2sf)  }
0xad: {  	s0 =	sor.u32 $0x3, s0;
	s9 =	sld [smem:s6+$0x0];
	v7 =	vld [tilespmem:s7+$0xFFFFCFB0];
	s10 =	spop (v2sf)  }
0xae: {  	s0 =	sld [smem:s0+$0x0];
	s2 =	smul.f32 s10, s29  }
0xaf: {  	_ = 	snop  }
0xb0: {  	s3 =	smul.u32 $0x300, s9;
	v8 =	vmul.f32 s2, v1  }
0xb1: {  	s12 =	sshll.u32 s0, $0x2  }
0xb2: {  	s30 =	sshra.s32 s12, $0x2;
	s0 =	sshra.s32 s3, $0x2;
	v7 =	vmul.f32 v8, v7  }
0xb3: {  	s9 =	sadd.s32 s30, s0  }
0xb4: {  	[tilespmem:s9+$0x240] =	vst.add.f32.msk $0xffff, v7  }
0xb5: {  	v7 =	vld [tilespmem:s7+$0xFFFFFFB0];
	_ =	sdelay $0x1  }
0xb6: {  	s14 =	spop (v2sf)  }
0xb7: {  	s19 =	spop (v2sf)  }
0xb8: {  	v9 =	vld [tilespmem:s7+$0xFFFFCE30];
	s10 =	spop (v2sf)  }
0xb9: {  	s6 =	sadd.s32 $0x9000, s0;
	s15 =	smul.f32 s10, s29;
	v7 =	vmul.f32 v8, v7  }
0xba: {  	s28 =	sadd.s32 s30, s6;
	v8 =	vld [tilespmem:s7+$0xFFFFCEB0]  }
0xbb: {  	s20 =	smul.f32 s14, s29;
	v10 =	vmul.f32 s15, v1;
	[tilespmem:s28+$0x240] =	vst.add.f32.msk $0xffff, v7  }
0xbc: {  	v7 =	vld [tilespmem:s7+$0xFFFFCFC0]  }
0xbd: {  	v11 =	vmul.f32 s20, v1;
	v9 =	vmul.f32 v10, v9  }
0xbe: {  	v12 =	vld [tilespmem:s7+$0xFFFFCF30]  }
0xbf: {  	s14 =	smul.f32 s19, s29;
	[tilespmem:s9+$0x0] =	vst.add.f32.msk $0xffff, v9;
	v9 =	vmul.f32 s2, v2;
	v8 =	vmul.f32 v11, v8  }
0xc0: {  	v13 =	vld [tilespmem:s7+$0xFFFFFE30]  }
0xc1: {  	v14 =	vmul.f32 s14, v1;
	[tilespmem:s9+$0xC0] =	vst.add.f32.msk $0xffff, v8;
	v7 =	vmul.f32 v9, v7  }
0xc2: {  	v8 =	vld [tilespmem:s7+$0xFFFFFEB0]  }
0xc3: {  	v12 =	vmul.f32 v14, v12;
	[tilespmem:s9+$0x250] =	vst.add.f32.msk $0xffff, v7  }
0xc4: {  	v7 =	vld [tilespmem:s7+$0xFFFFFFC0]  }
0xc5: {  	[tilespmem:s9+$0x180] =	vst.add.f32.msk $0xffff, v12;
	v10 =	vmul.f32 v10, v13  }
0xc6: {  	v12 =	vld [tilespmem:s7+$0xFFFFFF30]  }
0xc7: {  	[tilespmem:s28+$0x0] =	vst.add.f32.msk $0xffff, v10;
	v8 =	vmul.f32 v11, v8  }
0xc8: {  	v10 =	vld [tilespmem:s7+$0xFFFFCE40]  }
0xc9: {  	[tilespmem:s28+$0xC0] =	vst.add.f32.msk $0xffff, v8;
	v7 =	vmul.f32 v7, v9  }
0xca: {  	v8 =	vld [tilespmem:s7+$0xFFFFCEC0]  }
0xcb: {  	v11 =	vmul.f32 v14, v12;
	v9 =	vmul.f32 s15, v2;
	[tilespmem:s28+$0x250] =	vst.add.f32.msk $0xffff, v7  }
0xcc: {  	v7 =	vld [tilespmem:s7+$0xFFFFCFD0]  }
0xcd: {  	v12 =	vmul.f32 s20, v2;
	[tilespmem:s28+$0x180] =	vst.add.f32.msk $0xffff, v11;
	v10 =	vmul.f32 v9, v10  }
0xce: {  	v11 =	vld [tilespmem:s7+$0xFFFFCF40]  }
0xcf: {  	[tilespmem:s9+$0x10] =	vst.add.f32.msk $0xffff, v10;
	v10 =	vmul.f32 s2, v3;
	v8 =	vmul.f32 v12, v8  }
0xd0: {  	v13 =	vld [tilespmem:s7+$0xFFFFFE40]  }
0xd1: {  	v14 =	vmul.f32 s14, v2;
	[tilespmem:s9+$0xD0] =	vst.add.f32.msk $0xffff, v8;
	v7 =	vmul.f32 v7, v10  }
0xd2: {  	v8 =	vld [tilespmem:s7+$0xFFFFFEC0]  }
0xd3: {  	v11 =	vmul.f32 v14, v11;
	[tilespmem:s9+$0x260] =	vst.add.f32.msk $0xffff, v7  }
0xd4: {  	v7 =	vld [tilespmem:s7+$0xFFFFFFD0]  }
0xd5: {  	[tilespmem:s9+$0x190] =	vst.add.f32.msk $0xffff, v11;
	v9 =	vmul.f32 v13, v9  }
0xd6: {  	v11 =	vld [tilespmem:s7+$0xFFFFFF40]  }
0xd7: {  	[tilespmem:s28+$0x10] =	vst.add.f32.msk $0xffff, v9;
	v8 =	vmul.f32 v8, v12  }
0xd8: {  	v9 =	vld [tilespmem:s7+$0xFFFFCE50]  }
0xd9: {  	[tilespmem:s28+$0xD0] =	vst.add.f32.msk $0xffff, v8;
	v7 =	vmul.f32 v7, v10  }
0xda: {  	v8 =	vld [tilespmem:s7+$0xFFFFCED0]  }
0xdb: {  	v11 =	vmul.f32 v11, v14;
	v10 =	vmul.f32 s15, v3;
	[tilespmem:s28+$0x260] =	vst.add.f32.msk $0xffff, v7  }
0xdc: {  	v7 =	vld [tilespmem:s7+$0xFFFFCFE0]  }
0xdd: {  	v12 =	vmul.f32 s20, v3;
	[tilespmem:s28+$0x190] =	vst.add.f32.msk $0xffff, v11;
	v9 =	vmul.f32 v9, v10  }
0xde: {  	v11 =	vld [tilespmem:s7+$0xFFFFCF50]  }
0xdf: {  	[tilespmem:s9+$0x20] =	vst.add.f32.msk $0xffff, v9;
	v9 =	vmul.f32 s2, v4;
	v8 =	vmul.f32 v8, v12  }
0xe0: {  	v13 =	vld [tilespmem:s7+$0xFFFFFE50]  }
0xe1: {  	v14 =	vmul.f32 s14, v3;
	[tilespmem:s9+$0xE0] =	vst.add.f32.msk $0xffff, v8;
	v7 =	vmul.f32 v7, v9  }
0xe2: {  	v8 =	vld [tilespmem:s7+$0xFFFFFED0]  }
0xe3: {  	v11 =	vmul.f32 v11, v14;
	[tilespmem:s9+$0x270] =	vst.add.f32.msk $0xffff, v7  }
0xe4: {  	v7 =	vld [tilespmem:s7+$0xFFFFFFE0]  }
0xe5: {  	[tilespmem:s9+$0x1A0] =	vst.add.f32.msk $0xffff, v11;
	v10 =	vmul.f32 v13, v10  }
0xe6: {  	v11 =	vld [tilespmem:s7+$0xFFFFFF50]  }
0xe7: {  	[tilespmem:s28+$0x20] =	vst.add.f32.msk $0xffff, v10;
	v8 =	vmul.f32 v8, v12  }
0xe8: {  	v10 =	vld [tilespmem:s7+$0xFFFFCE60]  }
0xe9: {  	[tilespmem:s28+$0xE0] =	vst.add.f32.msk $0xffff, v8;
	v7 =	vmul.f32 v7, v9  }
0xea: {  	v8 =	vld [tilespmem:s7+$0xFFFFCEE0]  }
0xeb: {  	[tilespmem:s28+$0x270] =	vst.add.f32.msk $0xffff, v7  }
0xec: {  	v9 =	vmul.f32 v11, v14;
	v7 =	vmul.f32 s15, v4;
	v11 =	vld [tilespmem:s7+$0xFFFFCFF0];
	_ =	sdelay $0x1  }
0xed: {  	v12 =	vmul.f32 s20, v4;
	[tilespmem:s28+$0x1A0] =	vst.add.f32.msk $0xffff, v9;
	v9 =	vmul.f32 v10, v7  }
0xee: {  	v13 =	vmul.f32 s2, v5;
	v10 =	vld [tilespmem:s7+$0xFFFFCF60]  }
0xef: {  	v8 =	vmul.f32 v8, v12;
	[tilespmem:s9+$0x30] =	vst.add.f32.msk $0xffff, v9  }
0xf0: {  	v9 =	vld [tilespmem:s7+$0xFFFFFE60];
	v11 =	vmul.f32 v11, v13  }
0xf1: {  	v14 =	vmul.f32 s14, v4;
	[tilespmem:s9+$0xF0] =	vst.add.f32.msk $0xffff, v8  }
0xf2: {  	[tilespmem:s9+$0x280] =	vst.add.f32.msk $0xffff, v11  }
0xf3: {  	v8 =	vmul.f32 v10, v14;
	v11 =	vld [tilespmem:s7+$0xFFFFFEE0]  }
0xf4: {  	v10 =	vld [tilespmem:s7+$0xFFFFFFF0]  }
0xf5: {  	[tilespmem:s9+$0x1B0] =	vst.add.f32.msk $0xffff, v8;
	v7 =	vmul.f32 v9, v7  }
0xf6: {  	v8 =	vld [tilespmem:s7+$0xFFFFFF60]  }
0xf7: {  	[tilespmem:s28+$0x30] =	vst.add.f32.msk $0xffff, v7  }
0xf8: {  	s12 =	simm.s32 $0x1F006;
	v7 =	vld [tilespmem:s7+$0xFFFFCE70]  }
0xf9: {  	v11 =	vmul.f32 v11, v12;
	v12 =	vld [tilespmem:s12+$0x0]  }
0xfa: {  	v9 =	vmul.f32 v10, v13;
	v10 =	vld [tilespmem:s12+$0x1]  }
0xfb: {  	v13 =	vld [tilespmem:s12+$0xFFFFFFFF]  }
0xfc: {  	v8 =	vmul.f32 v8, v14;
	v14 =	vld [tilespmem:s12+$0xFFFFFFFE]  }
0xfd: {  	[tilespmem:s28+$0x280] =	vst.add.f32.msk $0xffff, v9  }
0xfe: {  	v9 =	vld [tilespmem:s7+$0xFFFFD000]  }
0xff: {  	[tilespmem:s28+$0x1B0] =	vst.add.f32.msk $0xffff, v8;
	v8 =	vmul.f32 s15, v5;
	(v2sf) =	vpush v10, $0x0  }
0x100: {  	(v2sf) =	vpush v13, $0x0;
	v13 =	vld [tilespmem:s7+$0xFFFFCF70]  }
0x101: {  	[tilespmem:s28+$0xF0] =	vst.add.f32.msk $0xffff, v11;
	v11 =	vmul.f32 s2, v6;
	v7 =	vmul.f32 v7, v8;
	(v2sf) =	vpush v12, $0x0  }
0x102: {  	v10 =	vld [tilespmem:s7+$0xFFFFCEF0];
	(v2sf) =	vpush v14, $0x0  }
0x103: {  	[tilespmem:s9+$0x40] =	vst.add.f32.msk $0xffff, v7;
	v9 =	vmul.f32 v9, v11;
	v14 =	vmul.f32 s14, v5  }
0x104: {  	v7 =	vld [tilespmem:s7+$0xFFFFFE70]  }
0x105: {  	[tilespmem:s9+$0x290] =	vst.add.f32.msk $0xffff, v9;
	v9 =	vmul.f32 s20, v5;
	v13 =	vmul.f32 v13, v14  }
0x106: {  	v12 =	vld [tilespmem:s7+$0x0]  }
0x107: {  	s31 =	simm.s32 $0x153D0;
	v10 =	vmul.f32 v10, v9;
	[tilespmem:s9+$0x1C0] =	vst.add.f32.msk $0xffff, v13  }
0x108: {  	v13 =	vld [tilespmem:s31+$0xFFFFCF30]  }
0x109: {  	[tilespmem:s9+$0x100] =	vst.add.f32.msk $0xffff, v10  }
0x10a: {  	v7 =	vmul.f32 v7, v8;
	v8 =	vld [tilespmem:s7+$0xFFFFFF70]  }
0x10b: {  	v10 =	vmul.f32 v12, v11;
	v11 =	vld [tilespmem:s7+$0xFFFFFEF0]  }
0x10c: {  	[tilespmem:s28+$0x40] =	vst.add.f32.msk $0xffff, v7  }
0x10d: {  	[tilespmem:s28+$0x290] =	vst.add.f32.msk $0xffff, v10  }
0x10e: {  	v10 =	vld [tilespmem:s31+$0xFFFFCFB0];
	s19 =	spop (v2sf)  }
0x10f: {  	v7 =	vld [tilespmem:s7+$0xFFFFCE80];
	s10 =	smul.f32 s19, s29;
	s3 =	spop (v2sf)  }
0x110: {  	v8 =	vmul.f32 v8, v14;
	v9 =	vmul.f32 v11, v9;
	v11 =	vld [tilespmem:s31+$0xFFFFCEB0];
	s4 =	spop (v2sf);
	s19 =	smul.f32 s3, s29  }
0x111: {  	v12 =	vld [tilespmem:s31+$0xFFFFCE30];
	v14 =	vmul.f32 s10, v1;
	s12 =	spop (v2sf);
	s4 =	smul.f32 s4, s29  }
0x112: {  	[tilespmem:s28+$0x1C0] =	vst.add.f32.msk $0xffff, v8;
	s3 =	smul.f32 s12, s29  }
0x113: {  	s2 =	sadd.s32 $0x300, s0;
	[tilespmem:s28+$0x100] =	vst.add.f32.msk $0xffff, v9;
	v9 =	vmul.f32 s19, v1;
	v10 =	vmul.f32 v14, v10  }
0x114: {  	s0 =	sadd.s32 s30, s2;
	v15 =	vld [tilespmem:s7+$0xFFFFCF00];
	v16 =	vmul.f32 s4, v1;
	v8 =	vmul.f32 s3, v1  }
0x115: {  	v11 =	vmul.f32 v9, v11;
	[tilespmem:s0+$0x240] =	vst.add.f32.msk $0xffff, v10  }
0x116: {  	v13 =	vmul.f32 v16, v13;
	v10 =	vmul.f32 v8, v12;
	v12 =	vld [tilespmem:s31+$0xFFFFFFB0]  }
0x117: {  	[tilespmem:s0+$0xC0] =	vst.add.f32.msk $0xffff, v11  }
0x118: {  	[tilespmem:s0+$0x180] =	vst.add.f32.msk $0xffff, v13  }
0x119: {  	[tilespmem:s0+$0x0] =	vst.add.f32.msk $0xffff, v10  }
0x11a: {  	v10 =	vld [tilespmem:s31+$0xFFFFFE30]  }
0x11b: {  	s12 =	sadd.s32 $0x300, s6;
	v11 =	vld [tilespmem:s31+$0xFFFFFEB0];
	v13 =	vmul.f32 s15, v6;
	v12 =	vmul.f32 v14, v12  }
0x11c: {  	s6 =	sadd.s32 s30, s12;
	v14 =	vld [tilespmem:s31+$0xFFFFFF30]  }
0x11d: {  	v7 =	vmul.f32 v7, v13;
	[tilespmem:s6+$0x240] =	vst.add.f32.msk $0xffff, v12  }
0x11e: {  	v12 =	vld [tilespmem:s31+$0xFFFFCFC0]  }
0x11f: {  	[tilespmem:s9+$0x50] =	vst.add.f32.msk $0xffff, v7;
	v8 =	vmul.f32 v8, v10  }
0x120: {  	v9 =	vmul.f32 v9, v11;
	v10 =	vld [tilespmem:s7+$0xFFFFCF80]  }
0x121: {  	[tilespmem:s6+$0x0] =	vst.add.f32.msk $0xffff, v8;
	v7 =	vmul.f32 v16, v14;
	v8 =	vmul.f32 s10, v2  }
0x122: {  	[tilespmem:s6+$0xC0] =	vst.add.f32.msk $0xffff, v9  }
0x123: {  	[tilespmem:s6+$0x180] =	vst.add.f32.msk $0xffff, v7;
	v7 =	vmul.f32 v8, v12  }
0x124: {  	v9 =	vld [tilespmem:s31+$0xFFFFCE40]  }
0x125: {  	v14 =	vmul.f32 s20, v6;
	[tilespmem:s0+$0x250] =	vst.add.f32.msk $0xffff, v7  }
0x126: {  	v17 =	vmul.f32 s14, v6;
	v7 =	vld [tilespmem:s31+$0xFFFFFFC0]  }
0x127: {  	v11 =	vmul.f32 s3, v2;
	v12 =	vmul.f32 v15, v14;
	v15 =	vld [tilespmem:s31+$0xFFFFCEC0]  }
0x128: {  	v10 =	vmul.f32 v10, v17;
	v16 =	vld [tilespmem:s31+$0xFFFFCF40]  }
0x129: {  	[tilespmem:s9+$0x110] =	vst.add.f32.msk $0xffff, v12;
	v9 =	vmul.f32 v11, v9  }
0x12a: {  	[tilespmem:s9+$0x1D0] =	vst.add.f32.msk $0xffff, v10  }
0x12b: {  	v10 =	vmul.f32 s19, v2;
	[tilespmem:s0+$0x10] =	vst.add.f32.msk $0xffff, v9;
	v7 =	vmul.f32 v7, v8  }
0x12c: {  	v9 =	vld [tilespmem:s31+$0xFFFFFE40];
	v8 =	vmul.f32 s4, v2  }
0x12d: {  	v12 =	vmul.f32 v10, v15;
	[tilespmem:s6+$0x250] =	vst.add.f32.msk $0xffff, v7  }
0x12e: {  	v7 =	vmul.f32 v8, v16;
	v15 =	vld [tilespmem:s31+$0xFFFFCFD0]  }
0x12f: {  	[tilespmem:s0+$0xD0] =	vst.add.f32.msk $0xffff, v12  }
0x130: {  	[tilespmem:s0+$0x190] =	vst.add.f32.msk $0xffff, v7  }
0x131: {  	v7 =	vmul.f32 v9, v11;
	v9 =	vld [tilespmem:s31+$0xFFFFFEC0];
	v11 =	vmul.f32 s10, v3  }
0x132: {  	v12 =	vld [tilespmem:s31+$0xFFFFFF40]  }
0x133: {  	[tilespmem:s6+$0x10] =	vst.add.f32.msk $0xffff, v7;
	v7 =	vmul.f32 v15, v11  }
0x134: {  	v15 =	vld [tilespmem:s31+$0xFFFFCE50]  }
0x135: {  	[tilespmem:s0+$0x260] =	vst.add.f32.msk $0xffff, v7  }
0x136: {  	v7 =	vmul.f32 v9, v10;
	v9 =	vld [tilespmem:s31+$0xFFFFFFD0]  }
0x137: {  	v18 =	vld [tilespmem:s7+$0xFFFFFF00];
	v8 =	vmul.f32 v12, v8  }
0x138: {  	v12 =	vmul.f32 s3, v3;
	[tilespmem:s6+$0xD0] =	vst.add.f32.msk $0xffff, v7  }
0x139: {  	[tilespmem:s6+$0x190] =	vst.add.f32.msk $0xffff, v8  }
0x13a: {  	v7 =	vmul.f32 v15, v12;
	v8 =	vld [tilespmem:s31+$0xFFFFCED0]  }
0x13b: {  	v15 =	vld [tilespmem:s31+$0xFFFFCF50];
	v9 =	vmul.f32 v9, v11  }
0x13c: {  	[tilespmem:s0+$0x20] =	vst.add.f32.msk $0xffff, v7  }
0x13d: {  	v7 =	vmul.f32 s19, v3;
	[tilespmem:s6+$0x260] =	vst.add.f32.msk $0xffff, v9  }
0x13e: {  	v9 =	vmul.f32 s4, v3;
	v11 =	vld [tilespmem:s31+$0xFFFFCFE0]  }
0x13f: {  	v10 =	vld [tilespmem:s7+$0xFFFFFE80];
	v8 =	vmul.f32 v8, v7  }
0x140: {  	v16 =	vld [tilespmem:s31+$0xFFFFFE50];
	v15 =	vmul.f32 v15, v9  }
0x141: {  	[tilespmem:s0+$0xE0] =	vst.add.f32.msk $0xffff, v8;
	v8 =	vmul.f32 s10, v4  }
0x142: {  	[tilespmem:s0+$0x1A0] =	vst.add.f32.msk $0xffff, v15  }
0x143: {  	v15 =	vld [tilespmem:s31+$0xFFFFFED0];
	v11 =	vmul.f32 v11, v8  }
0x144: {  	v19 =	vld [tilespmem:s31+$0xFFFFFF50]  }
0x145: {  	v10 =	vmul.f32 v10, v13;
	[tilespmem:s0+$0x270] =	vst.add.f32.msk $0xffff, v11  }
0x146: {  	v12 =	vmul.f32 v16, v12;
	v11 =	vld [tilespmem:s31+$0xFFFFFFE0]  }
0x147: {  	[tilespmem:s28+$0x50] =	vst.add.f32.msk $0xffff, v10  }
0x148: {  	[tilespmem:s6+$0x20] =	vst.add.f32.msk $0xffff, v12;
	v7 =	vmul.f32 v15, v7  }
0x149: {  	v12 =	vld [tilespmem:s31+$0xFFFFCE60];
	v9 =	vmul.f32 v19, v9  }
0x14a: {  	[tilespmem:s6+$0xE0] =	vst.add.f32.msk $0xffff, v7  }
0x14b: {  	[tilespmem:s6+$0x1A0] =	vst.add.f32.msk $0xffff, v9;
	v7 =	vmul.f32 v11, v8  }
0x14c: {  	v9 =	vld [tilespmem:s31+$0xFFFFCEE0]  }
0x14d: {  	v8 =	vmul.f32 s3, v4;
	[tilespmem:s6+$0x270] =	vst.add.f32.msk $0xffff, v7  }
0x14e: {  	v11 =	vld [tilespmem:s31+$0xFFFFCFF0]  }
0x14f: {  	v16 =	vmul.f32 s19, v4;
	v19 =	vld [tilespmem:s7+$0xFFFFFF80];
	v7 =	vmul.f32 v12, v8  }
0x150: {  	v12 =	vld [tilespmem:s31+$0xFFFFCF60]  }
0x151: {  	v20 =	vmul.f32 s10, v5;
	v9 =	vmul.f32 v9, v16;
	[tilespmem:s0+$0x30] =	vst.add.f32.msk $0xffff, v7  }
0x152: {  	v7 =	vld [tilespmem:s31+$0xFFFFFE60]  }
0x153: {  	v13 =	vmul.f32 s4, v4;
	[tilespmem:s0+$0xF0] =	vst.add.f32.msk $0xffff, v9;
	v9 =	vmul.f32 v11, v20  }
0x154: {  	v21 =	vld [tilespmem:s31+$0xFFFFFEE0]  }
0x155: {  	v10 =	vmul.f32 v12, v13;
	[tilespmem:s0+$0x280] =	vst.add.f32.msk $0xffff, v9  }
0x156: {  	v17 =	vmul.f32 v19, v17;
	v22 =	vld [tilespmem:s31+$0xFFFFFFF0]  }
0x157: {  	v12 =	vmul.f32 s3, v5;
	[tilespmem:s0+$0x1B0] =	vst.add.f32.msk $0xffff, v10;
	v9 =	vmul.f32 v7, v8  }
0x158: {  	v11 =	vmul.f32 s19, v5;
	v10 =	vmul.f32 s4, v5;
	v15 =	vld [tilespmem:s31+$0xFFFFFF60]  }
0x159: {  	v7 =	vmul.f32 s3, v6;
	v21 =	vmul.f32 v21, v16;
	[tilespmem:s6+$0x30] =	vst.add.f32.msk $0xffff, v9  }
0x15a: {  	v8 =	vmul.f32 s19, v6;
	v16 =	vmul.f32 v18, v14;
	v14 =	vld [tilespmem:s31+$0xFFFFCE70]  }
0x15b: {  	s20 =	simm.s32 $0x1F00A;
	s9 =	simm.s32 $0x4;
	s7 =	simm.s32 $0x153D0;
	v9 =	vmul.f32 s4, v6;
	[tilespmem:s6+$0xF0] =	vst.add.f32.msk $0xffff, v21;
	v18 =	vmul.f32 v22, v20  }
.LBB2_10:
0x15c: {  	v19 =	vld [tilespmem:s20+$0x1]  }
0x15d: {  	v13 =	vmul.f32 v15, v13;
	[tilespmem:s6+$0x280] =	vst.add.f32.msk $0xffff, v18  }
0x15e: {  	s9 =	sadd.s32 $0x4, s9;
	v15 =	vld [tilespmem:s31+$0xFFFFD000]  }
0x15f: {  	p0 =	slt.u32 s9, $0x5C;
	v18 =	vld [tilespmem:s20+$0xFFFFFFFF];
	v14 =	vmul.f32 v14, v12  }
0x160: {  	v20 =	vld [tilespmem:s20+$0x0]  }
0x161: {  	v22 =	vmul.f32 s10, v6;
	v21 =	vld [tilespmem:s20+$0xFFFFFFFE]  }
0x162: {  	[tilespmem:s6+$0x1B0] =	vst.add.f32.msk $0xffff, v13  }
0x163: {  	(v2sf) =	vpush v19, $0x0;
	v13 =	vld [tilespmem:s31+$0xFFFFCEF0];
	v15 =	vmul.f32 v15, v22  }
0x164: {  	(v2sf) =	vpush v18, $0x0;
	v18 =	vld [tilespmem:s31+$0xFFFFCF70]  }
0x165: {  	(v2sf) =	vpush v20, $0x0;
	[tilespmem:s0+$0x290] =	vst.add.f32.msk $0xffff, v15  }
0x166: {  	(v2sf) =	vpush v21, $0x0;
	v15 =	vld [tilespmem:s31+$0x0]  }
0x167: {  	[tilespmem:s0+$0x40] =	vst.add.f32.msk $0xffff, v14  }
0x168: {  	v14 =	vld [tilespmem:s31+$0xFFFFFE70];
	v13 =	vmul.f32 v13, v11  }
0x169: {  	v18 =	vmul.f32 v18, v10;
	[tilespmem:s28+$0x110] =	vst.add.f32.msk $0xffff, v16  }
0x16a: {  	[tilespmem:s0+$0x100] =	vst.add.f32.msk $0xffff, v13  }
0x16b: {  	[tilespmem:s0+$0x1C0] =	vst.add.f32.msk $0xffff, v18;
	v13 =	vmul.f32 v15, v22  }
0x16c: {  	v15 =	vld [tilespmem:s31+$0xFFFFFEF0]  }
0x16d: {  	v12 =	vmul.f32 v14, v12;
	[tilespmem:s6+$0x290] =	vst.add.f32.msk $0xffff, v13  }
0x16e: {  	v13 =	vld [tilespmem:s31+$0xFFFFFF70]  }
0x16f: {  	[tilespmem:s6+$0x40] =	vst.add.f32.msk $0xffff, v12  }
0x170: {  	v12 =	vld [tilespmem:s31+$0xFFFFCE80]  }
0x171: {  	s31 =	sadd.s32 $0x200, s31;
	v11 =	vmul.f32 v15, v11;
	[tilespmem:s28+$0x1D0] =	vst.add.f32.msk $0xffff, v17;
	s28 =	smov.u32 s6  }
0x172: {  	v14 =	vld [tilespmem:s31+$0xFFFFCFB0];
	s3 =	spop (v2sf)  }
0x173: {  	v15 =	vld [tilespmem:s31+$0xFFFFCE30];
	s10 =	smul.f32 s3, s29;
	s3 =	spop (v2sf);
	v10 =	vmul.f32 v13, v10  }
0x174: {  	s4 =	smul.f32 s3, s29;
	v13 =	vld [tilespmem:s31+$0xFFFFCEB0];
	s3 =	spop (v2sf)  }
0x175: {  	s14 =	smul.f32 s3, s29;
	v16 =	vld [tilespmem:s31+$0xFFFFCF30];
	v19 =	vmul.f32 s10, v1;
	s3 =	spop (v2sf);
	v20 =	vmul.f32 v12, v7  }
0x176: {  	s15 =	smul.f32 s3, s29;
	v21 =	vmul.f32 s4, v1;
	v22 =	vmul.f32 s4, v2;
	[tilespmem:s28+$0x100] =	vst.add.f32.msk $0xffff, v11  }
0x177: {  	s2 =	sadd.s32 $0x300, s2;
	v23 =	vmul.f32 s14, v1;
	v11 =	vmul.f32 v19, v14;
	[tilespmem:s28+$0x1C0] =	vst.add.f32.msk $0xffff, v10  }
0x178: {  	s3 =	sadd.s32 s30, s2;
	v24 =	vmul.f32 s15, v1;
	v25 =	vmul.f32 s15, v2;
	v26 =	vld [tilespmem:s7+$0xFFFFCF00]  }
0x179: {  	v27 =	vmul.f32 s14, v2;
	v10 =	vmul.f32 v21, v13;
	[tilespmem:s3+$0x240] =	vst.add.f32.msk $0xffff, v11  }
0x17a: {  	v11 =	vmul.f32 v24, v15;
	v12 =	vmul.f32 v23, v16;
	v28 =	vld [tilespmem:s31+$0xFFFFFFB0]  }
0x17b: {  	v17 =	vmul.f32 s4, v3;
	v16 =	vmul.f32 s15, v3;
	[tilespmem:s3+$0xC0] =	vst.add.f32.msk $0xffff, v10  }
0x17c: {  	v18 =	vmul.f32 s14, v3;
	v15 =	vmul.f32 s15, v4;
	[tilespmem:s3+$0x0] =	vst.add.f32.msk $0xffff, v11  }
0x17d: {  	v14 =	vmul.f32 s4, v4;
	v13 =	vmul.f32 s14, v4;
	[tilespmem:s3+$0x180] =	vst.add.f32.msk $0xffff, v12  }
0x17e: {  	v11 =	vmul.f32 s4, v5;
	v12 =	vmul.f32 s15, v5;
	v29 =	vld [tilespmem:s31+$0xFFFFFE30]  }
0x17f: {  	s12 =	sadd.s32 $0x300, s12;
	v10 =	vmul.f32 s14, v5;
	v30 =	vld [tilespmem:s31+$0xFFFFFEB0];
	v28 =	vmul.f32 v19, v28  }
0x180: {  	s6 =	sadd.s32 s30, s12;
	v32 =	vmul.f32 s4, v6;
	v31 =	vmul.f32 s15, v6;
	v33 =	vld [tilespmem:s31+$0xFFFFFF30]  }
0x181: {  	v26 =	vmul.f32 v26, v8;
	v19 =	vmul.f32 s14, v6;
	[tilespmem:s6+$0x240] =	vst.add.f32.msk $0xffff, v28  }
0x182: {  	v28 =	vld [tilespmem:s31+$0xFFFFCFC0]  }
0x183: {  	v24 =	vmul.f32 v24, v29;
	v29 =	vld [tilespmem:s7+$0xFFFFCF80]  }
0x184: {  	v21 =	vmul.f32 v21, v30;
	[tilespmem:s0+$0x50] =	vst.add.f32.msk $0xffff, v20  }
0x185: {  	[tilespmem:s6+$0x0] =	vst.add.f32.msk $0xffff, v24;
	v20 =	vmul.f32 v23, v33;
	v23 =	vmul.f32 s10, v2  }
0x186: {  	[tilespmem:s6+$0xC0] =	vst.add.f32.msk $0xffff, v21  }
0x187: {  	[tilespmem:s6+$0x180] =	vst.add.f32.msk $0xffff, v20;
	v20 =	vmul.f32 v23, v28  }
0x188: {  	v21 =	vld [tilespmem:s31+$0xFFFFCE40];
	v24 =	vmul.f32 v29, v9  }
0x189: {  	[tilespmem:s3+$0x250] =	vst.add.f32.msk $0xffff, v20  }
0x18a: {  	v20 =	vld [tilespmem:s31+$0xFFFFFFC0]  }
0x18b: {  	v28 =	vld [tilespmem:s31+$0xFFFFCEC0]  }
0x18c: {  	v29 =	vld [tilespmem:s31+$0xFFFFCF40]  }
0x18d: {  	v21 =	vmul.f32 v25, v21;
	[tilespmem:s0+$0x110] =	vst.add.f32.msk $0xffff, v26  }
0x18e: {  	[tilespmem:s0+$0x1D0] =	vst.add.f32.msk $0xffff, v24;
	s0 =	smov.u32 s3  }
0x18f: {  	[tilespmem:s0+$0x10] =	vst.add.f32.msk $0xffff, v21;
	v20 =	vmul.f32 v20, v23  }
0x190: {  	v21 =	vld [tilespmem:s31+$0xFFFFFE40];
	v23 =	vmul.f32 v22, v28  }
0x191: {  	v24 =	vmul.f32 v27, v29;
	[tilespmem:s6+$0x250] =	vst.add.f32.msk $0xffff, v20  }
0x192: {  	v20 =	vld [tilespmem:s31+$0xFFFFCFD0]  }
0x193: {  	[tilespmem:s0+$0xD0] =	vst.add.f32.msk $0xffff, v23  }
0x194: {  	[tilespmem:s0+$0x190] =	vst.add.f32.msk $0xffff, v24  }
0x195: {  	v24 =	vmul.f32 s10, v3;
	v21 =	vmul.f32 v21, v25;
	v23 =	vld [tilespmem:s31+$0xFFFFFEC0]  }
0x196: {  	v25 =	vld [tilespmem:s31+$0xFFFFFF40]  }
0x197: {  	[tilespmem:s6+$0x10] =	vst.add.f32.msk $0xffff, v21;
	v20 =	vmul.f32 v20, v24  }
0x198: {  	v21 =	vld [tilespmem:s31+$0xFFFFCE50]  }
0x199: {  	[tilespmem:s0+$0x260] =	vst.add.f32.msk $0xffff, v20  }
0x19a: {  	v20 =	vmul.f32 v23, v22;
	v22 =	vld [tilespmem:s31+$0xFFFFFFD0]  }
0x19b: {  	v23 =	vmul.f32 v25, v27;
	v25 =	vld [tilespmem:s7+$0xFFFFFE80]  }
0x19c: {  	[tilespmem:s6+$0xD0] =	vst.add.f32.msk $0xffff, v20  }
0x19d: {  	v20 =	vmul.f32 v21, v16;
	[tilespmem:s6+$0x190] =	vst.add.f32.msk $0xffff, v23  }
0x19e: {  	v21 =	vld [tilespmem:s31+$0xFFFFCED0]  }
0x19f: {  	v23 =	vld [tilespmem:s31+$0xFFFFCF50];
	v22 =	vmul.f32 v22, v24  }
0x1a0: {  	[tilespmem:s0+$0x20] =	vst.add.f32.msk $0xffff, v20;
	v20 =	vmul.f32 v25, v7;
	v7 =	vmov v31  }
0x1a1: {  	[tilespmem:s6+$0x260] =	vst.add.f32.msk $0xffff, v22  }
0x1a2: {  	v22 =	vld [tilespmem:s31+$0xFFFFCFE0]  }
0x1a3: {  	v24 =	vld [tilespmem:s31+$0xFFFFFE50];
	v21 =	vmul.f32 v21, v17  }
0x1a4: {  	v23 =	vmul.f32 v23, v18;
	v25 =	vld [tilespmem:s7+$0xFFFFFF00]  }
0x1a5: {  	[tilespmem:s0+$0xE0] =	vst.add.f32.msk $0xffff, v21;
	v21 =	vmul.f32 s10, v4  }
0x1a6: {  	[tilespmem:s0+$0x1A0] =	vst.add.f32.msk $0xffff, v23  }
0x1a7: {  	v23 =	vld [tilespmem:s31+$0xFFFFFED0];
	v22 =	vmul.f32 v22, v21  }
0x1a8: {  	v24 =	vmul.f32 v24, v16;
	v26 =	vld [tilespmem:s31+$0xFFFFFF50]  }
0x1a9: {  	[tilespmem:s0+$0x270] =	vst.add.f32.msk $0xffff, v22;
	v16 =	vmul.f32 v25, v8;
	v8 =	vmov v32  }
0x1aa: {  	v22 =	vld [tilespmem:s31+$0xFFFFFFE0]  }
0x1ab: {  	[tilespmem:s6+$0x20] =	vst.add.f32.msk $0xffff, v24  }
0x1ac: {  	v24 =	vld [tilespmem:s31+$0xFFFFCE60];
	v17 =	vmul.f32 v23, v17  }
0x1ad: {  	v18 =	vmul.f32 v26, v18;
	v23 =	vld [tilespmem:s7+$0xFFFFFF80];
	s7 =	smov.u32 s31  }
0x1ae: {  	[tilespmem:s6+$0xE0] =	vst.add.f32.msk $0xffff, v17  }
0x1af: {  	[tilespmem:s6+$0x1A0] =	vst.add.f32.msk $0xffff, v18;
	v17 =	vmul.f32 v22, v21  }
0x1b0: {  	v18 =	vld [tilespmem:s31+$0xFFFFCEE0]  }
0x1b1: {  	v21 =	vmul.f32 v24, v15;
	[tilespmem:s6+$0x270] =	vst.add.f32.msk $0xffff, v17  }
0x1b2: {  	v22 =	vld [tilespmem:s31+$0xFFFFCFF0];
	v17 =	vmul.f32 v23, v9;
	v9 =	vmov v19  }
0x1b3: {  	v19 =	vld [tilespmem:s31+$0xFFFFCF60]  }
0x1b4: {  	[tilespmem:s0+$0x30] =	vst.add.f32.msk $0xffff, v21  }
0x1b5: {  	v23 =	vmul.f32 s10, v5;
	v21 =	vld [tilespmem:s31+$0xFFFFFE60];
	v18 =	vmul.f32 v18, v14  }
0x1b6: {  	[tilespmem:s28+$0x50] =	vst.add.f32.msk $0xffff, v20  }
0x1b7: {  	[tilespmem:s0+$0xF0] =	vst.add.f32.msk $0xffff, v18;
	v18 =	vmul.f32 v22, v23  }
0x1b8: {  	v20 =	vld [tilespmem:s31+$0xFFFFFEE0];
	v19 =	vmul.f32 v19, v13  }
0x1b9: {  	[tilespmem:s0+$0x280] =	vst.add.f32.msk $0xffff, v18  }
0x1ba: {  	v18 =	vmul.f32 v21, v15;
	v21 =	vld [tilespmem:s31+$0xFFFFFFF0]  }
.Ltmp10:
0x1bb: {  	[tilespmem:s0+$0x1B0] =	vst.add.f32.msk $0xffff, v19;
	(pc) =	sbr.rel @p0 .LBB2_10-.Ltmp10, $4  }
0x1bc: {  	v15 =	vld [tilespmem:s31+$0xFFFFFF60]  }
0x1bd: {  	[tilespmem:s6+$0x30] =	vst.add.f32.msk $0xffff, v18;
	v18 =	vmul.f32 v20, v14  }
0x1be: {  	v14 =	vld [tilespmem:s31+$0xFFFFCE70]  }
0x1bf: {  	s20 =	sadd.s32 $0x4, s20;
	[tilespmem:s6+$0xF0] =	vst.add.f32.msk $0xffff, v18;
	v18 =	vmul.f32 v21, v23  }
0x1c0: {  	_ = 	snop  }
0x1c1: {  	v13 =	vmul.f32 v15, v13  }
0x1c2: {  	v51 =	vld [tilespmem:s31+$0xFFFFCEF0]  }
0x1c3: {  	[tilespmem:s6+$0x1B0] =	vst.add.f32.msk $0xffff, v13  }
0x1c4: {  	v52 =	vld [tilespmem:s31+$0xFFFFCF70]  }
0x1c5: {  	v14 =	vmul.f32 v14, v12;
	_ =	sdelay $0x1  }
0x1c6: {  	[tilespmem:s0+$0x40] =	vst.add.f32.msk $0xffff, v14;
	v13 =	vmul.f32 v51, v11  }
0x1c7: {  	v14 =	vld [tilespmem:s31+$0xFFFFFE70]  }
0x1c8: {  	[tilespmem:s0+$0x100] =	vst.add.f32.msk $0xffff, v13;
	v15 =	vmul.f32 v52, v10  }
0x1c9: {  	v13 =	vld [tilespmem:s31+$0xFFFFFEF0]  }
0x1ca: {  	[tilespmem:s0+$0x1C0] =	vst.add.f32.msk $0xffff, v15  }
0x1cb: {  	v15 =	vld [tilespmem:s31+$0xFFFFFF70]  }
0x1cc: {  	[tilespmem:s6+$0x280] =	vst.add.f32.msk $0xffff, v18;
	v53 =	vmul.f32 v14, v12  }
0x1cd: {  	v54 =	vld [tilespmem:s31+$0xFFFFD000]  }
0x1ce: {  	[tilespmem:s6+$0x40] =	vst.add.f32.msk $0xffff, v53;
	v55 =	vmul.f32 v13, v11  }
0x1cf: {  	v12 =	vld [tilespmem:s31+$0xFFFFCE80]  }
0x1d0: {  	v57 =	vmul.f32 s10, v6;
	[tilespmem:s6+$0x100] =	vst.add.f32.msk $0xffff, v55;
	v56 =	vmul.f32 v15, v10  }
0x1d1: {  	v11 =	vld [tilespmem:s7+$0xFFFFCF00]  }
0x1d2: {  	v14 =	vmul.f32 v54, v57;
	[tilespmem:s6+$0x1C0] =	vst.add.f32.msk $0xffff, v56  }
0x1d3: {  	v58 =	vld [tilespmem:s7+$0xFFFFCF80]  }
0x1d4: {  	[tilespmem:s0+$0x290] =	vst.add.f32.msk $0xffff, v14;
	v12 =	vmul.f32 v12, v7  }
0x1d5: {  	v14 =	vld [tilespmem:s31+$0x0]  }
0x1d6: {  	v11 =	vmul.f32 v11, v8;
	[tilespmem:s0+$0x50] =	vst.add.f32.msk $0xffff, v12  }
0x1d7: {  	v60 =	vld [tilespmem:s7+$0xFFFFFE80]  }
0x1d8: {  	[tilespmem:s0+$0x110] =	vst.add.f32.msk $0xffff, v11;
	v59 =	vmul.f32 v58, v9  }
0x1d9: {  	v61 =	vld [tilespmem:s7+$0xFFFFFF00]  }
0x1da: {  	[tilespmem:s0+$0x1D0] =	vst.add.f32.msk $0xffff, v59  }
0x1db: {  	v62 =	vld [tilespmem:s7+$0xFFFFFF80];
	_ =	sdelay $0x1  }
0x1dc: {  	[tilespmem:s28+$0x110] =	vst.add.f32.msk $0xffff, v16;
	p0 =	seq.s32 s26, $0x0;
	v10 =	vmul.f32 v14, v57  }
.Ltmp11:
0x1dd: {  	[tilespmem:s28+$0x1D0] =	vst.add.f32.msk $0xffff, v17;
	v7 =	vmul.f32 v60, v7;
	(pc) =	sbr.rel @p0 .LBB2_15-.Ltmp11, $4  }
0x1de: {  	[tilespmem:s6+$0x290] =	vst.add.f32.msk $0xffff, v10;
	v8 =	vmul.f32 v61, v8  }
0x1df: {  	[tilespmem:s6+$0x50] =	vst.add.f32.msk $0xffff, v7;
	v63 =	vmul.f32 v62, v9  }
0x1e0: {  	[tilespmem:s6+$0x110] =	vst.add.f32.msk $0xffff, v8  }
0x1e1: {  	[tilespmem:s6+$0x1D0] =	vst.add.f32.msk $0xffff, v63  }
.LBB2_12:
0x1e2: {  	s24 =	sadd.s32 $0x1, s25  }
0x1e3: {  	p0 =	sge.s32 s24, s23  }
0x1e4: {  	s0 =	sshll.u32 @!p0 s24, $0x4  }
0x1e5: {  	s0 =	sshra.s32 @!p0 s0, $0x2  }
0x1e6: {  	s2 =	sld @!p0 [smem:s0+$0x0];
	s0 =	sor.u32 @!p0 $0x1, s0  }
0x1e7: {  	s0 =	sld @!p0 [smem:s0+$0x0];
	_ =	sdelay $0x1  }
0x1e8: {  	s2 =	smul.u32 @!p0 $0x240000, s2  }
0x1e9: {  	s0 =	smul.u32 @!p0 $0x3000, s0;
	_ =	sdelay $0x1  }
0x1ea: {  	s0 =	sadd.s32 @!p0 s2, s0  }
0x1eb: {  	s3 =	simm.s32 @!p0 $0x0;
	s2 =	sshrl.u32 @!p0 s0, $0x3;
	s0 =	sadd.s32 @!p0 $0x120000, s0  }
0x1ec: {  	s4 =	simm.s32 @!p0 $0x12000;
	s2 =	sadd.s32 @!p0 s1, s2;
	s0 =	sshrl.u32 @!p0 s0, $0x3  }
0x1ed: {  	[tilespmem:s4], [sflag:$0x1] =	stream.linear.gather @!p0 [hbm4b:s2+s3], $0x3000, $0x38;
	[tilespmem:$0x1F080] =	vst v63  }
0x1ee: {  	s0 =	sadd.s32 @!p0 s1, s0;
	s2 =	simm.s32 @!p0 $0x15000  }
0x1ef: {  	[tilespmem:s2], [sflag:$0x1] =	stream.linear.gather @!p0 [hbm4b:s0+s3], $0x3000, $0x38;
	[tilespmem:$0x1F080] =	vst v63  }
0x1f0: {  	_ =	swait.ge [sflag:s16], $0x3000  }
0x1f1: {  	[sflag:s16] =	ssyncset.done $0x0  }
0x1f2: {  	[sflag:s16] =	ssyncadd.s32 $0xFFFFD000  }
0x1f3: {  	s7 =	sshll.u32 s25, $0x4;
	_ =	swait.ge [sflag:s16], $0x3000  }
0x1f4: {  	s0 =	sshra.s32 s7, $0x2;
	[sflag:s16] =	ssyncset.done $0x0  }
0x1f5: {  	s9 =	sor.u32 $0x1, s0;
	[sflag:s16] =	ssyncadd.s32 $0xFFFFD000  }
0x1f6: {  	s2 =	sld [smem:s9+$0x0];
	_ =	sdelay $0x2  }
0x1f7: {  	s10 =	simm.s32 $0x1F002;
	v7 =	vld [tilespmem:s2+$0x1F000]  }
0x1f8: {  	v8 =	vld [tilespmem:s10+$0x1];
	_ =	sdelay $0x3  }
0x1f9: {  	(v2sf) =	vpush v7, $0x0  }
0x1fa: {  	(v2sf) =	vpush v8, $0x0;
	_ =	sdelay $0x4  }
0x1fb: {  	v7 =	vld [tilespmem:s10+$0xFFFFFFFF]  }
0x1fc: {  	v8 =	vld [tilespmem:s10+$0x0]  }
0x1fd: {  	v9 =	vld [tilespmem:s10+$0xFFFFFFFE];
	_ =	sdelay $0x2  }
0x1fe: {  	(v2sf) =	vpush v7, $0x0  }
0x1ff: {  	(v2sf) =	vpush v8, $0x0  }
0x200: {  	(v2sf) =	vpush v9, $0x0;
	_ =	sdelay $0x1  }
0x201: {  	s7 =	simm.s32 $0x1B1D0;
	s12 =	sor.u32 $0x2, s0;
	s26 =	spop (v2sf)  }
0x202: {  	s0 =	sor.u32 $0x3, s0;
	s14 =	sld [smem:s12+$0x0];
	v7 =	vld [tilespmem:s7+$0xFFFFCFB0];
	s15 =	spop (v2sf)  }
0x203: {  	s0 =	sld [smem:s0+$0x0];
	s2 =	smul.f32 s15, s26  }
0x204: {  	_ = 	snop  }
0x205: {  	s3 =	smul.u32 $0x300, s14;
	v8 =	vmul.f32 s2, v1  }
0x206: {  	s19 =	sshll.u32 s0, $0x2  }
0x207: {  	s28 =	sshra.s32 s19, $0x2;
	s0 =	sshra.s32 s3, $0x2;
	v7 =	vmul.f32 v8, v7  }
0x208: {  	s9 =	sadd.s32 s28, s0  }
0x209: {  	[tilespmem:s9+$0x240] =	vst.add.f32.msk $0xffff, v7  }
0x20a: {  	v7 =	vld [tilespmem:s7+$0xFFFFFFB0];
	_ =	sdelay $0x1  }
0x20b: {  	s20 =	spop (v2sf)  }
0x20c: {  	s30 =	spop (v2sf)  }
0x20d: {  	v9 =	vld [tilespmem:s7+$0xFFFFCE30];
	s10 =	spop (v2sf)  }
0x20e: {  	s6 =	sadd.s32 $0x9000, s0;
	s15 =	smul.f32 s10, s26;
	v7 =	vmul.f32 v8, v7  }
0x20f: {  	s25 =	sadd.s32 s28, s6;
	v8 =	vld [tilespmem:s7+$0xFFFFCEB0]  }
0x210: {  	s20 =	smul.f32 s20, s26;
	v10 =	vmul.f32 s15, v1;
	[tilespmem:s25+$0x240] =	vst.add.f32.msk $0xffff, v7  }
0x211: {  	v7 =	vld [tilespmem:s7+$0xFFFFCFC0]  }
0x212: {  	v11 =	vmul.f32 s20, v1;
	v9 =	vmul.f32 v10, v9  }
0x213: {  	v12 =	vld [tilespmem:s7+$0xFFFFCF30]  }
0x214: {  	s14 =	smul.f32 s30, s26;
	[tilespmem:s9+$0x0] =	vst.add.f32.msk $0xffff, v9;
	v9 =	vmul.f32 s2, v2;
	v8 =	vmul.f32 v11, v8  }
0x215: {  	v13 =	vld [tilespmem:s7+$0xFFFFFE30]  }
0x216: {  	v14 =	vmul.f32 s14, v1;
	[tilespmem:s9+$0xC0] =	vst.add.f32.msk $0xffff, v8;
	v7 =	vmul.f32 v9, v7  }
0x217: {  	v8 =	vld [tilespmem:s7+$0xFFFFFEB0]  }
0x218: {  	v12 =	vmul.f32 v14, v12;
	[tilespmem:s9+$0x250] =	vst.add.f32.msk $0xffff, v7  }
0x219: {  	v7 =	vld [tilespmem:s7+$0xFFFFFFC0]  }
0x21a: {  	[tilespmem:s9+$0x180] =	vst.add.f32.msk $0xffff, v12;
	v10 =	vmul.f32 v10, v13  }
0x21b: {  	v12 =	vld [tilespmem:s7+$0xFFFFFF30]  }
0x21c: {  	[tilespmem:s25+$0x0] =	vst.add.f32.msk $0xffff, v10;
	v8 =	vmul.f32 v11, v8  }
0x21d: {  	v10 =	vld [tilespmem:s7+$0xFFFFCE40]  }
0x21e: {  	[tilespmem:s25+$0xC0] =	vst.add.f32.msk $0xffff, v8;
	v7 =	vmul.f32 v7, v9  }
0x21f: {  	v8 =	vld [tilespmem:s7+$0xFFFFCEC0]  }
0x220: {  	v11 =	vmul.f32 v14, v12;
	v9 =	vmul.f32 s15, v2;
	[tilespmem:s25+$0x250] =	vst.add.f32.msk $0xffff, v7  }
0x221: {  	v7 =	vld [tilespmem:s7+$0xFFFFCFD0]  }
0x222: {  	v12 =	vmul.f32 s20, v2;
	[tilespmem:s25+$0x180] =	vst.add.f32.msk $0xffff, v11;
	v10 =	vmul.f32 v9, v10  }
0x223: {  	v11 =	vld [tilespmem:s7+$0xFFFFCF40]  }
0x224: {  	[tilespmem:s9+$0x10] =	vst.add.f32.msk $0xffff, v10;
	v10 =	vmul.f32 s2, v3;
	v8 =	vmul.f32 v12, v8  }
0x225: {  	v13 =	vld [tilespmem:s7+$0xFFFFFE40]  }
0x226: {  	v14 =	vmul.f32 s14, v2;
	[tilespmem:s9+$0xD0] =	vst.add.f32.msk $0xffff, v8;
	v7 =	vmul.f32 v7, v10  }
0x227: {  	v8 =	vld [tilespmem:s7+$0xFFFFFEC0]  }
0x228: {  	v11 =	vmul.f32 v14, v11;
	[tilespmem:s9+$0x260] =	vst.add.f32.msk $0xffff, v7  }
0x229: {  	v7 =	vld [tilespmem:s7+$0xFFFFFFD0]  }
0x22a: {  	[tilespmem:s9+$0x190] =	vst.add.f32.msk $0xffff, v11;
	v9 =	vmul.f32 v13, v9  }
0x22b: {  	v11 =	vld [tilespmem:s7+$0xFFFFFF40]  }
0x22c: {  	[tilespmem:s25+$0x10] =	vst.add.f32.msk $0xffff, v9;
	v8 =	vmul.f32 v8, v12  }
0x22d: {  	v9 =	vld [tilespmem:s7+$0xFFFFCE50]  }
0x22e: {  	[tilespmem:s25+$0xD0] =	vst.add.f32.msk $0xffff, v8;
	v7 =	vmul.f32 v7, v10  }
0x22f: {  	v8 =	vld [tilespmem:s7+$0xFFFFCED0]  }
0x230: {  	v11 =	vmul.f32 v11, v14;
	v10 =	vmul.f32 s15, v3;
	[tilespmem:s25+$0x260] =	vst.add.f32.msk $0xffff, v7  }
0x231: {  	v7 =	vld [tilespmem:s7+$0xFFFFCFE0]  }
0x232: {  	v12 =	vmul.f32 s20, v3;
	[tilespmem:s25+$0x190] =	vst.add.f32.msk $0xffff, v11;
	v9 =	vmul.f32 v9, v10  }
0x233: {  	v11 =	vld [tilespmem:s7+$0xFFFFCF50]  }
0x234: {  	[tilespmem:s9+$0x20] =	vst.add.f32.msk $0xffff, v9;
	v9 =	vmul.f32 s2, v4;
	v8 =	vmul.f32 v8, v12  }
0x235: {  	v13 =	vld [tilespmem:s7+$0xFFFFFE50]  }
0x236: {  	v14 =	vmul.f32 s14, v3;
	[tilespmem:s9+$0xE0] =	vst.add.f32.msk $0xffff, v8;
	v7 =	vmul.f32 v7, v9  }
0x237: {  	v8 =	vld [tilespmem:s7+$0xFFFFFED0]  }
0x238: {  	v11 =	vmul.f32 v11, v14;
	[tilespmem:s9+$0x270] =	vst.add.f32.msk $0xffff, v7  }
0x239: {  	v7 =	vld [tilespmem:s7+$0xFFFFFFE0]  }
0x23a: {  	[tilespmem:s9+$0x1A0] =	vst.add.f32.msk $0xffff, v11;
	v10 =	vmul.f32 v13, v10  }
0x23b: {  	v11 =	vld [tilespmem:s7+$0xFFFFFF50]  }
0x23c: {  	[tilespmem:s25+$0x20] =	vst.add.f32.msk $0xffff, v10;
	v8 =	vmul.f32 v8, v12  }
0x23d: {  	v10 =	vld [tilespmem:s7+$0xFFFFCE60]  }
0x23e: {  	[tilespmem:s25+$0xE0] =	vst.add.f32.msk $0xffff, v8;
	v7 =	vmul.f32 v7, v9  }
0x23f: {  	v8 =	vld [tilespmem:s7+$0xFFFFCEE0]  }
0x240: {  	[tilespmem:s25+$0x270] =	vst.add.f32.msk $0xffff, v7  }
0x241: {  	v9 =	vmul.f32 v11, v14;
	v7 =	vmul.f32 s15, v4;
	v11 =	vld [tilespmem:s7+$0xFFFFCFF0];
	_ =	sdelay $0x1  }
0x242: {  	v12 =	vmul.f32 s20, v4;
	[tilespmem:s25+$0x1A0] =	vst.add.f32.msk $0xffff, v9;
	v9 =	vmul.f32 v10, v7  }
0x243: {  	v13 =	vmul.f32 s2, v5;
	v10 =	vld [tilespmem:s7+$0xFFFFCF60]  }
0x244: {  	v8 =	vmul.f32 v8, v12;
	[tilespmem:s9+$0x30] =	vst.add.f32.msk $0xffff, v9  }
0x245: {  	v9 =	vld [tilespmem:s7+$0xFFFFFE60];
	v11 =	vmul.f32 v11, v13  }
0x246: {  	v14 =	vmul.f32 s14, v4;
	[tilespmem:s9+$0xF0] =	vst.add.f32.msk $0xffff, v8  }
0x247: {  	[tilespmem:s9+$0x280] =	vst.add.f32.msk $0xffff, v11  }
0x248: {  	v8 =	vmul.f32 v10, v14;
	v11 =	vld [tilespmem:s7+$0xFFFFFEE0]  }
0x249: {  	v10 =	vld [tilespmem:s7+$0xFFFFFFF0]  }
0x24a: {  	[tilespmem:s9+$0x1B0] =	vst.add.f32.msk $0xffff, v8;
	v7 =	vmul.f32 v9, v7  }
0x24b: {  	v8 =	vld [tilespmem:s7+$0xFFFFFF60]  }
0x24c: {  	[tilespmem:s25+$0x30] =	vst.add.f32.msk $0xffff, v7  }
0x24d: {  	s31 =	simm.s32 $0x1F006;
	v7 =	vld [tilespmem:s7+$0xFFFFCE70]  }
0x24e: {  	v11 =	vmul.f32 v11, v12;
	v12 =	vld [tilespmem:s31+$0x0]  }
0x24f: {  	v9 =	vmul.f32 v10, v13;
	v10 =	vld [tilespmem:s31+$0x1]  }
0x250: {  	v13 =	vld [tilespmem:s31+$0xFFFFFFFF]  }
0x251: {  	v8 =	vmul.f32 v8, v14;
	v14 =	vld [tilespmem:s31+$0xFFFFFFFE]  }
0x252: {  	[tilespmem:s25+$0x280] =	vst.add.f32.msk $0xffff, v9  }
0x253: {  	v9 =	vld [tilespmem:s7+$0xFFFFD000]  }
0x254: {  	[tilespmem:s25+$0x1B0] =	vst.add.f32.msk $0xffff, v8;
	v8 =	vmul.f32 s15, v5;
	(v2sf) =	vpush v10, $0x0  }
0x255: {  	(v2sf) =	vpush v13, $0x0;
	v13 =	vld [tilespmem:s7+$0xFFFFCF70]  }
0x256: {  	[tilespmem:s25+$0xF0] =	vst.add.f32.msk $0xffff, v11;
	v11 =	vmul.f32 s2, v6;
	v7 =	vmul.f32 v7, v8;
	(v2sf) =	vpush v12, $0x0  }
0x257: {  	v10 =	vld [tilespmem:s7+$0xFFFFCEF0];
	(v2sf) =	vpush v14, $0x0  }
0x258: {  	[tilespmem:s9+$0x40] =	vst.add.f32.msk $0xffff, v7;
	v9 =	vmul.f32 v9, v11;
	v14 =	vmul.f32 s14, v5  }
0x259: {  	v7 =	vld [tilespmem:s7+$0xFFFFFE70]  }
0x25a: {  	[tilespmem:s9+$0x290] =	vst.add.f32.msk $0xffff, v9;
	v9 =	vmul.f32 s20, v5;
	v13 =	vmul.f32 v13, v14  }
0x25b: {  	v12 =	vld [tilespmem:s7+$0x0]  }
0x25c: {  	s29 =	simm.s32 $0x1B3D0;
	v10 =	vmul.f32 v10, v9;
	[tilespmem:s9+$0x1C0] =	vst.add.f32.msk $0xffff, v13  }
0x25d: {  	v13 =	vld [tilespmem:s29+$0xFFFFCF30]  }
0x25e: {  	[tilespmem:s9+$0x100] =	vst.add.f32.msk $0xffff, v10  }
0x25f: {  	v7 =	vmul.f32 v7, v8;
	v8 =	vld [tilespmem:s7+$0xFFFFFF70]  }
0x260: {  	v10 =	vmul.f32 v12, v11;
	v11 =	vld [tilespmem:s7+$0xFFFFFEF0]  }
0x261: {  	[tilespmem:s25+$0x40] =	vst.add.f32.msk $0xffff, v7  }
0x262: {  	[tilespmem:s25+$0x290] =	vst.add.f32.msk $0xffff, v10  }
0x263: {  	v10 =	vld [tilespmem:s29+$0xFFFFCFB0];
	s3 =	spop (v2sf)  }
0x264: {  	v7 =	vld [tilespmem:s7+$0xFFFFCE80];
	s10 =	smul.f32 s3, s26;
	s4 =	spop (v2sf)  }
0x265: {  	v8 =	vmul.f32 v8, v14;
	v9 =	vmul.f32 v11, v9;
	v11 =	vld [tilespmem:s29+$0xFFFFCEB0];
	s12 =	spop (v2sf);
	s19 =	smul.f32 s4, s26  }
0x266: {  	v12 =	vld [tilespmem:s29+$0xFFFFCE30];
	v14 =	vmul.f32 s10, v1;
	s30 =	spop (v2sf);
	s4 =	smul.f32 s12, s26  }
0x267: {  	[tilespmem:s25+$0x1C0] =	vst.add.f32.msk $0xffff, v8;
	s31 =	smul.f32 s30, s26  }
0x268: {  	s2 =	sadd.s32 $0x300, s0;
	[tilespmem:s25+$0x100] =	vst.add.f32.msk $0xffff, v9;
	v9 =	vmul.f32 s19, v1;
	v10 =	vmul.f32 v14, v10  }
0x269: {  	s0 =	sadd.s32 s28, s2;
	v15 =	vld [tilespmem:s7+$0xFFFFCF00];
	v16 =	vmul.f32 s4, v1;
	v8 =	vmul.f32 s31, v1  }
0x26a: {  	v11 =	vmul.f32 v9, v11;
	[tilespmem:s0+$0x240] =	vst.add.f32.msk $0xffff, v10  }
0x26b: {  	v13 =	vmul.f32 v16, v13;
	v10 =	vmul.f32 v8, v12;
	v12 =	vld [tilespmem:s29+$0xFFFFFFB0]  }
0x26c: {  	[tilespmem:s0+$0xC0] =	vst.add.f32.msk $0xffff, v11  }
0x26d: {  	[tilespmem:s0+$0x180] =	vst.add.f32.msk $0xffff, v13  }
0x26e: {  	[tilespmem:s0+$0x0] =	vst.add.f32.msk $0xffff, v10  }
0x26f: {  	v10 =	vld [tilespmem:s29+$0xFFFFFE30]  }
0x270: {  	s12 =	sadd.s32 $0x300, s6;
	v11 =	vld [tilespmem:s29+$0xFFFFFEB0];
	v13 =	vmul.f32 s15, v6;
	v12 =	vmul.f32 v14, v12  }
0x271: {  	s6 =	sadd.s32 s28, s12;
	v14 =	vld [tilespmem:s29+$0xFFFFFF30]  }
0x272: {  	v7 =	vmul.f32 v7, v13;
	[tilespmem:s6+$0x240] =	vst.add.f32.msk $0xffff, v12  }
0x273: {  	v12 =	vld [tilespmem:s29+$0xFFFFCFC0]  }
0x274: {  	[tilespmem:s9+$0x50] =	vst.add.f32.msk $0xffff, v7;
	v8 =	vmul.f32 v8, v10  }
0x275: {  	v9 =	vmul.f32 v9, v11;
	v10 =	vld [tilespmem:s7+$0xFFFFCF80]  }
0x276: {  	[tilespmem:s6+$0x0] =	vst.add.f32.msk $0xffff, v8;
	v7 =	vmul.f32 v16, v14;
	v8 =	vmul.f32 s10, v2  }
0x277: {  	[tilespmem:s6+$0xC0] =	vst.add.f32.msk $0xffff, v9  }
0x278: {  	[tilespmem:s6+$0x180] =	vst.add.f32.msk $0xffff, v7;
	v7 =	vmul.f32 v8, v12  }
0x279: {  	v9 =	vld [tilespmem:s29+$0xFFFFCE40]  }
0x27a: {  	v14 =	vmul.f32 s20, v6;
	[tilespmem:s0+$0x250] =	vst.add.f32.msk $0xffff, v7  }
0x27b: {  	v17 =	vmul.f32 s14, v6;
	v7 =	vld [tilespmem:s29+$0xFFFFFFC0]  }
0x27c: {  	v11 =	vmul.f32 s31, v2;
	v12 =	vmul.f32 v15, v14;
	v15 =	vld [tilespmem:s29+$0xFFFFCEC0]  }
0x27d: {  	v10 =	vmul.f32 v10, v17;
	v16 =	vld [tilespmem:s29+$0xFFFFCF40]  }
0x27e: {  	[tilespmem:s9+$0x110] =	vst.add.f32.msk $0xffff, v12;
	v9 =	vmul.f32 v11, v9  }
0x27f: {  	[tilespmem:s9+$0x1D0] =	vst.add.f32.msk $0xffff, v10  }
0x280: {  	v10 =	vmul.f32 s19, v2;
	[tilespmem:s0+$0x10] =	vst.add.f32.msk $0xffff, v9;
	v7 =	vmul.f32 v7, v8  }
0x281: {  	v9 =	vld [tilespmem:s29+$0xFFFFFE40];
	v8 =	vmul.f32 s4, v2  }
0x282: {  	v12 =	vmul.f32 v10, v15;
	[tilespmem:s6+$0x250] =	vst.add.f32.msk $0xffff, v7  }
0x283: {  	v7 =	vmul.f32 v8, v16;
	v15 =	vld [tilespmem:s29+$0xFFFFCFD0]  }
0x284: {  	[tilespmem:s0+$0xD0] =	vst.add.f32.msk $0xffff, v12  }
0x285: {  	[tilespmem:s0+$0x190] =	vst.add.f32.msk $0xffff, v7  }
0x286: {  	v7 =	vmul.f32 v9, v11;
	v9 =	vld [tilespmem:s29+$0xFFFFFEC0];
	v11 =	vmul.f32 s10, v3  }
0x287: {  	v12 =	vld [tilespmem:s29+$0xFFFFFF40]  }
0x288: {  	[tilespmem:s6+$0x10] =	vst.add.f32.msk $0xffff, v7;
	v7 =	vmul.f32 v15, v11  }
0x289: {  	v15 =	vld [tilespmem:s29+$0xFFFFCE50]  }
0x28a: {  	[tilespmem:s0+$0x260] =	vst.add.f32.msk $0xffff, v7  }
0x28b: {  	v7 =	vmul.f32 v9, v10;
	v9 =	vld [tilespmem:s29+$0xFFFFFFD0]  }
0x28c: {  	v18 =	vld [tilespmem:s7+$0xFFFFFF00];
	v8 =	vmul.f32 v12, v8  }
0x28d: {  	v12 =	vmul.f32 s31, v3;
	[tilespmem:s6+$0xD0] =	vst.add.f32.msk $0xffff, v7  }
0x28e: {  	[tilespmem:s6+$0x190] =	vst.add.f32.msk $0xffff, v8  }
0x28f: {  	v7 =	vmul.f32 v15, v12;
	v8 =	vld [tilespmem:s29+$0xFFFFCED0]  }
0x290: {  	v15 =	vld [tilespmem:s29+$0xFFFFCF50];
	v9 =	vmul.f32 v9, v11  }
0x291: {  	[tilespmem:s0+$0x20] =	vst.add.f32.msk $0xffff, v7  }
0x292: {  	v7 =	vmul.f32 s19, v3;
	[tilespmem:s6+$0x260] =	vst.add.f32.msk $0xffff, v9  }
0x293: {  	v9 =	vmul.f32 s4, v3;
	v11 =	vld [tilespmem:s29+$0xFFFFCFE0]  }
0x294: {  	v10 =	vld [tilespmem:s7+$0xFFFFFE80];
	v8 =	vmul.f32 v8, v7  }
0x295: {  	v16 =	vld [tilespmem:s29+$0xFFFFFE50];
	v15 =	vmul.f32 v15, v9  }
0x296: {  	[tilespmem:s0+$0xE0] =	vst.add.f32.msk $0xffff, v8;
	v8 =	vmul.f32 s10, v4  }
0x297: {  	[tilespmem:s0+$0x1A0] =	vst.add.f32.msk $0xffff, v15  }
0x298: {  	v15 =	vld [tilespmem:s29+$0xFFFFFED0];
	v11 =	vmul.f32 v11, v8  }
0x299: {  	v19 =	vld [tilespmem:s29+$0xFFFFFF50]  }
0x29a: {  	v10 =	vmul.f32 v10, v13;
	[tilespmem:s0+$0x270] =	vst.add.f32.msk $0xffff, v11  }
0x29b: {  	v12 =	vmul.f32 v16, v12;
	v11 =	vld [tilespmem:s29+$0xFFFFFFE0]  }
0x29c: {  	[tilespmem:s25+$0x50] =	vst.add.f32.msk $0xffff, v10  }
0x29d: {  	[tilespmem:s6+$0x20] =	vst.add.f32.msk $0xffff, v12;
	v7 =	vmul.f32 v15, v7  }
0x29e: {  	v12 =	vld [tilespmem:s29+$0xFFFFCE60];
	v9 =	vmul.f32 v19, v9  }
0x29f: {  	[tilespmem:s6+$0xE0] =	vst.add.f32.msk $0xffff, v7  }
0x2a0: {  	[tilespmem:s6+$0x1A0] =	vst.add.f32.msk $0xffff, v9;
	v7 =	vmul.f32 v11, v8  }
0x2a1: {  	v9 =	vld [tilespmem:s29+$0xFFFFCEE0]  }
0x2a2: {  	v8 =	vmul.f32 s31, v4;
	[tilespmem:s6+$0x270] =	vst.add.f32.msk $0xffff, v7  }
0x2a3: {  	v11 =	vld [tilespmem:s29+$0xFFFFCFF0]  }
0x2a4: {  	v16 =	vmul.f32 s19, v4;
	v19 =	vld [tilespmem:s7+$0xFFFFFF80];
	v7 =	vmul.f32 v12, v8  }
0x2a5: {  	v12 =	vld [tilespmem:s29+$0xFFFFCF60]  }
0x2a6: {  	v20 =	vmul.f32 s10, v5;
	v9 =	vmul.f32 v9, v16;
	[tilespmem:s0+$0x30] =	vst.add.f32.msk $0xffff, v7  }
0x2a7: {  	v7 =	vld [tilespmem:s29+$0xFFFFFE60]  }
0x2a8: {  	v13 =	vmul.f32 s4, v4;
	[tilespmem:s0+$0xF0] =	vst.add.f32.msk $0xffff, v9;
	v9 =	vmul.f32 v11, v20  }
0x2a9: {  	v21 =	vld [tilespmem:s29+$0xFFFFFEE0]  }
0x2aa: {  	v10 =	vmul.f32 v12, v13;
	[tilespmem:s0+$0x280] =	vst.add.f32.msk $0xffff, v9  }
0x2ab: {  	v17 =	vmul.f32 v19, v17;
	v22 =	vld [tilespmem:s29+$0xFFFFFFF0]  }
0x2ac: {  	v12 =	vmul.f32 s31, v5;
	[tilespmem:s0+$0x1B0] =	vst.add.f32.msk $0xffff, v10;
	v9 =	vmul.f32 v7, v8  }
0x2ad: {  	v11 =	vmul.f32 s19, v5;
	v10 =	vmul.f32 s4, v5;
	v15 =	vld [tilespmem:s29+$0xFFFFFF60]  }
0x2ae: {  	v7 =	vmul.f32 s31, v6;
	v21 =	vmul.f32 v21, v16;
	[tilespmem:s6+$0x30] =	vst.add.f32.msk $0xffff, v9  }
0x2af: {  	v8 =	vmul.f32 s19, v6;
	v16 =	vmul.f32 v18, v14;
	v14 =	vld [tilespmem:s29+$0xFFFFCE70]  }
0x2b0: {  	s20 =	simm.s32 $0x1F00A;
	s9 =	simm.s32 $0x4;
	s7 =	simm.s32 $0x1B3D0;
	v9 =	vmul.f32 s4, v6;
	[tilespmem:s6+$0xF0] =	vst.add.f32.msk $0xffff, v21;
	v18 =	vmul.f32 v22, v20  }
.LBB2_13:
0x2b1: {  	v19 =	vld [tilespmem:s20+$0x1]  }
0x2b2: {  	v13 =	vmul.f32 v15, v13;
	[tilespmem:s6+$0x280] =	vst.add.f32.msk $0xffff, v18  }
0x2b3: {  	s9 =	sadd.s32 $0x4, s9;
	v15 =	vld [tilespmem:s29+$0xFFFFD000]  }
0x2b4: {  	p0 =	slt.u32 s9, $0x5C;
	v18 =	vld [tilespmem:s20+$0xFFFFFFFF];
	v14 =	vmul.f32 v14, v12  }
0x2b5: {  	v20 =	vld [tilespmem:s20+$0x0]  }
0x2b6: {  	v22 =	vmul.f32 s10, v6;
	v21 =	vld [tilespmem:s20+$0xFFFFFFFE]  }
0x2b7: {  	[tilespmem:s6+$0x1B0] =	vst.add.f32.msk $0xffff, v13  }
0x2b8: {  	(v2sf) =	vpush v19, $0x0;
	v13 =	vld [tilespmem:s29+$0xFFFFCEF0];
	v15 =	vmul.f32 v15, v22  }
0x2b9: {  	(v2sf) =	vpush v18, $0x0;
	v18 =	vld [tilespmem:s29+$0xFFFFCF70]  }
0x2ba: {  	(v2sf) =	vpush v20, $0x0;
	[tilespmem:s0+$0x290] =	vst.add.f32.msk $0xffff, v15  }
0x2bb: {  	(v2sf) =	vpush v21, $0x0;
	v15 =	vld [tilespmem:s29+$0x0]  }
0x2bc: {  	[tilespmem:s0+$0x40] =	vst.add.f32.msk $0xffff, v14  }
0x2bd: {  	v14 =	vld [tilespmem:s29+$0xFFFFFE70];
	v13 =	vmul.f32 v13, v11  }
0x2be: {  	v18 =	vmul.f32 v18, v10;
	[tilespmem:s25+$0x110] =	vst.add.f32.msk $0xffff, v16  }
0x2bf: {  	[tilespmem:s0+$0x100] =	vst.add.f32.msk $0xffff, v13  }
0x2c0: {  	[tilespmem:s0+$0x1C0] =	vst.add.f32.msk $0xffff, v18;
	v13 =	vmul.f32 v15, v22  }
0x2c1: {  	v15 =	vld [tilespmem:s29+$0xFFFFFEF0]  }
0x2c2: {  	v12 =	vmul.f32 v14, v12;
	[tilespmem:s6+$0x290] =	vst.add.f32.msk $0xffff, v13  }
0x2c3: {  	v13 =	vld [tilespmem:s29+$0xFFFFFF70]  }
0x2c4: {  	[tilespmem:s6+$0x40] =	vst.add.f32.msk $0xffff, v12  }
0x2c5: {  	v12 =	vld [tilespmem:s29+$0xFFFFCE80]  }
0x2c6: {  	s29 =	sadd.s32 $0x200, s29;
	v11 =	vmul.f32 v15, v11;
	[tilespmem:s25+$0x1D0] =	vst.add.f32.msk $0xffff, v17;
	s25 =	smov.u32 s6  }
0x2c7: {  	v14 =	vld [tilespmem:s29+$0xFFFFCFB0];
	s3 =	spop (v2sf)  }
0x2c8: {  	v15 =	vld [tilespmem:s29+$0xFFFFCE30];
	s10 =	smul.f32 s3, s26;
	s3 =	spop (v2sf);
	v10 =	vmul.f32 v13, v10  }
0x2c9: {  	s4 =	smul.f32 s3, s26;
	v13 =	vld [tilespmem:s29+$0xFFFFCEB0];
	s3 =	spop (v2sf)  }
0x2ca: {  	s14 =	smul.f32 s3, s26;
	v16 =	vld [tilespmem:s29+$0xFFFFCF30];
	v19 =	vmul.f32 s10, v1;
	s3 =	spop (v2sf);
	v20 =	vmul.f32 v12, v7  }
0x2cb: {  	s15 =	smul.f32 s3, s26;
	v21 =	vmul.f32 s4, v1;
	v22 =	vmul.f32 s4, v2;
	[tilespmem:s25+$0x100] =	vst.add.f32.msk $0xffff, v11  }
0x2cc: {  	s2 =	sadd.s32 $0x300, s2;
	v23 =	vmul.f32 s14, v1;
	v11 =	vmul.f32 v19, v14;
	[tilespmem:s25+$0x1C0] =	vst.add.f32.msk $0xffff, v10  }
0x2cd: {  	s3 =	sadd.s32 s28, s2;
	v24 =	vmul.f32 s15, v1;
	v25 =	vmul.f32 s15, v2;
	v26 =	vld [tilespmem:s7+$0xFFFFCF00]  }
0x2ce: {  	v27 =	vmul.f32 s14, v2;
	v10 =	vmul.f32 v21, v13;
	[tilespmem:s3+$0x240] =	vst.add.f32.msk $0xffff, v11  }
0x2cf: {  	v11 =	vmul.f32 v24, v15;
	v12 =	vmul.f32 v23, v16;
	v28 =	vld [tilespmem:s29+$0xFFFFFFB0]  }
0x2d0: {  	v17 =	vmul.f32 s4, v3;
	v16 =	vmul.f32 s15, v3;
	[tilespmem:s3+$0xC0] =	vst.add.f32.msk $0xffff, v10  }
0x2d1: {  	v18 =	vmul.f32 s14, v3;
	v15 =	vmul.f32 s15, v4;
	[tilespmem:s3+$0x0] =	vst.add.f32.msk $0xffff, v11  }
0x2d2: {  	v14 =	vmul.f32 s4, v4;
	v13 =	vmul.f32 s14, v4;
	[tilespmem:s3+$0x180] =	vst.add.f32.msk $0xffff, v12  }
0x2d3: {  	v11 =	vmul.f32 s4, v5;
	v12 =	vmul.f32 s15, v5;
	v29 =	vld [tilespmem:s29+$0xFFFFFE30]  }
0x2d4: {  	s12 =	sadd.s32 $0x300, s12;
	v10 =	vmul.f32 s14, v5;
	v30 =	vld [tilespmem:s29+$0xFFFFFEB0];
	v28 =	vmul.f32 v19, v28  }
0x2d5: {  	s6 =	sadd.s32 s28, s12;
	v32 =	vmul.f32 s4, v6;
	v31 =	vmul.f32 s15, v6;
	v33 =	vld [tilespmem:s29+$0xFFFFFF30]  }
0x2d6: {  	v26 =	vmul.f32 v26, v8;
	v19 =	vmul.f32 s14, v6;
	[tilespmem:s6+$0x240] =	vst.add.f32.msk $0xffff, v28  }
0x2d7: {  	v28 =	vld [tilespmem:s29+$0xFFFFCFC0]  }
0x2d8: {  	v24 =	vmul.f32 v24, v29;
	v29 =	vld [tilespmem:s7+$0xFFFFCF80]  }
0x2d9: {  	v21 =	vmul.f32 v21, v30;
	[tilespmem:s0+$0x50] =	vst.add.f32.msk $0xffff, v20  }
0x2da: {  	[tilespmem:s6+$0x0] =	vst.add.f32.msk $0xffff, v24;
	v20 =	vmul.f32 v23, v33;
	v23 =	vmul.f32 s10, v2  }
0x2db: {  	[tilespmem:s6+$0xC0] =	vst.add.f32.msk $0xffff, v21  }
0x2dc: {  	[tilespmem:s6+$0x180] =	vst.add.f32.msk $0xffff, v20;
	v20 =	vmul.f32 v23, v28  }
0x2dd: {  	v21 =	vld [tilespmem:s29+$0xFFFFCE40];
	v24 =	vmul.f32 v29, v9  }
0x2de: {  	[tilespmem:s3+$0x250] =	vst.add.f32.msk $0xffff, v20  }
0x2df: {  	v20 =	vld [tilespmem:s29+$0xFFFFFFC0]  }
0x2e0: {  	v28 =	vld [tilespmem:s29+$0xFFFFCEC0]  }
0x2e1: {  	v29 =	vld [tilespmem:s29+$0xFFFFCF40]  }
0x2e2: {  	v21 =	vmul.f32 v25, v21;
	[tilespmem:s0+$0x110] =	vst.add.f32.msk $0xffff, v26  }
0x2e3: {  	[tilespmem:s0+$0x1D0] =	vst.add.f32.msk $0xffff, v24;
	s0 =	smov.u32 s3  }
0x2e4: {  	[tilespmem:s0+$0x10] =	vst.add.f32.msk $0xffff, v21;
	v20 =	vmul.f32 v20, v23  }
0x2e5: {  	v21 =	vld [tilespmem:s29+$0xFFFFFE40];
	v23 =	vmul.f32 v22, v28  }
0x2e6: {  	v24 =	vmul.f32 v27, v29;
	[tilespmem:s6+$0x250] =	vst.add.f32.msk $0xffff, v20  }
0x2e7: {  	v20 =	vld [tilespmem:s29+$0xFFFFCFD0]  }
0x2e8: {  	[tilespmem:s0+$0xD0] =	vst.add.f32.msk $0xffff, v23  }
0x2e9: {  	[tilespmem:s0+$0x190] =	vst.add.f32.msk $0xffff, v24  }
0x2ea: {  	v24 =	vmul.f32 s10, v3;
	v21 =	vmul.f32 v21, v25;
	v23 =	vld [tilespmem:s29+$0xFFFFFEC0]  }
0x2eb: {  	v25 =	vld [tilespmem:s29+$0xFFFFFF40]  }
0x2ec: {  	[tilespmem:s6+$0x10] =	vst.add.f32.msk $0xffff, v21;
	v20 =	vmul.f32 v20, v24  }
0x2ed: {  	v21 =	vld [tilespmem:s29+$0xFFFFCE50]  }
0x2ee: {  	[tilespmem:s0+$0x260] =	vst.add.f32.msk $0xffff, v20  }
0x2ef: {  	v20 =	vmul.f32 v23, v22;
	v22 =	vld [tilespmem:s29+$0xFFFFFFD0]  }
0x2f0: {  	v23 =	vmul.f32 v25, v27;
	v25 =	vld [tilespmem:s7+$0xFFFFFE80]  }
0x2f1: {  	[tilespmem:s6+$0xD0] =	vst.add.f32.msk $0xffff, v20  }
0x2f2: {  	v20 =	vmul.f32 v21, v16;
	[tilespmem:s6+$0x190] =	vst.add.f32.msk $0xffff, v23  }
0x2f3: {  	v21 =	vld [tilespmem:s29+$0xFFFFCED0]  }
0x2f4: {  	v23 =	vld [tilespmem:s29+$0xFFFFCF50];
	v22 =	vmul.f32 v22, v24  }
0x2f5: {  	[tilespmem:s0+$0x20] =	vst.add.f32.msk $0xffff, v20;
	v20 =	vmul.f32 v25, v7;
	v7 =	vmov v31  }
0x2f6: {  	[tilespmem:s6+$0x260] =	vst.add.f32.msk $0xffff, v22  }
0x2f7: {  	v22 =	vld [tilespmem:s29+$0xFFFFCFE0]  }
0x2f8: {  	v24 =	vld [tilespmem:s29+$0xFFFFFE50];
	v21 =	vmul.f32 v21, v17  }
0x2f9: {  	v23 =	vmul.f32 v23, v18;
	v25 =	vld [tilespmem:s7+$0xFFFFFF00]  }
0x2fa: {  	[tilespmem:s0+$0xE0] =	vst.add.f32.msk $0xffff, v21;
	v21 =	vmul.f32 s10, v4  }
0x2fb: {  	[tilespmem:s0+$0x1A0] =	vst.add.f32.msk $0xffff, v23  }
0x2fc: {  	v23 =	vld [tilespmem:s29+$0xFFFFFED0];
	v22 =	vmul.f32 v22, v21  }
0x2fd: {  	v24 =	vmul.f32 v24, v16;
	v26 =	vld [tilespmem:s29+$0xFFFFFF50]  }
0x2fe: {  	[tilespmem:s0+$0x270] =	vst.add.f32.msk $0xffff, v22;
	v16 =	vmul.f32 v25, v8;
	v8 =	vmov v32  }
0x2ff: {  	v22 =	vld [tilespmem:s29+$0xFFFFFFE0]  }
0x300: {  	[tilespmem:s6+$0x20] =	vst.add.f32.msk $0xffff, v24  }
0x301: {  	v24 =	vld [tilespmem:s29+$0xFFFFCE60];
	v17 =	vmul.f32 v23, v17  }
0x302: {  	v18 =	vmul.f32 v26, v18;
	v23 =	vld [tilespmem:s7+$0xFFFFFF80];
	s7 =	smov.u32 s29  }
0x303: {  	[tilespmem:s6+$0xE0] =	vst.add.f32.msk $0xffff, v17  }
0x304: {  	[tilespmem:s6+$0x1A0] =	vst.add.f32.msk $0xffff, v18;
	v17 =	vmul.f32 v22, v21  }
0x305: {  	v18 =	vld [tilespmem:s29+$0xFFFFCEE0]  }
0x306: {  	v21 =	vmul.f32 v24, v15;
	[tilespmem:s6+$0x270] =	vst.add.f32.msk $0xffff, v17  }
0x307: {  	v22 =	vld [tilespmem:s29+$0xFFFFCFF0];
	v17 =	vmul.f32 v23, v9;
	v9 =	vmov v19  }
0x308: {  	v19 =	vld [tilespmem:s29+$0xFFFFCF60]  }
0x309: {  	[tilespmem:s0+$0x30] =	vst.add.f32.msk $0xffff, v21  }
0x30a: {  	v23 =	vmul.f32 s10, v5;
	v21 =	vld [tilespmem:s29+$0xFFFFFE60];
	v18 =	vmul.f32 v18, v14  }
0x30b: {  	[tilespmem:s25+$0x50] =	vst.add.f32.msk $0xffff, v20  }
0x30c: {  	[tilespmem:s0+$0xF0] =	vst.add.f32.msk $0xffff, v18;
	v18 =	vmul.f32 v22, v23  }
0x30d: {  	v20 =	vld [tilespmem:s29+$0xFFFFFEE0];
	v19 =	vmul.f32 v19, v13  }
0x30e: {  	[tilespmem:s0+$0x280] =	vst.add.f32.msk $0xffff, v18  }
0x30f: {  	v18 =	vmul.f32 v21, v15;
	v21 =	vld [tilespmem:s29+$0xFFFFFFF0]  }
.Ltmp12:
0x310: {  	[tilespmem:s0+$0x1B0] =	vst.add.f32.msk $0xffff, v19;
	(pc) =	sbr.rel @p0 .LBB2_13-.Ltmp12, $4  }
0x311: {  	v15 =	vld [tilespmem:s29+$0xFFFFFF60]  }
0x312: {  	[tilespmem:s6+$0x30] =	vst.add.f32.msk $0xffff, v18;
	v18 =	vmul.f32 v20, v14  }
0x313: {  	v14 =	vld [tilespmem:s29+$0xFFFFCE70]  }
0x314: {  	s20 =	sadd.s32 $0x4, s20;
	[tilespmem:s6+$0xF0] =	vst.add.f32.msk $0xffff, v18;
	v18 =	vmul.f32 v21, v23  }
0x315: {  	_ = 	snop  }
0x316: {  	v13 =	vmul.f32 v15, v13  }
0x317: {  	v51 =	vld [tilespmem:s29+$0xFFFFCEF0]  }
0x318: {  	[tilespmem:s6+$0x1B0] =	vst.add.f32.msk $0xffff, v13  }
0x319: {  	v52 =	vld [tilespmem:s29+$0xFFFFCF70]  }
0x31a: {  	v14 =	vmul.f32 v14, v12;
	_ =	sdelay $0x1  }
0x31b: {  	[tilespmem:s0+$0x40] =	vst.add.f32.msk $0xffff, v14;
	v13 =	vmul.f32 v51, v11  }
0x31c: {  	v14 =	vld [tilespmem:s29+$0xFFFFFE70]  }
0x31d: {  	[tilespmem:s0+$0x100] =	vst.add.f32.msk $0xffff, v13;
	v15 =	vmul.f32 v52, v10  }
0x31e: {  	v13 =	vld [tilespmem:s29+$0xFFFFFEF0]  }
0x31f: {  	[tilespmem:s0+$0x1C0] =	vst.add.f32.msk $0xffff, v15  }
0x320: {  	v15 =	vld [tilespmem:s29+$0xFFFFFF70]  }
0x321: {  	[tilespmem:s6+$0x280] =	vst.add.f32.msk $0xffff, v18;
	v53 =	vmul.f32 v14, v12  }
0x322: {  	v54 =	vld [tilespmem:s29+$0xFFFFD000]  }
0x323: {  	[tilespmem:s6+$0x40] =	vst.add.f32.msk $0xffff, v53;
	v55 =	vmul.f32 v13, v11  }
0x324: {  	v12 =	vld [tilespmem:s29+$0xFFFFCE80]  }
0x325: {  	v57 =	vmul.f32 s10, v6;
	[tilespmem:s6+$0x100] =	vst.add.f32.msk $0xffff, v55;
	v56 =	vmul.f32 v15, v10  }
0x326: {  	v11 =	vld [tilespmem:s7+$0xFFFFCF00]  }
0x327: {  	v14 =	vmul.f32 v54, v57;
	[tilespmem:s6+$0x1C0] =	vst.add.f32.msk $0xffff, v56  }
0x328: {  	v58 =	vld [tilespmem:s7+$0xFFFFCF80]  }
0x329: {  	[tilespmem:s0+$0x290] =	vst.add.f32.msk $0xffff, v14;
	v12 =	vmul.f32 v12, v7  }
0x32a: {  	v14 =	vld [tilespmem:s29+$0x0]  }
0x32b: {  	v11 =	vmul.f32 v11, v8;
	[tilespmem:s0+$0x50] =	vst.add.f32.msk $0xffff, v12  }
0x32c: {  	v60 =	vld [tilespmem:s7+$0xFFFFFE80]  }
0x32d: {  	[tilespmem:s0+$0x110] =	vst.add.f32.msk $0xffff, v11;
	v59 =	vmul.f32 v58, v9  }
0x32e: {  	v61 =	vld [tilespmem:s7+$0xFFFFFF00]  }
0x32f: {  	[tilespmem:s0+$0x1D0] =	vst.add.f32.msk $0xffff, v59  }
0x330: {  	v62 =	vld [tilespmem:s7+$0xFFFFFF80];
	_ =	sdelay $0x1  }
0x331: {  	[tilespmem:s25+$0x110] =	vst.add.f32.msk $0xffff, v16;
	v10 =	vmul.f32 v14, v57  }
.Ltmp13:
0x332: {  	[tilespmem:s25+$0x1D0] =	vst.add.f32.msk $0xffff, v17;
	v7 =	vmul.f32 v60, v7;
	(pc) =	sbr.rel .LBB2_15-.Ltmp13, $4  }
0x333: {  	[tilespmem:s6+$0x290] =	vst.add.f32.msk $0xffff, v10;
	v8 =	vmul.f32 v61, v8  }
0x334: {  	[tilespmem:s6+$0x50] =	vst.add.f32.msk $0xffff, v7;
	v63 =	vmul.f32 v62, v9  }
0x335: {  	[tilespmem:s6+$0x110] =	vst.add.f32.msk $0xffff, v8  }
0x336: {  	[tilespmem:s6+$0x1D0] =	vst.add.f32.msk $0xffff, v63  }
.LBB2_18:
0x337: {  	_ =	sfence.sel $0x180000  }
0x338: {  	[bflag:$0x0] =	sbarrier.arrive $0xFFFF  }
0x339: {  	_ =	strace $0x90000047  }
0x33a: {  	s0 =	stileid.u32;
	[bflag:$0x2] =	sbarrier.arrive $0xFFFF  }
0x33b: {  	p0 =	sne.s32 s0, $0x0;
	s0 =	rddreg [dreg:$0x3]  }
0x33c: {  	s0 =	sadd.s32 @!p0 $0x100000, s0  }
0x33d: {  	[sflag:s0] =	ssyncadd.tile.s32 @!p0 $0x1;
	_ =	shalt  }
.Lfunc_end2:
_tile_overlayer_lowered:
.L_overlay_start_2:
0x33e: {  	(tag) =	ssettag $0x2  }
0x33f: {  	s0 =	rddreg [dreg:$0x0];
	s2 =	stileid.u32  }
0x340: {  	s1 =	rddreg [dreg:$0x1];
	p0 =	sne.s32 s2, $0x0  }
0x341: {  	s3 =	rddreg [dreg:$0x2];
	[bflag:$0x3] =	sbarrier.arrive $0xFFFF;
	s2 =	simm.s32 @!p0 $0x1C03  }
0x342: {  	[timem:s3], [sflag:s2] =	dma.local @!p0 [hbm:s0], s1  }
0x343: {  	s0 =	simm.s32 @!p0 $0x3  }
0x344: {  	_ =	swait.ge @!p0 [sflag:s0], s1  }
0x345: {  	s1 =	ssub.s32 @!p0 $0x0, s1;
	[sflag:s0] =	ssyncset.done @!p0 $0x0  }
0x346: {  	[sflag:s0] =	ssyncadd.s32 @!p0 s1  }
0x347: {  	[bflag:$0x3] =	sbarrier.arrive $0xFFFF  }
0x348: {  	_ =	shalt  }

</sc_bundles>
